<compile_context>
chip_gen: v7x
topology: tpu7x:2x2x1
jax: 0.10.2.dev20260603
libtpu: 0.0.44.dev20260713+nightly
codegen_flags: <defaults>
</compile_context>

<pallas_src>
import functools

import jax
import jax.numpy as jnp
from jax import lax
from jax.experimental import pallas as pl
from jax.experimental.pallas import tpu as pltpu
from jax.experimental.pallas import tpu_sc as plsc

N = 10000
H = 128
OFF = 2
E = 320000
NC, NS = 2, 16
NW = NC * NS
NPAD = 10240
RPT = NPAD // NS
CH = 128
EPT = 10240
K = EPT // CH
EPAD = EPT * NW
SPT = 8192 // NW
HH = 64
AC = 64
AK = EPT // AC


def _fill2d(ref, rows, val):
    cols = ref.shape[1] // 16
    v = jnp.full((16,), val, jnp.float32)

    def body(i, _):
        for c in range(cols):
            ref[i, pl.ds(c * 16, 16)] = v
        return 0

    lax.fori_loop(0, rows, body, 0)


@functools.cache
def _sc_kernels():
    mesh = plsc.VectorSubcoreMesh(
        core_axis_name="c", subcore_axis_name="s",
        num_cores=NC, num_subcores=NS)

    @functools.partial(
        pl.kernel,
        out_type=jax.ShapeDtypeStruct((NW, NPAD), jnp.float32),
        mesh=mesh,
        scratch_types=[
            pltpu.VMEM((K, CH), jnp.int32),
            pltpu.VMEM((NPAD,), jnp.float32),
        ],
        compiler_params=pltpu.CompilerParams(needs_layout_passes=False),
    )
    def deg_kernel(dst_hbm, deg_hbm, dst_v, hist):
        c = lax.axis_index("c")
        s = lax.axis_index("s")
        wid = s * NC + c
        zero = jnp.zeros((16,), jnp.float32)
        one = jnp.ones((16,), jnp.float32)

        def zbody(i, _):
            hist[pl.ds(i * 16, 16)] = zero
            return 0

        lax.fori_loop(0, NPAD // 16, zbody, 0)
        pltpu.sync_copy(dst_hbm.at[wid], dst_v)

        def body(j, _):
            for c8 in range(CH // 16):
                idx = dst_v[j, pl.ds(c8 * 16, 16)]
                plsc.addupdate_scatter(hist, [idx], one)
            return 0

        lax.fori_loop(0, K, body, 0)
        pltpu.sync_copy(hist, deg_hbm.at[wid])

    NF = H // HH

    @functools.partial(
        pl.kernel,
        out_type=jax.ShapeDtypeStruct((NC, NPAD, H), jnp.float32),
        mesh=mesh,
        scratch_types=[
            pltpu.VMEM((AK, AC), jnp.int32),
            pltpu.VMEM((AK, AC), jnp.int32),
            pltpu.VMEM((8, AC, HH), jnp.float32),
            pltpu.VMEM((CH, HH), jnp.float32),
            pltpu.VMEM_SHARED((NPAD, HH), jnp.float32),
            [pltpu.SemaphoreType.DMA] * 8,
            [pltpu.SemaphoreType.DMA] * 8,
        ],
        compiler_params=pltpu.CompilerParams(use_tc_tiling_on_sc=False),
    )
    def agg_kernel(hs_hbm, src_hbm, dst_hbm, part_hbm,
                   src_v, dst_v, bufs, zbuf, acc, gsems, ssems):
        c = lax.axis_index("c")
        s = lax.axis_index("s")
        wid = s * NC + c
        _fill2d(zbuf, CH, 0.0)
        pltpu.sync_copy(dst_hbm.at[wid], dst_v)

        NQ = AK // 4

        for f in range(NF):
            half = hs_hbm
            pltpu.sync_copy(src_hbm.at[f, wid], src_v)
            for r in range(RPT // CH):
                pltpu.sync_copy(zbuf, acc.at[pl.ds(s * RPT + r * CH, CH)])
            plsc.subcore_barrier()

            for b in range(4):
                pltpu.async_copy(
                    half.at[src_v.at[b]], bufs.at[b], gsems[b])
            for b in range(4):
                pltpu.async_copy(
                    half.at[src_v.at[4 + b]], bufs.at[4 + b], gsems[4 + b])

            def body(qp, _):
                for hq in range(2):
                    q = 2 * qp + hq
                    aset = 4 * hq
                    j0 = 4 * q
                    for b in range(4):
                        j = j0 + b
                        slot = aset + b
                        pltpu.make_async_copy(
                            half.at[src_v.at[j]], bufs.at[slot],
                            gsems[slot]).wait()
                        pltpu.async_copy(
                            bufs.at[slot], acc.at[dst_v.at[j]],
                            ssems[slot], add=True)
                    @pl.when(q < NQ - 2)
                    def _():
                        for b in range(4):
                            j = j0 + b
                            slot = aset + b
                            pltpu.make_async_copy(
                                bufs.at[slot], acc.at[dst_v.at[j]],
                                ssems[slot]).wait()
                            pltpu.async_copy(
                                half.at[src_v.at[j + 8]], bufs.at[slot],
                                gsems[slot])
                return 0

            lax.fori_loop(0, NQ // 2, body, 0)
            for qq in (NQ - 2, NQ - 1):
                for b in range(4):
                    j = 4 * qq + b
                    slot = (qq % 2) * 4 + b
                    pltpu.make_async_copy(
                        bufs.at[slot], acc.at[dst_v.at[j]],
                        ssems[slot]).wait()
            plsc.subcore_barrier()
            pltpu.sync_copy(acc.at[pl.ds(s * RPT, RPT)],
                            part_hbm.at[c, pl.ds(s * RPT, RPT),
                                        pl.ds(f * HH, HH)])

    @functools.partial(
        pl.kernel,
        out_type=jax.ShapeDtypeStruct((8192, H), jnp.float32),
        mesh=mesh,
        scratch_types=[
            pltpu.VMEM((SPT // CH, CH), jnp.int32),
            pltpu.VMEM((CH, H), jnp.float32),
            pltpu.VMEM((CH, H), jnp.float32),
            pltpu.SemaphoreType.DMA,
            pltpu.SemaphoreType.DMA,
        ],
    )
    def seq_kernel(ztab_hbm, idx_hbm, out_hbm,
                   idx_v, buf_a, buf_b, sem_a, sem_b):
        c = lax.axis_index("c")
        s = lax.axis_index("s")
        wid = s * NC + c
        pltpu.sync_copy(idx_hbm.at[wid], idx_v)
        pltpu.async_copy(ztab_hbm.at[idx_v.at[0]], buf_a, sem_a)
        pltpu.async_copy(ztab_hbm.at[idx_v.at[1]], buf_b, sem_b)
        pltpu.make_async_copy(ztab_hbm.at[idx_v.at[0]], buf_a, sem_a).wait()
        pltpu.sync_copy(buf_a, out_hbm.at[pl.ds(wid * SPT, CH)])
        pltpu.make_async_copy(ztab_hbm.at[idx_v.at[1]], buf_b, sem_b).wait()
        pltpu.sync_copy(buf_b, out_hbm.at[pl.ds(wid * SPT + CH, CH)])

    return deg_kernel, agg_kernel, seq_kernel


RB = 1024
GRID = NPAD // RB


def _dinv_of(deg_col):
    return lax.rsqrt(deg_col + 1.0)


NF = H // HH


def _prep_body(x_ref, w_ref, deg_ref, out_ref):
    dinv = _dinv_of(deg_ref[...])
    h = jnp.dot(x_ref[...], w_ref[...], preferred_element_type=jnp.float32)
    out_ref[...] = h * dinv


def _mid_body(p_ref, hs_ref, deg_ref, b_ref, w_ref, a_ref, hs_out_ref):
    dinv = _dinv_of(deg_ref[...])
    agg = p_ref[0] + p_ref[1] + hs_ref[...]
    a = agg * dinv + b_ref[...]
    a_ref[...] = a
    h2 = jnp.dot(jnp.maximum(a, 0.0), w_ref[...],
                 preferred_element_type=jnp.float32)
    hs_out_ref[...] = h2 * dinv


_row_spec = pl.BlockSpec((RB, H), lambda i: (i, 0))
_deg_spec = pl.BlockSpec((RB, 1), lambda i: (i, 0))
_w_spec = pl.BlockSpec((H, H), lambda i: (0, 0))
_b_spec = pl.BlockSpec((1, H), lambda i: (0, 0))
_p_spec = pl.BlockSpec((NC, RB, H), lambda i: (0, i, 0))
_vec_out = jax.ShapeDtypeStruct((NPAD, H), jnp.float32)

_prep_call = pl.pallas_call(
    _prep_body, grid=(GRID,), out_shape=_vec_out,
    in_specs=[_row_spec, _w_spec, _deg_spec], out_specs=_row_spec)

_mid_call = pl.pallas_call(
    _mid_body, grid=(GRID,), out_shape=(_vec_out, _vec_out),
    in_specs=[_p_spec, _row_spec, _deg_spec, _b_spec, _w_spec],
    out_specs=(_row_spec, _row_spec))


@jax.jit
def _run(ei, seq, table, W1, b1, W2, b2):
    deg_kernel, agg_kernel, seq_kernel = _sc_kernels()
    src = ei[0].astype(jnp.int32)
    dst = ei[1].astype(jnp.int32)
    pad = EPAD - E
    spread = N + jnp.arange(pad, dtype=jnp.int32) % (NPAD - N)
    src_p = jnp.concatenate([src, spread])
    dst_p = jnp.concatenate([dst, spread])
    dst_deg = dst_p.reshape(NW, K, CH)
    dst_agg = dst_p.reshape(NW, AK, AC)
    src4 = (src_p.reshape(NW, AK, AC) * NF)[None] + jnp.arange(
        NF, dtype=jnp.int32).reshape(NF, 1, 1, 1)

    x_pad = jnp.concatenate(
        [table[:N], jnp.zeros((NPAD - N, H), jnp.float32)])

    deg32 = deg_kernel(dst_deg)
    deg2 = deg32.sum(axis=0).reshape(NPAD, 1)

    bstack = jnp.stack([b1.reshape(1, H), b2.reshape(1, H)])

    hs = _prep_call(x_pad, W1, deg2)

    def _layer(i, carry):
        hs_c, _ = carry
        p = agg_kernel(hs_c.reshape(NPAD * NF, HH), src4, dst_agg)
        a, hs_n = _mid_call(p, hs_c, deg2, bstack[i], W2)
        return (hs_n, a)

    _, z = lax.fori_loop(0, 2, _layer, (hs, jnp.zeros((NPAD, H))))

    ztab = jnp.concatenate([z[:N], table[N:N + OFF]])
    sidx = seq.astype(jnp.int32)
    idx = jnp.where(sidx >= 0, sidx, sidx + OFF + N)
    idx = idx.reshape(NW, SPT // CH, CH)
    embs = seq_kernel(ztab, idx)
    return embs.reshape(seq.shape[0], seq.shape[1], H)


def kernel(ei, seq, table, W1, b1, W2, b2):
    return _run(ei, seq, table, W1, b1, W2, b2)

# --- scband reference (transcript-rebuilt; emitter-appended) ---
"""Pipeline reference for scband-gnnembedding-43989055045633 (READ-ONLY COPY).

The authoritative reference and input builder live on the scoring server;
editing this copy changes nothing except your own understanding.
"""

import jax, jax.numpy as jnp
import numpy as np

NUM_NODES = 10000
HIDDEN = 128
OFFSET = 2
E = 320000
B, L = 4, 2048


def _gcn_layer(x, src, dst, norm, W, b, n):
    h = x @ W
    msg = h[src] * norm[:, None]
    agg = jax.ops.segment_sum(msg, dst, num_segments=n)
    return agg + b


def setup_inputs(seed: int = 0) -> dict:
    key = jax.random.key(seed)
    k1, k2, k3, k4, k5 = jax.random.split(key, 5)
    ei = jax.random.randint(k1, (2, E), 0, NUM_NODES)
    seq = jax.random.randint(k2, (B, L), 0, NUM_NODES)
    table = jax.random.normal(k3, (OFFSET + NUM_NODES, HIDDEN), dtype=jnp.float32) * 0.02
    W1 = jax.random.normal(k4, (HIDDEN, HIDDEN), dtype=jnp.float32) / np.sqrt(HIDDEN)
    b1 = jnp.zeros((HIDDEN,), dtype=jnp.float32)
    W2 = jax.random.normal(k5, (HIDDEN, HIDDEN), dtype=jnp.float32) / np.sqrt(HIDDEN)
    b2 = jnp.zeros((HIDDEN,), dtype=jnp.float32)
    return {"ei": ei, "seq": seq, "table": table, "W1": W1, "b1": b1, "W2": W2, "b2": b2}


def reference(ei, seq, table, W1, b1, W2, b2):
    n = NUM_NODES
    # x = word_embeddings(arange(num_nodes))
    x = table[:n]
    src, dst = ei[0], ei[1]
    loop = jnp.arange(n, dtype=src.dtype)
    src_sl = jnp.concatenate([src, loop])
    dst_sl = jnp.concatenate([dst, loop])
    deg = jax.ops.segment_sum(jnp.ones_like(dst_sl, dtype=jnp.float32), dst_sl, num_segments=n)
    dinv = jnp.where(deg > 0, 1.0 / jnp.sqrt(deg), 0.0)
    norm = dinv[src_sl] * dinv[dst_sl]
    # 2-layer GCN with ReLU between layers (assumed GCN implementation)
    h = _gcn_layer(x, src_sl, dst_sl, norm, W1, b1, n)
    h = jax.nn.relu(h)
    z = _gcn_layer(h, src_sl, dst_sl, norm, W2, b2, n)
    # scatter node embeddings / special-token embeddings into seq positions
    node_mask = seq >= 0
    safe = jnp.where(node_mask, seq, 0)
    node_emb = z[safe]
    sp_idx = jnp.where(node_mask, 0, seq + OFFSET + n)
    sp_emb = table[sp_idx]
    embs = jnp.where(node_mask[..., None], node_emb, sp_emb)
    return embs

if __name__ == "__main__":
    import jax
    _d = setup_inputs()
    print(jax.jit(kernel)(*tuple(_d.values())))

</pallas_src>

<mosaic_0001>
#map = affine_map<(d0, d1) -> (0, 0, 0)>
#map1 = affine_map<(d0, d1) -> (0, 0)>
module attributes {stable_mosaic.version = 14 : i64} {
  func.func @deg_kernel(%arg0: i32, %arg1: i32, %arg2: memref<32x80x128xi32, #tpu.memory_space<hbm>>, %arg3: memref<32x10240xf32, #tpu.memory_space<hbm>>, %arg4: memref<80x128xi32, #tpu.memory_space<vmem>>, %arg5: memref<10240xf32, #tpu.memory_space<vmem>>) attributes {dimension_semantics = [#tpu.dimension_semantics<core_parallel>, #tpu.dimension_semantics<subcore_parallel>], iteration_bounds = array<i64: 2, 16>, scalar_prefetch = 0 : i64, scratch_operands = 2 : i64, tpu.core_type = #tpu.core_type<sc_vector_subcore>, window_params = [{transform_indices = #map}, {transform_indices = #map1}]} {
    %mul3A = arith.constant 2 : i32
    %mul3A_0 = arith.muli %arg1, %mul3A : i32
    %add3A = arith.addi %mul3A_0, %arg0 : i32
    %broadcast_in_dim3A = arith.constant 0.000000e+00 : f32
    %broadcast_in_dim3A_1 = vector.broadcast %broadcast_in_dim3A : f32 to vector<16xf32>
    %broadcast_in_dim3A_2 = arith.constant 1.000000e+00 : f32
    %broadcast_in_dim3A_3 = vector.broadcast %broadcast_in_dim3A_2 : f32 to vector<16xf32>
    %scan3A = arith.constant 0 : i32
    %scan3A_4 = arith.constant 0 : i32
    %scan3A_5 = arith.constant 640 : i32
    %scan3A_6 = arith.addi %scan3A_4, %scan3A_5 : i32
    %scan3A_7 = arith.constant 1 : i32
    %scan3A_8 = scf.for %scan3A_17 = %scan3A_4 to %scan3A_6 step %scan3A_7 iter_args(%scan3A_18 = %scan3A) -> (i32)  : i32 {
      %mul3A_19 = arith.constant 16 : i32
      %mul3A_20 = arith.muli %scan3A_17, %mul3A_19 : i32
      %swap3A = arith.index_cast %mul3A_20 : i32 to index
      %swap3A_21 = tpu.vector_load %arg5[%swap3A] {strides = array<i32>} : memref<10240xf32, #tpu.memory_space<vmem>>, vector<16xf32>,
      tpu.vector_store %arg5[%swap3A], %broadcast_in_dim3A_1 {strides = array<i32>} : memref<10240xf32, #tpu.memory_space<vmem>>, vector<16xf32>,
      %scan3A_22 = arith.constant 0 : i32
      scf.yield %scan3A_22 : i32
    }
    %scan3A_9 = arith.constant 640 : i32
    "tpu.region"() ({
      %run_scoped3A = tpu.sem_alloc : memref<!tpu.dma_semaphore, #tpu.memory_space<semaphore_mem>>
      %dma_start3A = arith.constant 0 : i32
      %dma_start3A_17 = arith.constant 0 : i32
      %dma_start3A_18 = tpu.memref_slice %arg2[%add3A, %dma_start3A, %dma_start3A_17] : memref<32x80x128xi32, #tpu.memory_space<hbm>> -> memref<1x80x128xi32, #tpu.memory_space<hbm>>
      %dma_start3A_19 = tpu.memref_squeeze %dma_start3A_18 : memref<1x80x128xi32, #tpu.memory_space<hbm>> -> memref<80x128xi32, #tpu.memory_space<hbm>>
      %dma_start3A_20 = arith.constant 0 : i32
      %dma_start3A_21 = arith.constant 0 : i32
      %dma_start3A_22 = tpu.memref_slice %arg2[%add3A, %dma_start3A_20, %dma_start3A_21] : memref<32x80x128xi32, #tpu.memory_space<hbm>> -> memref<1x80x128xi32, #tpu.memory_space<hbm>>
      %dma_start3A_23 = tpu.memref_squeeze %dma_start3A_22 : memref<1x80x128xi32, #tpu.memory_space<hbm>> -> memref<80x128xi32, #tpu.memory_space<hbm>>
      tpu.enqueue_dma source(%dma_start3A_23 : memref<80x128xi32, #tpu.memory_space<hbm>>) target(%arg4 : memref<80x128xi32, #tpu.memory_space<vmem>>) target_semaphore(%run_scoped3A : memref<!tpu.dma_semaphore, #tpu.memory_space<semaphore_mem>>)
      %dma_wait3A = arith.constant 0 : i32
      %dma_wait3A_24 = arith.constant 0 : i32
      %dma_wait3A_25 = tpu.memref_slice %arg2[%add3A, %dma_wait3A, %dma_wait3A_24] : memref<32x80x128xi32, #tpu.memory_space<hbm>> -> memref<1x80x128xi32, #tpu.memory_space<hbm>>
      %dma_wait3A_26 = tpu.memref_squeeze %dma_wait3A_25 : memref<1x80x128xi32, #tpu.memory_space<hbm>> -> memref<80x128xi32, #tpu.memory_space<hbm>>
      %dma_wait3A_27 = arith.constant 0 : i32
      %dma_wait3A_28 = arith.constant 0 : i32
      %dma_wait3A_29 = tpu.memref_slice %arg2[%add3A, %dma_wait3A_27, %dma_wait3A_28] : memref<32x80x128xi32, #tpu.memory_space<hbm>> -> memref<1x80x128xi32, #tpu.memory_space<hbm>>
      %dma_wait3A_30 = tpu.memref_squeeze %dma_wait3A_29 : memref<1x80x128xi32, #tpu.memory_space<hbm>> -> memref<80x128xi32, #tpu.memory_space<hbm>>
      tpu.wait_dma2 semaphore(%run_scoped3A : memref<!tpu.dma_semaphore, #tpu.memory_space<semaphore_mem>>) src(%dma_wait3A_30 : memref<80x128xi32, #tpu.memory_space<hbm>>) dst(%arg4 : memref<80x128xi32, #tpu.memory_space<vmem>>)
      tpu.yield
    }) : () -> ()
    %scan3A_10 = arith.constant 0 : i32
    %scan3A_11 = arith.constant 0 : i32
    %scan3A_12 = arith.constant 80 : i32
    %scan3A_13 = arith.addi %scan3A_11, %scan3A_12 : i32
    %scan3A_14 = arith.constant 1 : i32
    %scan3A_15 = scf.for %scan3A_17 = %scan3A_11 to %scan3A_13 step %scan3A_14 iter_args(%scan3A_18 = %scan3A_10) -> (i32)  : i32 {
      %get3A = arith.index_cast %scan3A_17 : i32 to index
      %get3A_19 = arith.constant 0 : index
      %get3A_20 = tpu.vector_load %arg4[%get3A, %get3A_19] {strides = array<i32>} : memref<80x128xi32, #tpu.memory_space<vmem>>, vector<16xi32>,
      tpu.vector_store_idx %arg5[%get3A_20], %broadcast_in_dim3A_3 {add = true} : memref<10240xf32, #tpu.memory_space<vmem>>[vector<16xi32>], vector<16xf32>,
      %get3A_21 = arith.index_cast %scan3A_17 : i32 to index
      %get3A_22 = arith.constant 16 : index
      %get3A_23 = tpu.vector_load %arg4[%get3A_21, %get3A_22] {strides = array<i32>} : memref<80x128xi32, #tpu.memory_space<vmem>>, vector<16xi32>,
      tpu.vector_store_idx %arg5[%get3A_23], %broadcast_in_dim3A_3 {add = true} : memref<10240xf32, #tpu.memory_space<vmem>>[vector<16xi32>], vector<16xf32>,
      %get3A_24 = arith.index_cast %scan3A_17 : i32 to index
      %get3A_25 = arith.constant 32 : index
      %get3A_26 = tpu.vector_load %arg4[%get3A_24, %get3A_25] {strides = array<i32>} : memref<80x128xi32, #tpu.memory_space<vmem>>, vector<16xi32>,
      tpu.vector_store_idx %arg5[%get3A_26], %broadcast_in_dim3A_3 {add = true} : memref<10240xf32, #tpu.memory_space<vmem>>[vector<16xi32>], vector<16xf32>,
      %get3A_27 = arith.index_cast %scan3A_17 : i32 to index
      %get3A_28 = arith.constant 48 : index
      %get3A_29 = tpu.vector_load %arg4[%get3A_27, %get3A_28] {strides = array<i32>} : memref<80x128xi32, #tpu.memory_space<vmem>>, vector<16xi32>,
      tpu.vector_store_idx %arg5[%get3A_29], %broadcast_in_dim3A_3 {add = true} : memref<10240xf32, #tpu.memory_space<vmem>>[vector<16xi32>], vector<16xf32>,
      %get3A_30 = arith.index_cast %scan3A_17 : i32 to index
      %get3A_31 = arith.constant 64 : index
      %get3A_32 = tpu.vector_load %arg4[%get3A_30, %get3A_31] {strides = array<i32>} : memref<80x128xi32, #tpu.memory_space<vmem>>, vector<16xi32>,
      tpu.vector_store_idx %arg5[%get3A_32], %broadcast_in_dim3A_3 {add = true} : memref<10240xf32, #tpu.memory_space<vmem>>[vector<16xi32>], vector<16xf32>,
      %get3A_33 = arith.index_cast %scan3A_17 : i32 to index
      %get3A_34 = arith.constant 80 : index
      %get3A_35 = tpu.vector_load %arg4[%get3A_33, %get3A_34] {strides = array<i32>} : memref<80x128xi32, #tpu.memory_space<vmem>>, vector<16xi32>,
      tpu.vector_store_idx %arg5[%get3A_35], %broadcast_in_dim3A_3 {add = true} : memref<10240xf32, #tpu.memory_space<vmem>>[vector<16xi32>], vector<16xf32>,
      %get3A_36 = arith.index_cast %scan3A_17 : i32 to index
      %get3A_37 = arith.constant 96 : index
      %get3A_38 = tpu.vector_load %arg4[%get3A_36, %get3A_37] {strides = array<i32>} : memref<80x128xi32, #tpu.memory_space<vmem>>, vector<16xi32>,
      tpu.vector_store_idx %arg5[%get3A_38], %broadcast_in_dim3A_3 {add = true} : memref<10240xf32, #tpu.memory_space<vmem>>[vector<16xi32>], vector<16xf32>,
      %get3A_39 = arith.index_cast %scan3A_17 : i32 to index
      %get3A_40 = arith.constant 112 : index
      %get3A_41 = tpu.vector_load %arg4[%get3A_39, %get3A_40] {strides = array<i32>} : memref<80x128xi32, #tpu.memory_space<vmem>>, vector<16xi32>,
      tpu.vector_store_idx %arg5[%get3A_41], %broadcast_in_dim3A_3 {add = true} : memref<10240xf32, #tpu.memory_space<vmem>>[vector<16xi32>], vector<16xf32>,
      %scan3A_42 = arith.constant 0 : i32
      scf.yield %scan3A_42 : i32
    }
    %scan3A_16 = arith.constant 80 : i32
    "tpu.region"() ({
      %run_scoped3A = tpu.sem_alloc : memref<!tpu.dma_semaphore, #tpu.memory_space<semaphore_mem>>
      %dma_start3A = arith.constant 0 : i32
      %dma_start3A_17 = tpu.memref_slice %arg3[%add3A, %dma_start3A] : memref<32x10240xf32, #tpu.memory_space<hbm>> -> memref<1x10240xf32, #tpu.memory_space<hbm>>
      %dma_start3A_18 = tpu.memref_squeeze %dma_start3A_17 : memref<1x10240xf32, #tpu.memory_space<hbm>> -> memref<10240xf32, #tpu.memory_space<hbm>>
      %dma_start3A_19 = arith.constant 0 : i32
      %dma_start3A_20 = tpu.memref_slice %arg3[%add3A, %dma_start3A_19] : memref<32x10240xf32, #tpu.memory_space<hbm>> -> memref<1x10240xf32, #tpu.memory_space<hbm>>
      %dma_start3A_21 = tpu.memref_squeeze %dma_start3A_20 : memref<1x10240xf32, #tpu.memory_space<hbm>> -> memref<10240xf32, #tpu.memory_space<hbm>>
      tpu.enqueue_dma source(%arg5 : memref<10240xf32, #tpu.memory_space<vmem>>) target(%dma_start3A_21 : memref<10240xf32, #tpu.memory_space<hbm>>) target_semaphore(%run_scoped3A : memref<!tpu.dma_semaphore, #tpu.memory_space<semaphore_mem>>)
      %dma_wait3A = arith.constant 0 : i32
      %dma_wait3A_22 = tpu.memref_slice %arg3[%add3A, %dma_wait3A] : memref<32x10240xf32, #tpu.memory_space<hbm>> -> memref<1x10240xf32, #tpu.memory_space<hbm>>
      %dma_wait3A_23 = tpu.memref_squeeze %dma_wait3A_22 : memref<1x10240xf32, #tpu.memory_space<hbm>> -> memref<10240xf32, #tpu.memory_space<hbm>>
      %dma_wait3A_24 = arith.constant 0 : i32
      %dma_wait3A_25 = tpu.memref_slice %arg3[%add3A, %dma_wait3A_24] : memref<32x10240xf32, #tpu.memory_space<hbm>> -> memref<1x10240xf32, #tpu.memory_space<hbm>>
      %dma_wait3A_26 = tpu.memref_squeeze %dma_wait3A_25 : memref<1x10240xf32, #tpu.memory_space<hbm>> -> memref<10240xf32, #tpu.memory_space<hbm>>
      tpu.wait_dma2 semaphore(%run_scoped3A : memref<!tpu.dma_semaphore, #tpu.memory_space<semaphore_mem>>) src(%arg5 : memref<10240xf32, #tpu.memory_space<vmem>>) dst(%dma_wait3A_26 : memref<10240xf32, #tpu.memory_space<hbm>>)
      tpu.yield
    }) : () -> ()
    return
  }
}

#map = affine_map<(d0, d1) -> (0, 0)>
#map1 = affine_map<(d0, d1) -> (0, 0, 0)>
module attributes {stable_mosaic.version = 14 : i64} {
  func.func @seq_kernel(%arg0: i32, %arg1: i32, %arg2: memref<10002x128xf32, #tpu.memory_space<hbm>>, %arg3: memref<32x2x128xi32, #tpu.memory_space<hbm>>, %arg4: memref<8192x128xf32, #tpu.memory_space<hbm>>, %arg5: memref<2x128xi32, #tpu.memory_space<vmem>>, %arg6: memref<128x128xf32, #tpu.memory_space<vmem>>, %arg7: memref<128x128xf32, #tpu.memory_space<vmem>>, %arg8: memref<!tpu.dma_semaphore, #tpu.memory_space<semaphore_mem>>, %arg9: memref<!tpu.dma_semaphore, #tpu.memory_space<semaphore_mem>>) attributes {dimension_semantics = [#tpu.dimension_semantics<core_parallel>, #tpu.dimension_semantics<subcore_parallel>], iteration_bounds = array<i64: 2, 16>, scalar_prefetch = 0 : i64, scratch_operands = 5 : i64, tpu.core_type = #tpu.core_type<sc_vector_subcore>, window_params = [{transform_indices = #map}, {transform_indices = #map1}, {transform_indices = #map}]} {
    %mul3A = arith.constant 2 : i32
    %mul3A_0 = arith.muli %arg1, %mul3A : i32
    %add3A = arith.addi %mul3A_0, %arg0 : i32
    "tpu.region"() ({
      %run_scoped3A = tpu.sem_alloc : memref<!tpu.dma_semaphore, #tpu.memory_space<semaphore_mem>>
      %dma_start3A_33 = arith.constant 0 : i32
      %dma_start3A_34 = arith.constant 0 : i32
      %dma_start3A_35 = tpu.memref_slice %arg3[%add3A, %dma_start3A_33, %dma_start3A_34] : memref<32x2x128xi32, #tpu.memory_space<hbm>> -> memref<1x2x128xi32, #tpu.memory_space<hbm>>
      %dma_start3A_36 = tpu.memref_squeeze %dma_start3A_35 : memref<1x2x128xi32, #tpu.memory_space<hbm>> -> memref<2x128xi32, #tpu.memory_space<hbm>>
      %dma_start3A_37 = arith.constant 0 : i32
      %dma_start3A_38 = arith.constant 0 : i32
      %dma_start3A_39 = tpu.memref_slice %arg3[%add3A, %dma_start3A_37, %dma_start3A_38] : memref<32x2x128xi32, #tpu.memory_space<hbm>> -> memref<1x2x128xi32, #tpu.memory_space<hbm>>
      %dma_start3A_40 = tpu.memref_squeeze %dma_start3A_39 : memref<1x2x128xi32, #tpu.memory_space<hbm>> -> memref<2x128xi32, #tpu.memory_space<hbm>>
      tpu.enqueue_dma source(%dma_start3A_40 : memref<2x128xi32, #tpu.memory_space<hbm>>) target(%arg5 : memref<2x128xi32, #tpu.memory_space<vmem>>) target_semaphore(%run_scoped3A : memref<!tpu.dma_semaphore, #tpu.memory_space<semaphore_mem>>)
      %dma_wait3A_41 = arith.constant 0 : i32
      %dma_wait3A_42 = arith.constant 0 : i32
      %dma_wait3A_43 = tpu.memref_slice %arg3[%add3A, %dma_wait3A_41, %dma_wait3A_42] : memref<32x2x128xi32, #tpu.memory_space<hbm>> -> memref<1x2x128xi32, #tpu.memory_space<hbm>>
      %dma_wait3A_44 = tpu.memref_squeeze %dma_wait3A_43 : memref<1x2x128xi32, #tpu.memory_space<hbm>> -> memref<2x128xi32, #tpu.memory_space<hbm>>
      %dma_wait3A_45 = arith.constant 0 : i32
      %dma_wait3A_46 = arith.constant 0 : i32
      %dma_wait3A_47 = tpu.memref_slice %arg3[%add3A, %dma_wait3A_45, %dma_wait3A_46] : memref<32x2x128xi32, #tpu.memory_space<hbm>> -> memref<1x2x128xi32, #tpu.memory_space<hbm>>
      %dma_wait3A_48 = tpu.memref_squeeze %dma_wait3A_47 : memref<1x2x128xi32, #tpu.memory_space<hbm>> -> memref<2x128xi32, #tpu.memory_space<hbm>>
      tpu.wait_dma2 semaphore(%run_scoped3A : memref<!tpu.dma_semaphore, #tpu.memory_space<semaphore_mem>>) src(%dma_wait3A_48 : memref<2x128xi32, #tpu.memory_space<hbm>>) dst(%arg5 : memref<2x128xi32, #tpu.memory_space<vmem>>)
      tpu.yield
    }) : () -> ()
    %dma_start3A = arith.constant 0 : i32
    %dma_start3A_1 = arith.constant 0 : i32
    %dma_start3A_2 = tpu.memref_slice %arg5[%dma_start3A, %dma_start3A_1] : memref<2x128xi32, #tpu.memory_space<vmem>> -> memref<1x128xi32, #tpu.memory_space<vmem>>
    %dma_start3A_3 = tpu.memref_squeeze %dma_start3A_2 : memref<1x128xi32, #tpu.memory_space<vmem>> -> memref<128xi32, #tpu.memory_space<vmem>>
    %dma_start3A_4 = arith.constant 0 : i32
    %dma_start3A_5 = arith.constant 0 : i32
    %dma_start3A_6 = tpu.memref_slice %arg2[%dma_start3A_4, %dma_start3A_5] : memref<10002x128xf32, #tpu.memory_space<hbm>> -> memref<10002x128xf32, #tpu.memory_space<hbm>>
    tpu.enqueue_indirect_dma source(%dma_start3A_6 : memref<10002x128xf32, #tpu.memory_space<hbm>>) target(%arg6 : memref<128x128xf32, #tpu.memory_space<vmem>>) offsets(%dma_start3A_3 : memref<128xi32, #tpu.memory_space<vmem>>) semaphore(%arg8 : memref<!tpu.dma_semaphore, #tpu.memory_space<semaphore_mem>>)
    %dma_start3A_7 = arith.constant 1 : i32
    %dma_start3A_8 = arith.constant 0 : i32
    %dma_start3A_9 = tpu.memref_slice %arg5[%dma_start3A_7, %dma_start3A_8] : memref<2x128xi32, #tpu.memory_space<vmem>> -> memref<1x128xi32, #tpu.memory_space<vmem>>
    %dma_start3A_10 = tpu.memref_squeeze %dma_start3A_9 : memref<1x128xi32, #tpu.memory_space<vmem>> -> memref<128xi32, #tpu.memory_space<vmem>>
    %dma_start3A_11 = arith.constant 0 : i32
    %dma_start3A_12 = arith.constant 0 : i32
    %dma_start3A_13 = tpu.memref_slice %arg2[%dma_start3A_11, %dma_start3A_12] : memref<10002x128xf32, #tpu.memory_space<hbm>> -> memref<10002x128xf32, #tpu.memory_space<hbm>>
    tpu.enqueue_indirect_dma source(%dma_start3A_13 : memref<10002x128xf32, #tpu.memory_space<hbm>>) target(%arg7 : memref<128x128xf32, #tpu.memory_space<vmem>>) offsets(%dma_start3A_10 : memref<128xi32, #tpu.memory_space<vmem>>) semaphore(%arg9 : memref<!tpu.dma_semaphore, #tpu.memory_space<semaphore_mem>>)
    %dma_wait3A = arith.constant 0 : i32
    %dma_wait3A_14 = arith.constant 0 : i32
    %dma_wait3A_15 = tpu.memref_slice %arg5[%dma_wait3A, %dma_wait3A_14] : memref<2x128xi32, #tpu.memory_space<vmem>> -> memref<1x128xi32, #tpu.memory_space<vmem>>
    %dma_wait3A_16 = tpu.memref_squeeze %dma_wait3A_15 : memref<1x128xi32, #tpu.memory_space<vmem>> -> memref<128xi32, #tpu.memory_space<vmem>>
    %dma_wait3A_17 = arith.constant 0 : i32
    %dma_wait3A_18 = arith.constant 0 : i32
    %dma_wait3A_19 = tpu.memref_slice %arg2[%dma_wait3A_17, %dma_wait3A_18] : memref<10002x128xf32, #tpu.memory_space<hbm>> -> memref<10002x128xf32, #tpu.memory_space<hbm>>
    tpu.wait_indirect_dma semaphore(%arg8 : memref<!tpu.dma_semaphore, #tpu.memory_space<semaphore_mem>>) src(%dma_wait3A_19 : memref<10002x128xf32, #tpu.memory_space<hbm>>) dst(%arg6 : memref<128x128xf32, #tpu.memory_space<vmem>>)
    %mul3A_20 = arith.constant 256 : i32
    %mul3A_21 = arith.muli %add3A, %mul3A_20 : i32
    "tpu.region"() ({
      %run_scoped3A = tpu.sem_alloc : memref<!tpu.dma_semaphore, #tpu.memory_space<semaphore_mem>>
      %dma_start3A_33 = arith.constant 0 : i32
      %dma_start3A_34 = tpu.memref_slice %arg4[%mul3A_21, %dma_start3A_33] : memref<8192x128xf32, #tpu.memory_space<hbm>> -> memref<128x128xf32, #tpu.memory_space<hbm>>
      %dma_start3A_35 = arith.constant 0 : i32
      %dma_start3A_36 = tpu.memref_slice %arg4[%mul3A_21, %dma_start3A_35] : memref<8192x128xf32, #tpu.memory_space<hbm>> -> memref<128x128xf32, #tpu.memory_space<hbm>>
      tpu.enqueue_dma source(%arg6 : memref<128x128xf32, #tpu.memory_space<vmem>>) target(%dma_start3A_36 : memref<128x128xf32, #tpu.memory_space<hbm>>) target_semaphore(%run_scoped3A : memref<!tpu.dma_semaphore, #tpu.memory_space<semaphore_mem>>)
      %dma_wait3A_37 = arith.constant 0 : i32
      %dma_wait3A_38 = tpu.memref_slice %arg4[%mul3A_21, %dma_wait3A_37] : memref<8192x128xf32, #tpu.memory_space<hbm>> -> memref<128x128xf32, #tpu.memory_space<hbm>>
      %dma_wait3A_39 = arith.constant 0 : i32
      %dma_wait3A_40 = tpu.memref_slice %arg4[%mul3A_21, %dma_wait3A_39] : memref<8192x128xf32, #tpu.memory_space<hbm>> -> memref<128x128xf32, #tpu.memory_space<hbm>>
      tpu.wait_dma2 semaphore(%run_scoped3A : memref<!tpu.dma_semaphore, #tpu.memory_space<semaphore_mem>>) src(%arg6 : memref<128x128xf32, #tpu.memory_space<vmem>>) dst(%dma_wait3A_40 : memref<128x128xf32, #tpu.memory_space<hbm>>)
      tpu.yield
    }) : () -> ()
    %dma_wait3A_22 = arith.constant 1 : i32
    %dma_wait3A_23 = arith.constant 0 : i32
    %dma_wait3A_24 = tpu.memref_slice %arg5[%dma_wait3A_22, %dma_wait3A_23] : memref<2x128xi32, #tpu.memory_space<vmem>> -> memref<1x128xi32, #tpu.memory_space<vmem>>
    %dma_wait3A_25 = tpu.memref_squeeze %dma_wait3A_24 : memref<1x128xi32, #tpu.memory_space<vmem>> -> memref<128xi32, #tpu.memory_space<vmem>>
    %dma_wait3A_26 = arith.constant 0 : i32
    %dma_wait3A_27 = arith.constant 0 : i32
    %dma_wait3A_28 = tpu.memref_slice %arg2[%dma_wait3A_26, %dma_wait3A_27] : memref<10002x128xf32, #tpu.memory_space<hbm>> -> memref<10002x128xf32, #tpu.memory_space<hbm>>
    tpu.wait_indirect_dma semaphore(%arg9 : memref<!tpu.dma_semaphore, #tpu.memory_space<semaphore_mem>>) src(%dma_wait3A_28 : memref<10002x128xf32, #tpu.memory_space<hbm>>) dst(%arg7 : memref<128x128xf32, #tpu.memory_space<vmem>>)
    %mul3A_29 = arith.constant 256 : i32
    %mul3A_30 = arith.muli %add3A, %mul3A_29 : i32
    %add3A_31 = arith.constant 128 : i32
    %add3A_32 = arith.addi %mul3A_30, %add3A_31 : i32
    "tpu.region"() ({
      %run_scoped3A = tpu.sem_alloc : memref<!tpu.dma_semaphore, #tpu.memory_space<semaphore_mem>>
      %dma_start3A_33 = arith.constant 0 : i32
      %dma_start3A_34 = tpu.memref_slice %arg4[%add3A_32, %dma_start3A_33] : memref<8192x128xf32, #tpu.memory_space<hbm>> -> memref<128x128xf32, #tpu.memory_space<hbm>>
      %dma_start3A_35 = arith.constant 0 : i32
      %dma_start3A_36 = tpu.memref_slice %arg4[%add3A_32, %dma_start3A_35] : memref<8192x128xf32, #tpu.memory_space<hbm>> -> memref<128x128xf32, #tpu.memory_space<hbm>>
      tpu.enqueue_dma source(%arg7 : memref<128x128xf32, #tpu.memory_space<vmem>>) target(%dma_start3A_36 : memref<128x128xf32, #tpu.memory_space<hbm>>) target_semaphore(%run_scoped3A : memref<!tpu.dma_semaphore, #tpu.memory_space<semaphore_mem>>)
      %dma_wait3A_37 = arith.constant 0 : i32
      %dma_wait3A_38 = tpu.memref_slice %arg4[%add3A_32, %dma_wait3A_37] : memref<8192x128xf32, #tpu.memory_space<hbm>> -> memref<128x128xf32, #tpu.memory_space<hbm>>
      %dma_wait3A_39 = arith.constant 0 : i32
      %dma_wait3A_40 = tpu.memref_slice %arg4[%add3A_32, %dma_wait3A_39] : memref<8192x128xf32, #tpu.memory_space<hbm>> -> memref<128x128xf32, #tpu.memory_space<hbm>>
      tpu.wait_dma2 semaphore(%run_scoped3A : memref<!tpu.dma_semaphore, #tpu.memory_space<semaphore_mem>>) src(%arg7 : memref<128x128xf32, #tpu.memory_space<vmem>>) dst(%dma_wait3A_40 : memref<128x128xf32, #tpu.memory_space<hbm>>)
      tpu.yield
    }) : () -> ()
    return
  }
}

#map = affine_map<(d0, d1) -> (0, 0)>
#map1 = affine_map<(d0, d1) -> (0, 0, 0, 0)>
#map2 = affine_map<(d0, d1) -> (0, 0, 0)>
module attributes {stable_mosaic.version = 14 : i64} {
  func.func @agg_kernel(%arg0: i32, %arg1: i32, %arg2: memref<20480x64xf32, #tpu.memory_space<hbm>>, %arg3: memref<2x32x160x64xi32, #tpu.memory_space<hbm>>, %arg4: memref<32x160x64xi32, #tpu.memory_space<hbm>>, %arg5: memref<2x10240x128xf32, #tpu.memory_space<hbm>>, %arg6: memref<160x64xi32, #tpu.memory_space<vmem>>, %arg7: memref<160x64xi32, #tpu.memory_space<vmem>>, %arg8: memref<8x64x64xf32, #tpu.memory_space<vmem>>, %arg9: memref<128x64xf32, #tpu.memory_space<vmem>>, %arg10: memref<10240x64xf32, #tpu.memory_space<vmem_shared>>, %arg11: memref<!tpu.dma_semaphore, #tpu.memory_space<semaphore_mem>>, %arg12: memref<!tpu.dma_semaphore, #tpu.memory_space<semaphore_mem>>, %arg13: memref<!tpu.dma_semaphore, #tpu.memory_space<semaphore_mem>>, %arg14: memref<!tpu.dma_semaphore, #tpu.memory_space<semaphore_mem>>, %arg15: memref<!tpu.dma_semaphore, #tpu.memory_space<semaphore_mem>>, %arg16: memref<!tpu.dma_semaphore, #tpu.memory_space<semaphore_mem>>, %arg17: memref<!tpu.dma_semaphore, #tpu.memory_space<semaphore_mem>>, %arg18: memref<!tpu.dma_semaphore, #tpu.memory_space<semaphore_mem>>, %arg19: memref<!tpu.dma_semaphore, #tpu.memory_space<semaphore_mem>>, %arg20: memref<!tpu.dma_semaphore, #tpu.memory_space<semaphore_mem>>, %arg21: memref<!tpu.dma_semaphore, #tpu.memory_space<semaphore_mem>>, %arg22: memref<!tpu.dma_semaphore, #tpu.memory_space<semaphore_mem>>, %arg23: memref<!tpu.dma_semaphore, #tpu.memory_space<semaphore_mem>>, %arg24: memref<!tpu.dma_semaphore, #tpu.memory_space<semaphore_mem>>, %arg25: memref<!tpu.dma_semaphore, #tpu.memory_space<semaphore_mem>>, %arg26: memref<!tpu.dma_semaphore, #tpu.memory_space<semaphore_mem>>) attributes {dimension_semantics = [#tpu.dimension_semantics<core_parallel>, #tpu.dimension_semantics<subcore_parallel>], iteration_bounds = array<i64: 2, 16>, scalar_prefetch = 0 : i64, scratch_operands = 21 : i64, tpu.core_type = #tpu.core_type<sc_vector_subcore>, window_params = [{transform_indices = #map}, {transform_indices = #map1}, {transform_indices = #map2}, {transform_indices = #map2}]} {
    %mul3A = arith.constant 2 : i32
    %mul3A_0 = arith.muli %arg1, %mul3A : i32
    %add3A = arith.addi %mul3A_0, %arg0 : i32
    %broadcast_in_dim3A = arith.constant 0.000000e+00 : f32
    %broadcast_in_dim3A_1 = vector.broadcast %broadcast_in_dim3A : f32 to vector<16xf32>
    %scan3A = arith.constant 0 : i32
    %scan3A_2 = arith.constant 0 : i32
    %scan3A_3 = arith.constant 128 : i32
    %scan3A_4 = arith.addi %scan3A_2, %scan3A_3 : i32
    %scan3A_5 = arith.constant 1 : i32
    %scan3A_6 = scf.for %scan3A_456 = %scan3A_2 to %scan3A_4 step %scan3A_5 iter_args(%scan3A_457 = %scan3A) -> (i32)  : i32 {
      %swap3A = arith.index_cast %scan3A_456 : i32 to index
      %swap3A_458 = arith.constant 0 : index
      %swap3A_459 = tpu.vector_load %arg9[%swap3A, %swap3A_458] {strides = array<i32>} : memref<128x64xf32, #tpu.memory_space<vmem>>, vector<1x16xf32>,
      %swap3A_460 = vector.shape_cast %swap3A_459 : vector<1x16xf32> to vector<16xf32>
      %swap3A_461 = vector.shape_cast %broadcast_in_dim3A_1 : vector<16xf32> to vector<1x16xf32>
      tpu.vector_store %arg9[%swap3A, %swap3A_458], %swap3A_461 {strides = array<i32>} : memref<128x64xf32, #tpu.memory_space<vmem>>, vector<1x16xf32>,
      %swap3A_462 = arith.index_cast %scan3A_456 : i32 to index
      %swap3A_463 = arith.constant 16 : index
      %swap3A_464 = tpu.vector_load %arg9[%swap3A_462, %swap3A_463] {strides = array<i32>} : memref<128x64xf32, #tpu.memory_space<vmem>>, vector<1x16xf32>,
      %swap3A_465 = vector.shape_cast %swap3A_464 : vector<1x16xf32> to vector<16xf32>
      %swap3A_466 = vector.shape_cast %broadcast_in_dim3A_1 : vector<16xf32> to vector<1x16xf32>
      tpu.vector_store %arg9[%swap3A_462, %swap3A_463], %swap3A_466 {strides = array<i32>} : memref<128x64xf32, #tpu.memory_space<vmem>>, vector<1x16xf32>,
      %swap3A_467 = arith.index_cast %scan3A_456 : i32 to index
      %swap3A_468 = arith.constant 32 : index
      %swap3A_469 = tpu.vector_load %arg9[%swap3A_467, %swap3A_468] {strides = array<i32>} : memref<128x64xf32, #tpu.memory_space<vmem>>, vector<1x16xf32>,
      %swap3A_470 = vector.shape_cast %swap3A_469 : vector<1x16xf32> to vector<16xf32>
      %swap3A_471 = vector.shape_cast %broadcast_in_dim3A_1 : vector<16xf32> to vector<1x16xf32>
      tpu.vector_store %arg9[%swap3A_467, %swap3A_468], %swap3A_471 {strides = array<i32>} : memref<128x64xf32, #tpu.memory_space<vmem>>, vector<1x16xf32>,
      %swap3A_472 = arith.index_cast %scan3A_456 : i32 to index
      %swap3A_473 = arith.constant 48 : index
      %swap3A_474 = tpu.vector_load %arg9[%swap3A_472, %swap3A_473] {strides = array<i32>} : memref<128x64xf32, #tpu.memory_space<vmem>>, vector<1x16xf32>,
      %swap3A_475 = vector.shape_cast %swap3A_474 : vector<1x16xf32> to vector<16xf32>
      %swap3A_476 = vector.shape_cast %broadcast_in_dim3A_1 : vector<16xf32> to vector<1x16xf32>
      tpu.vector_store %arg9[%swap3A_472, %swap3A_473], %swap3A_476 {strides = array<i32>} : memref<128x64xf32, #tpu.memory_space<vmem>>, vector<1x16xf32>,
      %scan3A_477 = arith.constant 0 : i32
      scf.yield %scan3A_477 : i32
    }
    %scan3A_7 = arith.constant 128 : i32
    "tpu.region"() ({
      %run_scoped3A_456 = tpu.sem_alloc : memref<!tpu.dma_semaphore, #tpu.memory_space<semaphore_mem>>
      %dma_start3A_457 = arith.constant 0 : i32
      %dma_start3A_458 = arith.constant 0 : i32
      %dma_start3A_459 = tpu.memref_slice %arg4[%add3A, %dma_start3A_457, %dma_start3A_458] : memref<32x160x64xi32, #tpu.memory_space<hbm>> -> memref<1x160x64xi32, #tpu.memory_space<hbm>>
      %dma_start3A_460 = tpu.memref_squeeze %dma_start3A_459 : memref<1x160x64xi32, #tpu.memory_space<hbm>> -> memref<160x64xi32, #tpu.memory_space<hbm>>
      %dma_start3A_461 = arith.constant 0 : i32
      %dma_start3A_462 = arith.constant 0 : i32
      %dma_start3A_463 = tpu.memref_slice %arg4[%add3A, %dma_start3A_461, %dma_start3A_462] : memref<32x160x64xi32, #tpu.memory_space<hbm>> -> memref<1x160x64xi32, #tpu.memory_space<hbm>>
      %dma_start3A_464 = tpu.memref_squeeze %dma_start3A_463 : memref<1x160x64xi32, #tpu.memory_space<hbm>> -> memref<160x64xi32, #tpu.memory_space<hbm>>
      tpu.enqueue_dma source(%dma_start3A_464 : memref<160x64xi32, #tpu.memory_space<hbm>>) target(%arg7 : memref<160x64xi32, #tpu.memory_space<vmem>>) target_semaphore(%run_scoped3A_456 : memref<!tpu.dma_semaphore, #tpu.memory_space<semaphore_mem>>)
      %dma_wait3A_465 = arith.constant 0 : i32
      %dma_wait3A_466 = arith.constant 0 : i32
      %dma_wait3A_467 = tpu.memref_slice %arg4[%add3A, %dma_wait3A_465, %dma_wait3A_466] : memref<32x160x64xi32, #tpu.memory_space<hbm>> -> memref<1x160x64xi32, #tpu.memory_space<hbm>>
      %dma_wait3A_468 = tpu.memref_squeeze %dma_wait3A_467 : memref<1x160x64xi32, #tpu.memory_space<hbm>> -> memref<160x64xi32, #tpu.memory_space<hbm>>
      %dma_wait3A_469 = arith.constant 0 : i32
      %dma_wait3A_470 = arith.constant 0 : i32
      %dma_wait3A_471 = tpu.memref_slice %arg4[%add3A, %dma_wait3A_469, %dma_wait3A_470] : memref<32x160x64xi32, #tpu.memory_space<hbm>> -> memref<1x160x64xi32, #tpu.memory_space<hbm>>
      %dma_wait3A_472 = tpu.memref_squeeze %dma_wait3A_471 : memref<1x160x64xi32, #tpu.memory_space<hbm>> -> memref<160x64xi32, #tpu.memory_space<hbm>>
      tpu.wait_dma2 semaphore(%run_scoped3A_456 : memref<!tpu.dma_semaphore, #tpu.memory_space<semaphore_mem>>) src(%dma_wait3A_472 : memref<160x64xi32, #tpu.memory_space<hbm>>) dst(%arg7 : memref<160x64xi32, #tpu.memory_space<vmem>>)
      tpu.yield
    }) : () -> ()
    %run_scoped3A = arith.constant 0 : i32
    "tpu.region"() ({
      %run_scoped3A_456 = tpu.sem_alloc : memref<!tpu.dma_semaphore, #tpu.memory_space<semaphore_mem>>
      %dma_start3A_457 = arith.constant 0 : i32
      %dma_start3A_458 = arith.constant 0 : i32
      %dma_start3A_459 = tpu.memref_slice %arg3[%run_scoped3A, %add3A, %dma_start3A_457, %dma_start3A_458] : memref<2x32x160x64xi32, #tpu.memory_space<hbm>> -> memref<1x1x160x64xi32, #tpu.memory_space<hbm>>
      %dma_start3A_460 = tpu.memref_squeeze %dma_start3A_459 : memref<1x1x160x64xi32, #tpu.memory_space<hbm>> -> memref<160x64xi32, #tpu.memory_space<hbm>>
      %dma_start3A_461 = arith.constant 0 : i32
      %dma_start3A_462 = arith.constant 0 : i32
      %dma_start3A_463 = tpu.memref_slice %arg3[%run_scoped3A, %add3A, %dma_start3A_461, %dma_start3A_462] : memref<2x32x160x64xi32, #tpu.memory_space<hbm>> -> memref<1x1x160x64xi32, #tpu.memory_space<hbm>>
      %dma_start3A_464 = tpu.memref_squeeze %dma_start3A_463 : memref<1x1x160x64xi32, #tpu.memory_space<hbm>> -> memref<160x64xi32, #tpu.memory_space<hbm>>
      tpu.enqueue_dma source(%dma_start3A_464 : memref<160x64xi32, #tpu.memory_space<hbm>>) target(%arg6 : memref<160x64xi32, #tpu.memory_space<vmem>>) target_semaphore(%run_scoped3A_456 : memref<!tpu.dma_semaphore, #tpu.memory_space<semaphore_mem>>)
      %dma_wait3A_465 = arith.constant 0 : i32
      %dma_wait3A_466 = arith.constant 0 : i32
      %dma_wait3A_467 = tpu.memref_slice %arg3[%run_scoped3A, %add3A, %dma_wait3A_465, %dma_wait3A_466] : memref<2x32x160x64xi32, #tpu.memory_space<hbm>> -> memref<1x1x160x64xi32, #tpu.memory_space<hbm>>
      %dma_wait3A_468 = tpu.memref_squeeze %dma_wait3A_467 : memref<1x1x160x64xi32, #tpu.memory_space<hbm>> -> memref<160x64xi32, #tpu.memory_space<hbm>>
      %dma_wait3A_469 = arith.constant 0 : i32
      %dma_wait3A_470 = arith.constant 0 : i32
      %dma_wait3A_471 = tpu.memref_slice %arg3[%run_scoped3A, %add3A, %dma_wait3A_469, %dma_wait3A_470] : memref<2x32x160x64xi32, #tpu.memory_space<hbm>> -> memref<1x1x160x64xi32, #tpu.memory_space<hbm>>
      %dma_wait3A_472 = tpu.memref_squeeze %dma_wait3A_471 : memref<1x1x160x64xi32, #tpu.memory_space<hbm>> -> memref<160x64xi32, #tpu.memory_space<hbm>>
      tpu.wait_dma2 semaphore(%run_scoped3A_456 : memref<!tpu.dma_semaphore, #tpu.memory_space<semaphore_mem>>) src(%dma_wait3A_472 : memref<160x64xi32, #tpu.memory_space<hbm>>) dst(%arg6 : memref<160x64xi32, #tpu.memory_space<vmem>>)
      tpu.yield
    }) : () -> ()
    %mul3A_8 = arith.constant 640 : i32
    %mul3A_9 = arith.muli %arg1, %mul3A_8 : i32
    %add3A_10 = arith.constant 0 : i32
    %add3A_11 = arith.addi %mul3A_9, %add3A_10 : i32
    "tpu.region"() ({
      %run_scoped3A_456 = tpu.sem_alloc : memref<!tpu.dma_semaphore, #tpu.memory_space<semaphore_mem>>
      %dma_start3A_457 = arith.constant 0 : i32
      %dma_start3A_458 = tpu.memref_slice %arg10[%add3A_11, %dma_start3A_457] : memref<10240x64xf32, #tpu.memory_space<vmem_shared>> -> memref<128x64xf32, #tpu.memory_space<vmem_shared>>
      %dma_start3A_459 = arith.constant 0 : i32
      %dma_start3A_460 = tpu.memref_slice %arg10[%add3A_11, %dma_start3A_459] : memref<10240x64xf32, #tpu.memory_space<vmem_shared>> -> memref<128x64xf32, #tpu.memory_space<vmem_shared>>
      tpu.enqueue_dma source(%arg9 : memref<128x64xf32, #tpu.memory_space<vmem>>) target(%dma_start3A_460 : memref<128x64xf32, #tpu.memory_space<vmem_shared>>) target_semaphore(%run_scoped3A_456 : memref<!tpu.dma_semaphore, #tpu.memory_space<semaphore_mem>>)
      %dma_wait3A_461 = arith.constant 0 : i32
      %dma_wait3A_462 = tpu.memref_slice %arg10[%add3A_11, %dma_wait3A_461] : memref<10240x64xf32, #tpu.memory_space<vmem_shared>> -> memref<128x64xf32, #tpu.memory_space<vmem_shared>>
      %dma_wait3A_463 = arith.constant 0 : i32
      %dma_wait3A_464 = tpu.memref_slice %arg10[%add3A_11, %dma_wait3A_463] : memref<10240x64xf32, #tpu.memory_space<vmem_shared>> -> memref<128x64xf32, #tpu.memory_space<vmem_shared>>
      tpu.wait_dma2 semaphore(%run_scoped3A_456 : memref<!tpu.dma_semaphore, #tpu.memory_space<semaphore_mem>>) src(%arg9 : memref<128x64xf32, #tpu.memory_space<vmem>>) dst(%dma_wait3A_464 : memref<128x64xf32, #tpu.memory_space<vmem_shared>>)
      tpu.yield
    }) : () -> ()
    %mul3A_12 = arith.constant 640 : i32
    %mul3A_13 = arith.muli %arg1, %mul3A_12 : i32
    %add3A_14 = arith.constant 128 : i32
    %add3A_15 = arith.addi %mul3A_13, %add3A_14 : i32
    "tpu.region"() ({
      %run_scoped3A_456 = tpu.sem_alloc : memref<!tpu.dma_semaphore, #tpu.memory_space<semaphore_mem>>
      %dma_start3A_457 = arith.constant 0 : i32
      %dma_start3A_458 = tpu.memref_slice %arg10[%add3A_15, %dma_start3A_457] : memref<10240x64xf32, #tpu.memory_space<vmem_shared>> -> memref<128x64xf32, #tpu.memory_space<vmem_shared>>
      %dma_start3A_459 = arith.constant 0 : i32
      %dma_start3A_460 = tpu.memref_slice %arg10[%add3A_15, %dma_start3A_459] : memref<10240x64xf32, #tpu.memory_space<vmem_shared>> -> memref<128x64xf32, #tpu.memory_space<vmem_shared>>
      tpu.enqueue_dma source(%arg9 : memref<128x64xf32, #tpu.memory_space<vmem>>) target(%dma_start3A_460 : memref<128x64xf32, #tpu.memory_space<vmem_shared>>) target_semaphore(%run_scoped3A_456 : memref<!tpu.dma_semaphore, #tpu.memory_space<semaphore_mem>>)
      %dma_wait3A_461 = arith.constant 0 : i32
      %dma_wait3A_462 = tpu.memref_slice %arg10[%add3A_15, %dma_wait3A_461] : memref<10240x64xf32, #tpu.memory_space<vmem_shared>> -> memref<128x64xf32, #tpu.memory_space<vmem_shared>>
      %dma_wait3A_463 = arith.constant 0 : i32
      %dma_wait3A_464 = tpu.memref_slice %arg10[%add3A_15, %dma_wait3A_463] : memref<10240x64xf32, #tpu.memory_space<vmem_shared>> -> memref<128x64xf32, #tpu.memory_space<vmem_shared>>
      tpu.wait_dma2 semaphore(%run_scoped3A_456 : memref<!tpu.dma_semaphore, #tpu.memory_space<semaphore_mem>>) src(%arg9 : memref<128x64xf32, #tpu.memory_space<vmem>>) dst(%dma_wait3A_464 : memref<128x64xf32, #tpu.memory_space<vmem_shared>>)
      tpu.yield
    }) : () -> ()
    %mul3A_16 = arith.constant 640 : i32
    %mul3A_17 = arith.muli %arg1, %mul3A_16 : i32
    %add3A_18 = arith.constant 256 : i32
    %add3A_19 = arith.addi %mul3A_17, %add3A_18 : i32
    "tpu.region"() ({
      %run_scoped3A_456 = tpu.sem_alloc : memref<!tpu.dma_semaphore, #tpu.memory_space<semaphore_mem>>
      %dma_start3A_457 = arith.constant 0 : i32
      %dma_start3A_458 = tpu.memref_slice %arg10[%add3A_19, %dma_start3A_457] : memref<10240x64xf32, #tpu.memory_space<vmem_shared>> -> memref<128x64xf32, #tpu.memory_space<vmem_shared>>
      %dma_start3A_459 = arith.constant 0 : i32
      %dma_start3A_460 = tpu.memref_slice %arg10[%add3A_19, %dma_start3A_459] : memref<10240x64xf32, #tpu.memory_space<vmem_shared>> -> memref<128x64xf32, #tpu.memory_space<vmem_shared>>
      tpu.enqueue_dma source(%arg9 : memref<128x64xf32, #tpu.memory_space<vmem>>) target(%dma_start3A_460 : memref<128x64xf32, #tpu.memory_space<vmem_shared>>) target_semaphore(%run_scoped3A_456 : memref<!tpu.dma_semaphore, #tpu.memory_space<semaphore_mem>>)
      %dma_wait3A_461 = arith.constant 0 : i32
      %dma_wait3A_462 = tpu.memref_slice %arg10[%add3A_19, %dma_wait3A_461] : memref<10240x64xf32, #tpu.memory_space<vmem_shared>> -> memref<128x64xf32, #tpu.memory_space<vmem_shared>>
      %dma_wait3A_463 = arith.constant 0 : i32
      %dma_wait3A_464 = tpu.memref_slice %arg10[%add3A_19, %dma_wait3A_463] : memref<10240x64xf32, #tpu.memory_space<vmem_shared>> -> memref<128x64xf32, #tpu.memory_space<vmem_shared>>
      tpu.wait_dma2 semaphore(%run_scoped3A_456 : memref<!tpu.dma_semaphore, #tpu.memory_space<semaphore_mem>>) src(%arg9 : memref<128x64xf32, #tpu.memory_space<vmem>>) dst(%dma_wait3A_464 : memref<128x64xf32, #tpu.memory_space<vmem_shared>>)
      tpu.yield
    }) : () -> ()
    %mul3A_20 = arith.constant 640 : i32
    %mul3A_21 = arith.muli %arg1, %mul3A_20 : i32
    %add3A_22 = arith.constant 384 : i32
    %add3A_23 = arith.addi %mul3A_21, %add3A_22 : i32
    "tpu.region"() ({
      %run_scoped3A_456 = tpu.sem_alloc : memref<!tpu.dma_semaphore, #tpu.memory_space<semaphore_mem>>
      %dma_start3A_457 = arith.constant 0 : i32
      %dma_start3A_458 = tpu.memref_slice %arg10[%add3A_23, %dma_start3A_457] : memref<10240x64xf32, #tpu.memory_space<vmem_shared>> -> memref<128x64xf32, #tpu.memory_space<vmem_shared>>
      %dma_start3A_459 = arith.constant 0 : i32
      %dma_start3A_460 = tpu.memref_slice %arg10[%add3A_23, %dma_start3A_459] : memref<10240x64xf32, #tpu.memory_space<vmem_shared>> -> memref<128x64xf32, #tpu.memory_space<vmem_shared>>
      tpu.enqueue_dma source(%arg9 : memref<128x64xf32, #tpu.memory_space<vmem>>) target(%dma_start3A_460 : memref<128x64xf32, #tpu.memory_space<vmem_shared>>) target_semaphore(%run_scoped3A_456 : memref<!tpu.dma_semaphore, #tpu.memory_space<semaphore_mem>>)
      %dma_wait3A_461 = arith.constant 0 : i32
      %dma_wait3A_462 = tpu.memref_slice %arg10[%add3A_23, %dma_wait3A_461] : memref<10240x64xf32, #tpu.memory_space<vmem_shared>> -> memref<128x64xf32, #tpu.memory_space<vmem_shared>>
      %dma_wait3A_463 = arith.constant 0 : i32
      %dma_wait3A_464 = tpu.memref_slice %arg10[%add3A_23, %dma_wait3A_463] : memref<10240x64xf32, #tpu.memory_space<vmem_shared>> -> memref<128x64xf32, #tpu.memory_space<vmem_shared>>
      tpu.wait_dma2 semaphore(%run_scoped3A_456 : memref<!tpu.dma_semaphore, #tpu.memory_space<semaphore_mem>>) src(%arg9 : memref<128x64xf32, #tpu.memory_space<vmem>>) dst(%dma_wait3A_464 : memref<128x64xf32, #tpu.memory_space<vmem_shared>>)
      tpu.yield
    }) : () -> ()
    %mul3A_24 = arith.constant 640 : i32
    %mul3A_25 = arith.muli %arg1, %mul3A_24 : i32
    %add3A_26 = arith.constant 512 : i32
    %add3A_27 = arith.addi %mul3A_25, %add3A_26 : i32
    "tpu.region"() ({
      %run_scoped3A_456 = tpu.sem_alloc : memref<!tpu.dma_semaphore, #tpu.memory_space<semaphore_mem>>
      %dma_start3A_457 = arith.constant 0 : i32
      %dma_start3A_458 = tpu.memref_slice %arg10[%add3A_27, %dma_start3A_457] : memref<10240x64xf32, #tpu.memory_space<vmem_shared>> -> memref<128x64xf32, #tpu.memory_space<vmem_shared>>
      %dma_start3A_459 = arith.constant 0 : i32
      %dma_start3A_460 = tpu.memref_slice %arg10[%add3A_27, %dma_start3A_459] : memref<10240x64xf32, #tpu.memory_space<vmem_shared>> -> memref<128x64xf32, #tpu.memory_space<vmem_shared>>
      tpu.enqueue_dma source(%arg9 : memref<128x64xf32, #tpu.memory_space<vmem>>) target(%dma_start3A_460 : memref<128x64xf32, #tpu.memory_space<vmem_shared>>) target_semaphore(%run_scoped3A_456 : memref<!tpu.dma_semaphore, #tpu.memory_space<semaphore_mem>>)
      %dma_wait3A_461 = arith.constant 0 : i32
      %dma_wait3A_462 = tpu.memref_slice %arg10[%add3A_27, %dma_wait3A_461] : memref<10240x64xf32, #tpu.memory_space<vmem_shared>> -> memref<128x64xf32, #tpu.memory_space<vmem_shared>>
      %dma_wait3A_463 = arith.constant 0 : i32
      %dma_wait3A_464 = tpu.memref_slice %arg10[%add3A_27, %dma_wait3A_463] : memref<10240x64xf32, #tpu.memory_space<vmem_shared>> -> memref<128x64xf32, #tpu.memory_space<vmem_shared>>
      tpu.wait_dma2 semaphore(%run_scoped3A_456 : memref<!tpu.dma_semaphore, #tpu.memory_space<semaphore_mem>>) src(%arg9 : memref<128x64xf32, #tpu.memory_space<vmem>>) dst(%dma_wait3A_464 : memref<128x64xf32, #tpu.memory_space<vmem_shared>>)
      tpu.yield
    }) : () -> ()
    %barrier3A = arith.constant 0 : index
    tpu.barrier barrier_id(%barrier3A)
    %dma_start3A = arith.constant 0 : i32
    %dma_start3A_28 = arith.constant 0 : i32
    %dma_start3A_29 = arith.constant 0 : i32
    %dma_start3A_30 = arith.constant 0 : i32
    %dma_start3A_31 = tpu.memref_slice %arg8[%dma_start3A_28, %dma_start3A_29, %dma_start3A_30] : memref<8x64x64xf32, #tpu.memory_space<vmem>> -> memref<1x64x64xf32, #tpu.memory_space<vmem>>
    %dma_start3A_32 = tpu.memref_squeeze %dma_start3A_31 : memref<1x64x64xf32, #tpu.memory_space<vmem>> -> memref<64x64xf32, #tpu.memory_space<vmem>>
    %dma_start3A_33 = arith.constant 0 : i32
    %dma_start3A_34 = tpu.memref_slice %arg6[%dma_start3A, %dma_start3A_33] : memref<160x64xi32, #tpu.memory_space<vmem>> -> memref<1x64xi32, #tpu.memory_space<vmem>>
    %dma_start3A_35 = tpu.memref_squeeze %dma_start3A_34 : memref<1x64xi32, #tpu.memory_space<vmem>> -> memref<64xi32, #tpu.memory_space<vmem>>
    %dma_start3A_36 = arith.constant 0 : i32
    %dma_start3A_37 = arith.constant 0 : i32
    %dma_start3A_38 = tpu.memref_slice %arg2[%dma_start3A_36, %dma_start3A_37] : memref<20480x64xf32, #tpu.memory_space<hbm>> -> memref<20480x64xf32, #tpu.memory_space<hbm>>
    tpu.enqueue_indirect_dma source(%dma_start3A_38 : memref<20480x64xf32, #tpu.memory_space<hbm>>) target(%dma_start3A_32 : memref<64x64xf32, #tpu.memory_space<vmem>>) offsets(%dma_start3A_35 : memref<64xi32, #tpu.memory_space<vmem>>) semaphore(%arg11 : memref<!tpu.dma_semaphore, #tpu.memory_space<semaphore_mem>>)
    %dma_start3A_39 = arith.constant 1 : i32
    %dma_start3A_40 = arith.constant 1 : i32
    %dma_start3A_41 = arith.constant 0 : i32
    %dma_start3A_42 = arith.constant 0 : i32
    %dma_start3A_43 = tpu.memref_slice %arg8[%dma_start3A_40, %dma_start3A_41, %dma_start3A_42] : memref<8x64x64xf32, #tpu.memory_space<vmem>> -> memref<1x64x64xf32, #tpu.memory_space<vmem>>
    %dma_start3A_44 = tpu.memref_squeeze %dma_start3A_43 : memref<1x64x64xf32, #tpu.memory_space<vmem>> -> memref<64x64xf32, #tpu.memory_space<vmem>>
    %dma_start3A_45 = arith.constant 0 : i32
    %dma_start3A_46 = tpu.memref_slice %arg6[%dma_start3A_39, %dma_start3A_45] : memref<160x64xi32, #tpu.memory_space<vmem>> -> memref<1x64xi32, #tpu.memory_space<vmem>>
    %dma_start3A_47 = tpu.memref_squeeze %dma_start3A_46 : memref<1x64xi32, #tpu.memory_space<vmem>> -> memref<64xi32, #tpu.memory_space<vmem>>
    %dma_start3A_48 = arith.constant 0 : i32
    %dma_start3A_49 = arith.constant 0 : i32
    %dma_start3A_50 = tpu.memref_slice %arg2[%dma_start3A_48, %dma_start3A_49] : memref<20480x64xf32, #tpu.memory_space<hbm>> -> memref<20480x64xf32, #tpu.memory_space<hbm>>
    tpu.enqueue_indirect_dma source(%dma_start3A_50 : memref<20480x64xf32, #tpu.memory_space<hbm>>) target(%dma_start3A_44 : memref<64x64xf32, #tpu.memory_space<vmem>>) offsets(%dma_start3A_47 : memref<64xi32, #tpu.memory_space<vmem>>) semaphore(%arg12 : memref<!tpu.dma_semaphore, #tpu.memory_space<semaphore_mem>>)
    %dma_start3A_51 = arith.constant 2 : i32
    %dma_start3A_52 = arith.constant 2 : i32
    %dma_start3A_53 = arith.constant 0 : i32
    %dma_start3A_54 = arith.constant 0 : i32
    %dma_start3A_55 = tpu.memref_slice %arg8[%dma_start3A_52, %dma_start3A_53, %dma_start3A_54] : memref<8x64x64xf32, #tpu.memory_space<vmem>> -> memref<1x64x64xf32, #tpu.memory_space<vmem>>
    %dma_start3A_56 = tpu.memref_squeeze %dma_start3A_55 : memref<1x64x64xf32, #tpu.memory_space<vmem>> -> memref<64x64xf32, #tpu.memory_space<vmem>>
    %dma_start3A_57 = arith.constant 0 : i32
    %dma_start3A_58 = tpu.memref_slice %arg6[%dma_start3A_51, %dma_start3A_57] : memref<160x64xi32, #tpu.memory_space<vmem>> -> memref<1x64xi32, #tpu.memory_space<vmem>>
    %dma_start3A_59 = tpu.memref_squeeze %dma_start3A_58 : memref<1x64xi32, #tpu.memory_space<vmem>> -> memref<64xi32, #tpu.memory_space<vmem>>
    %dma_start3A_60 = arith.constant 0 : i32
    %dma_start3A_61 = arith.constant 0 : i32
    %dma_start3A_62 = tpu.memref_slice %arg2[%dma_start3A_60, %dma_start3A_61] : memref<20480x64xf32, #tpu.memory_space<hbm>> -> memref<20480x64xf32, #tpu.memory_space<hbm>>
    tpu.enqueue_indirect_dma source(%dma_start3A_62 : memref<20480x64xf32, #tpu.memory_space<hbm>>) target(%dma_start3A_56 : memref<64x64xf32, #tpu.memory_space<vmem>>) offsets(%dma_start3A_59 : memref<64xi32, #tpu.memory_space<vmem>>) semaphore(%arg13 : memref<!tpu.dma_semaphore, #tpu.memory_space<semaphore_mem>>)
    %dma_start3A_63 = arith.constant 3 : i32
    %dma_start3A_64 = arith.constant 3 : i32
    %dma_start3A_65 = arith.constant 0 : i32
    %dma_start3A_66 = arith.constant 0 : i32
    %dma_start3A_67 = tpu.memref_slice %arg8[%dma_start3A_64, %dma_start3A_65, %dma_start3A_66] : memref<8x64x64xf32, #tpu.memory_space<vmem>> -> memref<1x64x64xf32, #tpu.memory_space<vmem>>
    %dma_start3A_68 = tpu.memref_squeeze %dma_start3A_67 : memref<1x64x64xf32, #tpu.memory_space<vmem>> -> memref<64x64xf32, #tpu.memory_space<vmem>>
    %dma_start3A_69 = arith.constant 0 : i32
    %dma_start3A_70 = tpu.memref_slice %arg6[%dma_start3A_63, %dma_start3A_69] : memref<160x64xi32, #tpu.memory_space<vmem>> -> memref<1x64xi32, #tpu.memory_space<vmem>>
    %dma_start3A_71 = tpu.memref_squeeze %dma_start3A_70 : memref<1x64xi32, #tpu.memory_space<vmem>> -> memref<64xi32, #tpu.memory_space<vmem>>
    %dma_start3A_72 = arith.constant 0 : i32
    %dma_start3A_73 = arith.constant 0 : i32
    %dma_start3A_74 = tpu.memref_slice %arg2[%dma_start3A_72, %dma_start3A_73] : memref<20480x64xf32, #tpu.memory_space<hbm>> -> memref<20480x64xf32, #tpu.memory_space<hbm>>
    tpu.enqueue_indirect_dma source(%dma_start3A_74 : memref<20480x64xf32, #tpu.memory_space<hbm>>) target(%dma_start3A_68 : memref<64x64xf32, #tpu.memory_space<vmem>>) offsets(%dma_start3A_71 : memref<64xi32, #tpu.memory_space<vmem>>) semaphore(%arg14 : memref<!tpu.dma_semaphore, #tpu.memory_space<semaphore_mem>>)
    %dma_start3A_75 = arith.constant 4 : i32
    %dma_start3A_76 = arith.constant 4 : i32
    %dma_start3A_77 = arith.constant 0 : i32
    %dma_start3A_78 = arith.constant 0 : i32
    %dma_start3A_79 = tpu.memref_slice %arg8[%dma_start3A_76, %dma_start3A_77, %dma_start3A_78] : memref<8x64x64xf32, #tpu.memory_space<vmem>> -> memref<1x64x64xf32, #tpu.memory_space<vmem>>
    %dma_start3A_80 = tpu.memref_squeeze %dma_start3A_79 : memref<1x64x64xf32, #tpu.memory_space<vmem>> -> memref<64x64xf32, #tpu.memory_space<vmem>>
    %dma_start3A_81 = arith.constant 0 : i32
    %dma_start3A_82 = tpu.memref_slice %arg6[%dma_start3A_75, %dma_start3A_81] : memref<160x64xi32, #tpu.memory_space<vmem>> -> memref<1x64xi32, #tpu.memory_space<vmem>>
    %dma_start3A_83 = tpu.memref_squeeze %dma_start3A_82 : memref<1x64xi32, #tpu.memory_space<vmem>> -> memref<64xi32, #tpu.memory_space<vmem>>
    %dma_start3A_84 = arith.constant 0 : i32
    %dma_start3A_85 = arith.constant 0 : i32
    %dma_start3A_86 = tpu.memref_slice %arg2[%dma_start3A_84, %dma_start3A_85] : memref<20480x64xf32, #tpu.memory_space<hbm>> -> memref<20480x64xf32, #tpu.memory_space<hbm>>
    tpu.enqueue_indirect_dma source(%dma_start3A_86 : memref<20480x64xf32, #tpu.memory_space<hbm>>) target(%dma_start3A_80 : memref<64x64xf32, #tpu.memory_space<vmem>>) offsets(%dma_start3A_83 : memref<64xi32, #tpu.memory_space<vmem>>) semaphore(%arg15 : memref<!tpu.dma_semaphore, #tpu.memory_space<semaphore_mem>>)
    %dma_start3A_87 = arith.constant 5 : i32
    %dma_start3A_88 = arith.constant 5 : i32
    %dma_start3A_89 = arith.constant 0 : i32
    %dma_start3A_90 = arith.constant 0 : i32
    %dma_start3A_91 = tpu.memref_slice %arg8[%dma_start3A_88, %dma_start3A_89, %dma_start3A_90] : memref<8x64x64xf32, #tpu.memory_space<vmem>> -> memref<1x64x64xf32, #tpu.memory_space<vmem>>
    %dma_start3A_92 = tpu.memref_squeeze %dma_start3A_91 : memref<1x64x64xf32, #tpu.memory_space<vmem>> -> memref<64x64xf32, #tpu.memory_space<vmem>>
    %dma_start3A_93 = arith.constant 0 : i32
    %dma_start3A_94 = tpu.memref_slice %arg6[%dma_start3A_87, %dma_start3A_93] : memref<160x64xi32, #tpu.memory_space<vmem>> -> memref<1x64xi32, #tpu.memory_space<vmem>>
    %dma_start3A_95 = tpu.memref_squeeze %dma_start3A_94 : memref<1x64xi32, #tpu.memory_space<vmem>> -> memref<64xi32, #tpu.memory_space<vmem>>
    %dma_start3A_96 = arith.constant 0 : i32
    %dma_start3A_97 = arith.constant 0 : i32
    %dma_start3A_98 = tpu.memref_slice %arg2[%dma_start3A_96, %dma_start3A_97] : memref<20480x64xf32, #tpu.memory_space<hbm>> -> memref<20480x64xf32, #tpu.memory_space<hbm>>
    tpu.enqueue_indirect_dma source(%dma_start3A_98 : memref<20480x64xf32, #tpu.memory_space<hbm>>) target(%dma_start3A_92 : memref<64x64xf32, #tpu.memory_space<vmem>>) offsets(%dma_start3A_95 : memref<64xi32, #tpu.memory_space<vmem>>) semaphore(%arg16 : memref<!tpu.dma_semaphore, #tpu.memory_space<semaphore_mem>>)
    %dma_start3A_99 = arith.constant 6 : i32
    %dma_start3A_100 = arith.constant 6 : i32
    %dma_start3A_101 = arith.constant 0 : i32
    %dma_start3A_102 = arith.constant 0 : i32
    %dma_start3A_103 = tpu.memref_slice %arg8[%dma_start3A_100, %dma_start3A_101, %dma_start3A_102] : memref<8x64x64xf32, #tpu.memory_space<vmem>> -> memref<1x64x64xf32, #tpu.memory_space<vmem>>
    %dma_start3A_104 = tpu.memref_squeeze %dma_start3A_103 : memref<1x64x64xf32, #tpu.memory_space<vmem>> -> memref<64x64xf32, #tpu.memory_space<vmem>>
    %dma_start3A_105 = arith.constant 0 : i32
    %dma_start3A_106 = tpu.memref_slice %arg6[%dma_start3A_99, %dma_start3A_105] : memref<160x64xi32, #tpu.memory_space<vmem>> -> memref<1x64xi32, #tpu.memory_space<vmem>>
    %dma_start3A_107 = tpu.memref_squeeze %dma_start3A_106 : memref<1x64xi32, #tpu.memory_space<vmem>> -> memref<64xi32, #tpu.memory_space<vmem>>
    %dma_start3A_108 = arith.constant 0 : i32
    %dma_start3A_109 = arith.constant 0 : i32
    %dma_start3A_110 = tpu.memref_slice %arg2[%dma_start3A_108, %dma_start3A_109] : memref<20480x64xf32, #tpu.memory_space<hbm>> -> memref<20480x64xf32, #tpu.memory_space<hbm>>
    tpu.enqueue_indirect_dma source(%dma_start3A_110 : memref<20480x64xf32, #tpu.memory_space<hbm>>) target(%dma_start3A_104 : memref<64x64xf32, #tpu.memory_space<vmem>>) offsets(%dma_start3A_107 : memref<64xi32, #tpu.memory_space<vmem>>) semaphore(%arg17 : memref<!tpu.dma_semaphore, #tpu.memory_space<semaphore_mem>>)
    %dma_start3A_111 = arith.constant 7 : i32
    %dma_start3A_112 = arith.constant 7 : i32
    %dma_start3A_113 = arith.constant 0 : i32
    %dma_start3A_114 = arith.constant 0 : i32
    %dma_start3A_115 = tpu.memref_slice %arg8[%dma_start3A_112, %dma_start3A_113, %dma_start3A_114] : memref<8x64x64xf32, #tpu.memory_space<vmem>> -> memref<1x64x64xf32, #tpu.memory_space<vmem>>
    %dma_start3A_116 = tpu.memref_squeeze %dma_start3A_115 : memref<1x64x64xf32, #tpu.memory_space<vmem>> -> memref<64x64xf32, #tpu.memory_space<vmem>>
    %dma_start3A_117 = arith.constant 0 : i32
    %dma_start3A_118 = tpu.memref_slice %arg6[%dma_start3A_111, %dma_start3A_117] : memref<160x64xi32, #tpu.memory_space<vmem>> -> memref<1x64xi32, #tpu.memory_space<vmem>>
    %dma_start3A_119 = tpu.memref_squeeze %dma_start3A_118 : memref<1x64xi32, #tpu.memory_space<vmem>> -> memref<64xi32, #tpu.memory_space<vmem>>
    %dma_start3A_120 = arith.constant 0 : i32
    %dma_start3A_121 = arith.constant 0 : i32
    %dma_start3A_122 = tpu.memref_slice %arg2[%dma_start3A_120, %dma_start3A_121] : memref<20480x64xf32, #tpu.memory_space<hbm>> -> memref<20480x64xf32, #tpu.memory_space<hbm>>
    tpu.enqueue_indirect_dma source(%dma_start3A_122 : memref<20480x64xf32, #tpu.memory_space<hbm>>) target(%dma_start3A_116 : memref<64x64xf32, #tpu.memory_space<vmem>>) offsets(%dma_start3A_119 : memref<64xi32, #tpu.memory_space<vmem>>) semaphore(%arg18 : memref<!tpu.dma_semaphore, #tpu.memory_space<semaphore_mem>>)
    %scan3A_123 = arith.constant 0 : i32
    %scan3A_124 = arith.constant 0 : i32
    %scan3A_125 = arith.constant 20 : i32
    %scan3A_126 = arith.addi %scan3A_124, %scan3A_125 : i32
    %scan3A_127 = arith.constant 1 : i32
    %scan3A_128 = scf.for %scan3A_456 = %scan3A_124 to %scan3A_126 step %scan3A_127 iter_args(%scan3A_457 = %scan3A_123) -> (i32)  : i32 {
      %mul3A_458 = arith.constant 2 : i32
      %mul3A_459 = arith.muli %mul3A_458, %scan3A_456 : i32
      %add3A_460 = arith.constant 0 : i32
      %add3A_461 = arith.addi %mul3A_459, %add3A_460 : i32
      %mul3A_462 = arith.constant 4 : i32
      %mul3A_463 = arith.muli %mul3A_462, %add3A_461 : i32
      %add3A_464 = arith.constant 0 : i32
      %add3A_465 = arith.addi %mul3A_463, %add3A_464 : i32
      %dma_wait3A_466 = arith.constant 0 : i32
      %dma_wait3A_467 = arith.constant 0 : i32
      %dma_wait3A_468 = arith.constant 0 : i32
      %dma_wait3A_469 = tpu.memref_slice %arg8[%dma_wait3A_466, %dma_wait3A_467, %dma_wait3A_468] : memref<8x64x64xf32, #tpu.memory_space<vmem>> -> memref<1x64x64xf32, #tpu.memory_space<vmem>>
      %dma_wait3A_470 = tpu.memref_squeeze %dma_wait3A_469 : memref<1x64x64xf32, #tpu.memory_space<vmem>> -> memref<64x64xf32, #tpu.memory_space<vmem>>
      %dma_wait3A_471 = arith.constant 0 : i32
      %dma_wait3A_472 = tpu.memref_slice %arg6[%add3A_465, %dma_wait3A_471] : memref<160x64xi32, #tpu.memory_space<vmem>> -> memref<1x64xi32, #tpu.memory_space<vmem>>
      %dma_wait3A_473 = tpu.memref_squeeze %dma_wait3A_472 : memref<1x64xi32, #tpu.memory_space<vmem>> -> memref<64xi32, #tpu.memory_space<vmem>>
      %dma_wait3A_474 = arith.constant 0 : i32
      %dma_wait3A_475 = arith.constant 0 : i32
      %dma_wait3A_476 = tpu.memref_slice %arg2[%dma_wait3A_474, %dma_wait3A_475] : memref<20480x64xf32, #tpu.memory_space<hbm>> -> memref<20480x64xf32, #tpu.memory_space<hbm>>
      tpu.wait_indirect_dma semaphore(%arg11 : memref<!tpu.dma_semaphore, #tpu.memory_space<semaphore_mem>>) src(%dma_wait3A_476 : memref<20480x64xf32, #tpu.memory_space<hbm>>) dst(%dma_wait3A_470 : memref<64x64xf32, #tpu.memory_space<vmem>>)
      %dma_start3A_477 = arith.constant 0 : i32
      %dma_start3A_478 = arith.constant 0 : i32
      %dma_start3A_479 = arith.constant 0 : i32
      %dma_start3A_480 = tpu.memref_slice %arg8[%dma_start3A_477, %dma_start3A_478, %dma_start3A_479] : memref<8x64x64xf32, #tpu.memory_space<vmem>> -> memref<1x64x64xf32, #tpu.memory_space<vmem>>
      %dma_start3A_481 = tpu.memref_squeeze %dma_start3A_480 : memref<1x64x64xf32, #tpu.memory_space<vmem>> -> memref<64x64xf32, #tpu.memory_space<vmem>>
      %dma_start3A_482 = arith.constant 0 : i32
      %dma_start3A_483 = tpu.memref_slice %arg7[%add3A_465, %dma_start3A_482] : memref<160x64xi32, #tpu.memory_space<vmem>> -> memref<1x64xi32, #tpu.memory_space<vmem>>
      %dma_start3A_484 = tpu.memref_squeeze %dma_start3A_483 : memref<1x64xi32, #tpu.memory_space<vmem>> -> memref<64xi32, #tpu.memory_space<vmem>>
      %dma_start3A_485 = arith.constant 0 : i32
      %dma_start3A_486 = arith.constant 0 : i32
      %dma_start3A_487 = tpu.memref_slice %arg10[%dma_start3A_485, %dma_start3A_486] : memref<10240x64xf32, #tpu.memory_space<vmem_shared>> -> memref<10240x64xf32, #tpu.memory_space<vmem_shared>>
      tpu.enqueue_indirect_dma source(%dma_start3A_481 : memref<64x64xf32, #tpu.memory_space<vmem>>) target(%dma_start3A_487 : memref<10240x64xf32, #tpu.memory_space<vmem_shared>>) offsets(%dma_start3A_484 : memref<64xi32, #tpu.memory_space<vmem>>) semaphore(%arg19 : memref<!tpu.dma_semaphore, #tpu.memory_space<semaphore_mem>>) {add = true}
      %add3A_488 = arith.constant 1 : i32
      %add3A_489 = arith.addi %mul3A_463, %add3A_488 : i32
      %dma_wait3A_490 = arith.constant 1 : i32
      %dma_wait3A_491 = arith.constant 0 : i32
      %dma_wait3A_492 = arith.constant 0 : i32
      %dma_wait3A_493 = tpu.memref_slice %arg8[%dma_wait3A_490, %dma_wait3A_491, %dma_wait3A_492] : memref<8x64x64xf32, #tpu.memory_space<vmem>> -> memref<1x64x64xf32, #tpu.memory_space<vmem>>
      %dma_wait3A_494 = tpu.memref_squeeze %dma_wait3A_493 : memref<1x64x64xf32, #tpu.memory_space<vmem>> -> memref<64x64xf32, #tpu.memory_space<vmem>>
      %dma_wait3A_495 = arith.constant 0 : i32
      %dma_wait3A_496 = tpu.memref_slice %arg6[%add3A_489, %dma_wait3A_495] : memref<160x64xi32, #tpu.memory_space<vmem>> -> memref<1x64xi32, #tpu.memory_space<vmem>>
      %dma_wait3A_497 = tpu.memref_squeeze %dma_wait3A_496 : memref<1x64xi32, #tpu.memory_space<vmem>> -> memref<64xi32, #tpu.memory_space<vmem>>
      %dma_wait3A_498 = arith.constant 0 : i32
      %dma_wait3A_499 = arith.constant 0 : i32
      %dma_wait3A_500 = tpu.memref_slice %arg2[%dma_wait3A_498, %dma_wait3A_499] : memref<20480x64xf32, #tpu.memory_space<hbm>> -> memref<20480x64xf32, #tpu.memory_space<hbm>>
      tpu.wait_indirect_dma semaphore(%arg12 : memref<!tpu.dma_semaphore, #tpu.memory_space<semaphore_mem>>) src(%dma_wait3A_500 : memref<20480x64xf32, #tpu.memory_space<hbm>>) dst(%dma_wait3A_494 : memref<64x64xf32, #tpu.memory_space<vmem>>)
      %dma_start3A_501 = arith.constant 1 : i32
      %dma_start3A_502 = arith.constant 0 : i32
      %dma_start3A_503 = arith.constant 0 : i32
      %dma_start3A_504 = tpu.memref_slice %arg8[%dma_start3A_501, %dma_start3A_502, %dma_start3A_503] : memref<8x64x64xf32, #tpu.memory_space<vmem>> -> memref<1x64x64xf32, #tpu.memory_space<vmem>>
      %dma_start3A_505 = tpu.memref_squeeze %dma_start3A_504 : memref<1x64x64xf32, #tpu.memory_space<vmem>> -> memref<64x64xf32, #tpu.memory_space<vmem>>
      %dma_start3A_506 = arith.constant 0 : i32
      %dma_start3A_507 = tpu.memref_slice %arg7[%add3A_489, %dma_start3A_506] : memref<160x64xi32, #tpu.memory_space<vmem>> -> memref<1x64xi32, #tpu.memory_space<vmem>>
      %dma_start3A_508 = tpu.memref_squeeze %dma_start3A_507 : memref<1x64xi32, #tpu.memory_space<vmem>> -> memref<64xi32, #tpu.memory_space<vmem>>
      %dma_start3A_509 = arith.constant 0 : i32
      %dma_start3A_510 = arith.constant 0 : i32
      %dma_start3A_511 = tpu.memref_slice %arg10[%dma_start3A_509, %dma_start3A_510] : memref<10240x64xf32, #tpu.memory_space<vmem_shared>> -> memref<10240x64xf32, #tpu.memory_space<vmem_shared>>
      tpu.enqueue_indirect_dma source(%dma_start3A_505 : memref<64x64xf32, #tpu.memory_space<vmem>>) target(%dma_start3A_511 : memref<10240x64xf32, #tpu.memory_space<vmem_shared>>) offsets(%dma_start3A_508 : memref<64xi32, #tpu.memory_space<vmem>>) semaphore(%arg20 : memref<!tpu.dma_semaphore, #tpu.memory_space<semaphore_mem>>) {add = true}
      %add3A_512 = arith.constant 2 : i32
      %add3A_513 = arith.addi %mul3A_463, %add3A_512 : i32
      %dma_wait3A_514 = arith.constant 2 : i32
      %dma_wait3A_515 = arith.constant 0 : i32
      %dma_wait3A_516 = arith.constant 0 : i32
      %dma_wait3A_517 = tpu.memref_slice %arg8[%dma_wait3A_514, %dma_wait3A_515, %dma_wait3A_516] : memref<8x64x64xf32, #tpu.memory_space<vmem>> -> memref<1x64x64xf32, #tpu.memory_space<vmem>>
      %dma_wait3A_518 = tpu.memref_squeeze %dma_wait3A_517 : memref<1x64x64xf32, #tpu.memory_space<vmem>> -> memref<64x64xf32, #tpu.memory_space<vmem>>
      %dma_wait3A_519 = arith.constant 0 : i32
      %dma_wait3A_520 = tpu.memref_slice %arg6[%add3A_513, %dma_wait3A_519] : memref<160x64xi32, #tpu.memory_space<vmem>> -> memref<1x64xi32, #tpu.memory_space<vmem>>
      %dma_wait3A_521 = tpu.memref_squeeze %dma_wait3A_520 : memref<1x64xi32, #tpu.memory_space<vmem>> -> memref<64xi32, #tpu.memory_space<vmem>>
      %dma_wait3A_522 = arith.constant 0 : i32
      %dma_wait3A_523 = arith.constant 0 : i32
      %dma_wait3A_524 = tpu.memref_slice %arg2[%dma_wait3A_522, %dma_wait3A_523] : memref<20480x64xf32, #tpu.memory_space<hbm>> -> memref<20480x64xf32, #tpu.memory_space<hbm>>
      tpu.wait_indirect_dma semaphore(%arg13 : memref<!tpu.dma_semaphore, #tpu.memory_space<semaphore_mem>>) src(%dma_wait3A_524 : memref<20480x64xf32, #tpu.memory_space<hbm>>) dst(%dma_wait3A_518 : memref<64x64xf32, #tpu.memory_space<vmem>>)
      %dma_start3A_525 = arith.constant 2 : i32
      %dma_start3A_526 = arith.constant 0 : i32
      %dma_start3A_527 = arith.constant 0 : i32
      %dma_start3A_528 = tpu.memref_slice %arg8[%dma_start3A_525, %dma_start3A_526, %dma_start3A_527] : memref<8x64x64xf32, #tpu.memory_space<vmem>> -> memref<1x64x64xf32, #tpu.memory_space<vmem>>
      %dma_start3A_529 = tpu.memref_squeeze %dma_start3A_528 : memref<1x64x64xf32, #tpu.memory_space<vmem>> -> memref<64x64xf32, #tpu.memory_space<vmem>>
      %dma_start3A_530 = arith.constant 0 : i32
      %dma_start3A_531 = tpu.memref_slice %arg7[%add3A_513, %dma_start3A_530] : memref<160x64xi32, #tpu.memory_space<vmem>> -> memref<1x64xi32, #tpu.memory_space<vmem>>
      %dma_start3A_532 = tpu.memref_squeeze %dma_start3A_531 : memref<1x64xi32, #tpu.memory_space<vmem>> -> memref<64xi32, #tpu.memory_space<vmem>>
      %dma_start3A_533 = arith.constant 0 : i32
      %dma_start3A_534 = arith.constant 0 : i32
      %dma_start3A_535 = tpu.memref_slice %arg10[%dma_start3A_533, %dma_start3A_534] : memref<10240x64xf32, #tpu.memory_space<vmem_shared>> -> memref<10240x64xf32, #tpu.memory_space<vmem_shared>>
      tpu.enqueue_indirect_dma source(%dma_start3A_529 : memref<64x64xf32, #tpu.memory_space<vmem>>) target(%dma_start3A_535 : memref<10240x64xf32, #tpu.memory_space<vmem_shared>>) offsets(%dma_start3A_532 : memref<64xi32, #tpu.memory_space<vmem>>) semaphore(%arg21 : memref<!tpu.dma_semaphore, #tpu.memory_space<semaphore_mem>>) {add = true}
      %add3A_536 = arith.constant 3 : i32
      %add3A_537 = arith.addi %mul3A_463, %add3A_536 : i32
      %dma_wait3A_538 = arith.constant 3 : i32
      %dma_wait3A_539 = arith.constant 0 : i32
      %dma_wait3A_540 = arith.constant 0 : i32
      %dma_wait3A_541 = tpu.memref_slice %arg8[%dma_wait3A_538, %dma_wait3A_539, %dma_wait3A_540] : memref<8x64x64xf32, #tpu.memory_space<vmem>> -> memref<1x64x64xf32, #tpu.memory_space<vmem>>
      %dma_wait3A_542 = tpu.memref_squeeze %dma_wait3A_541 : memref<1x64x64xf32, #tpu.memory_space<vmem>> -> memref<64x64xf32, #tpu.memory_space<vmem>>
      %dma_wait3A_543 = arith.constant 0 : i32
      %dma_wait3A_544 = tpu.memref_slice %arg6[%add3A_537, %dma_wait3A_543] : memref<160x64xi32, #tpu.memory_space<vmem>> -> memref<1x64xi32, #tpu.memory_space<vmem>>
      %dma_wait3A_545 = tpu.memref_squeeze %dma_wait3A_544 : memref<1x64xi32, #tpu.memory_space<vmem>> -> memref<64xi32, #tpu.memory_space<vmem>>
      %dma_wait3A_546 = arith.constant 0 : i32
      %dma_wait3A_547 = arith.constant 0 : i32
      %dma_wait3A_548 = tpu.memref_slice %arg2[%dma_wait3A_546, %dma_wait3A_547] : memref<20480x64xf32, #tpu.memory_space<hbm>> -> memref<20480x64xf32, #tpu.memory_space<hbm>>
      tpu.wait_indirect_dma semaphore(%arg14 : memref<!tpu.dma_semaphore, #tpu.memory_space<semaphore_mem>>) src(%dma_wait3A_548 : memref<20480x64xf32, #tpu.memory_space<hbm>>) dst(%dma_wait3A_542 : memref<64x64xf32, #tpu.memory_space<vmem>>)
      %dma_start3A_549 = arith.constant 3 : i32
      %dma_start3A_550 = arith.constant 0 : i32
      %dma_start3A_551 = arith.constant 0 : i32
      %dma_start3A_552 = tpu.memref_slice %arg8[%dma_start3A_549, %dma_start3A_550, %dma_start3A_551] : memref<8x64x64xf32, #tpu.memory_space<vmem>> -> memref<1x64x64xf32, #tpu.memory_space<vmem>>
      %dma_start3A_553 = tpu.memref_squeeze %dma_start3A_552 : memref<1x64x64xf32, #tpu.memory_space<vmem>> -> memref<64x64xf32, #tpu.memory_space<vmem>>
      %dma_start3A_554 = arith.constant 0 : i32
      %dma_start3A_555 = tpu.memref_slice %arg7[%add3A_537, %dma_start3A_554] : memref<160x64xi32, #tpu.memory_space<vmem>> -> memref<1x64xi32, #tpu.memory_space<vmem>>
      %dma_start3A_556 = tpu.memref_squeeze %dma_start3A_555 : memref<1x64xi32, #tpu.memory_space<vmem>> -> memref<64xi32, #tpu.memory_space<vmem>>
      %dma_start3A_557 = arith.constant 0 : i32
      %dma_start3A_558 = arith.constant 0 : i32
      %dma_start3A_559 = tpu.memref_slice %arg10[%dma_start3A_557, %dma_start3A_558] : memref<10240x64xf32, #tpu.memory_space<vmem_shared>> -> memref<10240x64xf32, #tpu.memory_space<vmem_shared>>
      tpu.enqueue_indirect_dma source(%dma_start3A_553 : memref<64x64xf32, #tpu.memory_space<vmem>>) target(%dma_start3A_559 : memref<10240x64xf32, #tpu.memory_space<vmem_shared>>) offsets(%dma_start3A_556 : memref<64xi32, #tpu.memory_space<vmem>>) semaphore(%arg22 : memref<!tpu.dma_semaphore, #tpu.memory_space<semaphore_mem>>) {add = true}
      %lt3A = arith.constant 38 : i32
      %lt3A_560 = arith.cmpi slt, %add3A_461, %lt3A : i32
      %convert_element_type3A = arith.extui %lt3A_560 : i1 to i32
      %cond3A = arith.constant 0 : i32
      %cond3A_561 = arith.cmpi ne, %convert_element_type3A, %cond3A : i32
      scf.if %cond3A_561 {
        %add3A_670 = arith.constant 0 : i32
        %add3A_671 = arith.addi %mul3A_463, %add3A_670 : i32
        %dma_wait3A_672 = arith.constant 0 : i32
        %dma_wait3A_673 = arith.constant 0 : i32
        %dma_wait3A_674 = arith.constant 0 : i32
        %dma_wait3A_675 = tpu.memref_slice %arg8[%dma_wait3A_672, %dma_wait3A_673, %dma_wait3A_674] : memref<8x64x64xf32, #tpu.memory_space<vmem>> -> memref<1x64x64xf32, #tpu.memory_space<vmem>>
        %dma_wait3A_676 = tpu.memref_squeeze %dma_wait3A_675 : memref<1x64x64xf32, #tpu.memory_space<vmem>> -> memref<64x64xf32, #tpu.memory_space<vmem>>
        %dma_wait3A_677 = arith.constant 0 : i32
        %dma_wait3A_678 = tpu.memref_slice %arg7[%add3A_671, %dma_wait3A_677] : memref<160x64xi32, #tpu.memory_space<vmem>> -> memref<1x64xi32, #tpu.memory_space<vmem>>
        %dma_wait3A_679 = tpu.memref_squeeze %dma_wait3A_678 : memref<1x64xi32, #tpu.memory_space<vmem>> -> memref<64xi32, #tpu.memory_space<vmem>>
        %dma_wait3A_680 = arith.constant 0 : i32
        %dma_wait3A_681 = arith.constant 0 : i32
        %dma_wait3A_682 = tpu.memref_slice %arg10[%dma_wait3A_680, %dma_wait3A_681] : memref<10240x64xf32, #tpu.memory_space<vmem_shared>> -> memref<10240x64xf32, #tpu.memory_space<vmem_shared>>
        tpu.wait_indirect_dma semaphore(%arg19 : memref<!tpu.dma_semaphore, #tpu.memory_space<semaphore_mem>>) src(%dma_wait3A_676 : memref<64x64xf32, #tpu.memory_space<vmem>>) dst(%dma_wait3A_682 : memref<10240x64xf32, #tpu.memory_space<vmem_shared>>)
        %add3A_683 = arith.constant 8 : i32
        %add3A_684 = arith.addi %add3A_671, %add3A_683 : i32
        %dma_start3A_685 = arith.constant 0 : i32
        %dma_start3A_686 = arith.constant 0 : i32
        %dma_start3A_687 = arith.constant 0 : i32
        %dma_start3A_688 = tpu.memref_slice %arg8[%dma_start3A_685, %dma_start3A_686, %dma_start3A_687] : memref<8x64x64xf32, #tpu.memory_space<vmem>> -> memref<1x64x64xf32, #tpu.memory_space<vmem>>
        %dma_start3A_689 = tpu.memref_squeeze %dma_start3A_688 : memref<1x64x64xf32, #tpu.memory_space<vmem>> -> memref<64x64xf32, #tpu.memory_space<vmem>>
        %dma_start3A_690 = arith.constant 0 : i32
        %dma_start3A_691 = tpu.memref_slice %arg6[%add3A_684, %dma_start3A_690] : memref<160x64xi32, #tpu.memory_space<vmem>> -> memref<1x64xi32, #tpu.memory_space<vmem>>
        %dma_start3A_692 = tpu.memref_squeeze %dma_start3A_691 : memref<1x64xi32, #tpu.memory_space<vmem>> -> memref<64xi32, #tpu.memory_space<vmem>>
        %dma_start3A_693 = arith.constant 0 : i32
        %dma_start3A_694 = arith.constant 0 : i32
        %dma_start3A_695 = tpu.memref_slice %arg2[%dma_start3A_693, %dma_start3A_694] : memref<20480x64xf32, #tpu.memory_space<hbm>> -> memref<20480x64xf32, #tpu.memory_space<hbm>>
        tpu.enqueue_indirect_dma source(%dma_start3A_695 : memref<20480x64xf32, #tpu.memory_space<hbm>>) target(%dma_start3A_689 : memref<64x64xf32, #tpu.memory_space<vmem>>) offsets(%dma_start3A_692 : memref<64xi32, #tpu.memory_space<vmem>>) semaphore(%arg11 : memref<!tpu.dma_semaphore, #tpu.memory_space<semaphore_mem>>)
        %add3A_696 = arith.constant 1 : i32
        %add3A_697 = arith.addi %mul3A_463, %add3A_696 : i32
        %dma_wait3A_698 = arith.constant 1 : i32
        %dma_wait3A_699 = arith.constant 0 : i32
        %dma_wait3A_700 = arith.constant 0 : i32
        %dma_wait3A_701 = tpu.memref_slice %arg8[%dma_wait3A_698, %dma_wait3A_699, %dma_wait3A_700] : memref<8x64x64xf32, #tpu.memory_space<vmem>> -> memref<1x64x64xf32, #tpu.memory_space<vmem>>
        %dma_wait3A_702 = tpu.memref_squeeze %dma_wait3A_701 : memref<1x64x64xf32, #tpu.memory_space<vmem>> -> memref<64x64xf32, #tpu.memory_space<vmem>>
        %dma_wait3A_703 = arith.constant 0 : i32
        %dma_wait3A_704 = tpu.memref_slice %arg7[%add3A_697, %dma_wait3A_703] : memref<160x64xi32, #tpu.memory_space<vmem>> -> memref<1x64xi32, #tpu.memory_space<vmem>>
        %dma_wait3A_705 = tpu.memref_squeeze %dma_wait3A_704 : memref<1x64xi32, #tpu.memory_space<vmem>> -> memref<64xi32, #tpu.memory_space<vmem>>
        %dma_wait3A_706 = arith.constant 0 : i32
        %dma_wait3A_707 = arith.constant 0 : i32
        %dma_wait3A_708 = tpu.memref_slice %arg10[%dma_wait3A_706, %dma_wait3A_707] : memref<10240x64xf32, #tpu.memory_space<vmem_shared>> -> memref<10240x64xf32, #tpu.memory_space<vmem_shared>>
        tpu.wait_indirect_dma semaphore(%arg20 : memref<!tpu.dma_semaphore, #tpu.memory_space<semaphore_mem>>) src(%dma_wait3A_702 : memref<64x64xf32, #tpu.memory_space<vmem>>) dst(%dma_wait3A_708 : memref<10240x64xf32, #tpu.memory_space<vmem_shared>>)
        %add3A_709 = arith.constant 8 : i32
        %add3A_710 = arith.addi %add3A_697, %add3A_709 : i32
        %dma_start3A_711 = arith.constant 1 : i32
        %dma_start3A_712 = arith.constant 0 : i32
        %dma_start3A_713 = arith.constant 0 : i32
        %dma_start3A_714 = tpu.memref_slice %arg8[%dma_start3A_711, %dma_start3A_712, %dma_start3A_713] : memref<8x64x64xf32, #tpu.memory_space<vmem>> -> memref<1x64x64xf32, #tpu.memory_space<vmem>>
        %dma_start3A_715 = tpu.memref_squeeze %dma_start3A_714 : memref<1x64x64xf32, #tpu.memory_space<vmem>> -> memref<64x64xf32, #tpu.memory_space<vmem>>
        %dma_start3A_716 = arith.constant 0 : i32
        %dma_start3A_717 = tpu.memref_slice %arg6[%add3A_710, %dma_start3A_716] : memref<160x64xi32, #tpu.memory_space<vmem>> -> memref<1x64xi32, #tpu.memory_space<vmem>>
        %dma_start3A_718 = tpu.memref_squeeze %dma_start3A_717 : memref<1x64xi32, #tpu.memory_space<vmem>> -> memref<64xi32, #tpu.memory_space<vmem>>
        %dma_start3A_719 = arith.constant 0 : i32
        %dma_start3A_720 = arith.constant 0 : i32
        %dma_start3A_721 = tpu.memref_slice %arg2[%dma_start3A_719, %dma_start3A_720] : memref<20480x64xf32, #tpu.memory_space<hbm>> -> memref<20480x64xf32, #tpu.memory_space<hbm>>
        tpu.enqueue_indirect_dma source(%dma_start3A_721 : memref<20480x64xf32, #tpu.memory_space<hbm>>) target(%dma_start3A_715 : memref<64x64xf32, #tpu.memory_space<vmem>>) offsets(%dma_start3A_718 : memref<64xi32, #tpu.memory_space<vmem>>) semaphore(%arg12 : memref<!tpu.dma_semaphore, #tpu.memory_space<semaphore_mem>>)
        %add3A_722 = arith.constant 2 : i32
        %add3A_723 = arith.addi %mul3A_463, %add3A_722 : i32
        %dma_wait3A_724 = arith.constant 2 : i32
        %dma_wait3A_725 = arith.constant 0 : i32
        %dma_wait3A_726 = arith.constant 0 : i32
        %dma_wait3A_727 = tpu.memref_slice %arg8[%dma_wait3A_724, %dma_wait3A_725, %dma_wait3A_726] : memref<8x64x64xf32, #tpu.memory_space<vmem>> -> memref<1x64x64xf32, #tpu.memory_space<vmem>>
        %dma_wait3A_728 = tpu.memref_squeeze %dma_wait3A_727 : memref<1x64x64xf32, #tpu.memory_space<vmem>> -> memref<64x64xf32, #tpu.memory_space<vmem>>
        %dma_wait3A_729 = arith.constant 0 : i32
        %dma_wait3A_730 = tpu.memref_slice %arg7[%add3A_723, %dma_wait3A_729] : memref<160x64xi32, #tpu.memory_space<vmem>> -> memref<1x64xi32, #tpu.memory_space<vmem>>
        %dma_wait3A_731 = tpu.memref_squeeze %dma_wait3A_730 : memref<1x64xi32, #tpu.memory_space<vmem>> -> memref<64xi32, #tpu.memory_space<vmem>>
        %dma_wait3A_732 = arith.constant 0 : i32
        %dma_wait3A_733 = arith.constant 0 : i32
        %dma_wait3A_734 = tpu.memref_slice %arg10[%dma_wait3A_732, %dma_wait3A_733] : memref<10240x64xf32, #tpu.memory_space<vmem_shared>> -> memref<10240x64xf32, #tpu.memory_space<vmem_shared>>
        tpu.wait_indirect_dma semaphore(%arg21 : memref<!tpu.dma_semaphore, #tpu.memory_space<semaphore_mem>>) src(%dma_wait3A_728 : memref<64x64xf32, #tpu.memory_space<vmem>>) dst(%dma_wait3A_734 : memref<10240x64xf32, #tpu.memory_space<vmem_shared>>)
        %add3A_735 = arith.constant 8 : i32
        %add3A_736 = arith.addi %add3A_723, %add3A_735 : i32
        %dma_start3A_737 = arith.constant 2 : i32
        %dma_start3A_738 = arith.constant 0 : i32
        %dma_start3A_739 = arith.constant 0 : i32
        %dma_start3A_740 = tpu.memref_slice %arg8[%dma_start3A_737, %dma_start3A_738, %dma_start3A_739] : memref<8x64x64xf32, #tpu.memory_space<vmem>> -> memref<1x64x64xf32, #tpu.memory_space<vmem>>
        %dma_start3A_741 = tpu.memref_squeeze %dma_start3A_740 : memref<1x64x64xf32, #tpu.memory_space<vmem>> -> memref<64x64xf32, #tpu.memory_space<vmem>>
        %dma_start3A_742 = arith.constant 0 : i32
        %dma_start3A_743 = tpu.memref_slice %arg6[%add3A_736, %dma_start3A_742] : memref<160x64xi32, #tpu.memory_space<vmem>> -> memref<1x64xi32, #tpu.memory_space<vmem>>
        %dma_start3A_744 = tpu.memref_squeeze %dma_start3A_743 : memref<1x64xi32, #tpu.memory_space<vmem>> -> memref<64xi32, #tpu.memory_space<vmem>>
        %dma_start3A_745 = arith.constant 0 : i32
        %dma_start3A_746 = arith.constant 0 : i32
        %dma_start3A_747 = tpu.memref_slice %arg2[%dma_start3A_745, %dma_start3A_746] : memref<20480x64xf32, #tpu.memory_space<hbm>> -> memref<20480x64xf32, #tpu.memory_space<hbm>>
        tpu.enqueue_indirect_dma source(%dma_start3A_747 : memref<20480x64xf32, #tpu.memory_space<hbm>>) target(%dma_start3A_741 : memref<64x64xf32, #tpu.memory_space<vmem>>) offsets(%dma_start3A_744 : memref<64xi32, #tpu.memory_space<vmem>>) semaphore(%arg13 : memref<!tpu.dma_semaphore, #tpu.memory_space<semaphore_mem>>)
        %add3A_748 = arith.constant 3 : i32
        %add3A_749 = arith.addi %mul3A_463, %add3A_748 : i32
        %dma_wait3A_750 = arith.constant 3 : i32
        %dma_wait3A_751 = arith.constant 0 : i32
        %dma_wait3A_752 = arith.constant 0 : i32
        %dma_wait3A_753 = tpu.memref_slice %arg8[%dma_wait3A_750, %dma_wait3A_751, %dma_wait3A_752] : memref<8x64x64xf32, #tpu.memory_space<vmem>> -> memref<1x64x64xf32, #tpu.memory_space<vmem>>
        %dma_wait3A_754 = tpu.memref_squeeze %dma_wait3A_753 : memref<1x64x64xf32, #tpu.memory_space<vmem>> -> memref<64x64xf32, #tpu.memory_space<vmem>>
        %dma_wait3A_755 = arith.constant 0 : i32
        %dma_wait3A_756 = tpu.memref_slice %arg7[%add3A_749, %dma_wait3A_755] : memref<160x64xi32, #tpu.memory_space<vmem>> -> memref<1x64xi32, #tpu.memory_space<vmem>>
        %dma_wait3A_757 = tpu.memref_squeeze %dma_wait3A_756 : memref<1x64xi32, #tpu.memory_space<vmem>> -> memref<64xi32, #tpu.memory_space<vmem>>
        %dma_wait3A_758 = arith.constant 0 : i32
        %dma_wait3A_759 = arith.constant 0 : i32
        %dma_wait3A_760 = tpu.memref_slice %arg10[%dma_wait3A_758, %dma_wait3A_759] : memref<10240x64xf32, #tpu.memory_space<vmem_shared>> -> memref<10240x64xf32, #tpu.memory_space<vmem_shared>>
        tpu.wait_indirect_dma semaphore(%arg22 : memref<!tpu.dma_semaphore, #tpu.memory_space<semaphore_mem>>) src(%dma_wait3A_754 : memref<64x64xf32, #tpu.memory_space<vmem>>) dst(%dma_wait3A_760 : memref<10240x64xf32, #tpu.memory_space<vmem_shared>>)
        %add3A_761 = arith.constant 8 : i32
        %add3A_762 = arith.addi %add3A_749, %add3A_761 : i32
        %dma_start3A_763 = arith.constant 3 : i32
        %dma_start3A_764 = arith.constant 0 : i32
        %dma_start3A_765 = arith.constant 0 : i32
        %dma_start3A_766 = tpu.memref_slice %arg8[%dma_start3A_763, %dma_start3A_764, %dma_start3A_765] : memref<8x64x64xf32, #tpu.memory_space<vmem>> -> memref<1x64x64xf32, #tpu.memory_space<vmem>>
        %dma_start3A_767 = tpu.memref_squeeze %dma_start3A_766 : memref<1x64x64xf32, #tpu.memory_space<vmem>> -> memref<64x64xf32, #tpu.memory_space<vmem>>
        %dma_start3A_768 = arith.constant 0 : i32
        %dma_start3A_769 = tpu.memref_slice %arg6[%add3A_762, %dma_start3A_768] : memref<160x64xi32, #tpu.memory_space<vmem>> -> memref<1x64xi32, #tpu.memory_space<vmem>>
        %dma_start3A_770 = tpu.memref_squeeze %dma_start3A_769 : memref<1x64xi32, #tpu.memory_space<vmem>> -> memref<64xi32, #tpu.memory_space<vmem>>
        %dma_start3A_771 = arith.constant 0 : i32
        %dma_start3A_772 = arith.constant 0 : i32
        %dma_start3A_773 = tpu.memref_slice %arg2[%dma_start3A_771, %dma_start3A_772] : memref<20480x64xf32, #tpu.memory_space<hbm>> -> memref<20480x64xf32, #tpu.memory_space<hbm>>
        tpu.enqueue_indirect_dma source(%dma_start3A_773 : memref<20480x64xf32, #tpu.memory_space<hbm>>) target(%dma_start3A_767 : memref<64x64xf32, #tpu.memory_space<vmem>>) offsets(%dma_start3A_770 : memref<64xi32, #tpu.memory_space<vmem>>) semaphore(%arg14 : memref<!tpu.dma_semaphore, #tpu.memory_space<semaphore_mem>>)
      } else {
      }
      %mul3A_562 = arith.constant 2 : i32
      %mul3A_563 = arith.muli %mul3A_562, %scan3A_456 : i32
      %add3A_564 = arith.constant 1 : i32
      %add3A_565 = arith.addi %mul3A_563, %add3A_564 : i32
      %mul3A_566 = arith.constant 4 : i32
      %mul3A_567 = arith.muli %mul3A_566, %add3A_565 : i32
      %add3A_568 = arith.constant 0 : i32
      %add3A_569 = arith.addi %mul3A_567, %add3A_568 : i32
      %dma_wait3A_570 = arith.constant 4 : i32
      %dma_wait3A_571 = arith.constant 0 : i32
      %dma_wait3A_572 = arith.constant 0 : i32
      %dma_wait3A_573 = tpu.memref_slice %arg8[%dma_wait3A_570, %dma_wait3A_571, %dma_wait3A_572] : memref<8x64x64xf32, #tpu.memory_space<vmem>> -> memref<1x64x64xf32, #tpu.memory_space<vmem>>
      %dma_wait3A_574 = tpu.memref_squeeze %dma_wait3A_573 : memref<1x64x64xf32, #tpu.memory_space<vmem>> -> memref<64x64xf32, #tpu.memory_space<vmem>>
      %dma_wait3A_575 = arith.constant 0 : i32
      %dma_wait3A_576 = tpu.memref_slice %arg6[%add3A_569, %dma_wait3A_575] : memref<160x64xi32, #tpu.memory_space<vmem>> -> memref<1x64xi32, #tpu.memory_space<vmem>>
      %dma_wait3A_577 = tpu.memref_squeeze %dma_wait3A_576 : memref<1x64xi32, #tpu.memory_space<vmem>> -> memref<64xi32, #tpu.memory_space<vmem>>
      %dma_wait3A_578 = arith.constant 0 : i32
      %dma_wait3A_579 = arith.constant 0 : i32
      %dma_wait3A_580 = tpu.memref_slice %arg2[%dma_wait3A_578, %dma_wait3A_579] : memref<20480x64xf32, #tpu.memory_space<hbm>> -> memref<20480x64xf32, #tpu.memory_space<hbm>>
      tpu.wait_indirect_dma semaphore(%arg15 : memref<!tpu.dma_semaphore, #tpu.memory_space<semaphore_mem>>) src(%dma_wait3A_580 : memref<20480x64xf32, #tpu.memory_space<hbm>>) dst(%dma_wait3A_574 : memref<64x64xf32, #tpu.memory_space<vmem>>)
      %dma_start3A_581 = arith.constant 4 : i32
      %dma_start3A_582 = arith.constant 0 : i32
      %dma_start3A_583 = arith.constant 0 : i32
      %dma_start3A_584 = tpu.memref_slice %arg8[%dma_start3A_581, %dma_start3A_582, %dma_start3A_583] : memref<8x64x64xf32, #tpu.memory_space<vmem>> -> memref<1x64x64xf32, #tpu.memory_space<vmem>>
      %dma_start3A_585 = tpu.memref_squeeze %dma_start3A_584 : memref<1x64x64xf32, #tpu.memory_space<vmem>> -> memref<64x64xf32, #tpu.memory_space<vmem>>
      %dma_start3A_586 = arith.constant 0 : i32
      %dma_start3A_587 = tpu.memref_slice %arg7[%add3A_569, %dma_start3A_586] : memref<160x64xi32, #tpu.memory_space<vmem>> -> memref<1x64xi32, #tpu.memory_space<vmem>>
      %dma_start3A_588 = tpu.memref_squeeze %dma_start3A_587 : memref<1x64xi32, #tpu.memory_space<vmem>> -> memref<64xi32, #tpu.memory_space<vmem>>
      %dma_start3A_589 = arith.constant 0 : i32
      %dma_start3A_590 = arith.constant 0 : i32
      %dma_start3A_591 = tpu.memref_slice %arg10[%dma_start3A_589, %dma_start3A_590] : memref<10240x64xf32, #tpu.memory_space<vmem_shared>> -> memref<10240x64xf32, #tpu.memory_space<vmem_shared>>
      tpu.enqueue_indirect_dma source(%dma_start3A_585 : memref<64x64xf32, #tpu.memory_space<vmem>>) target(%dma_start3A_591 : memref<10240x64xf32, #tpu.memory_space<vmem_shared>>) offsets(%dma_start3A_588 : memref<64xi32, #tpu.memory_space<vmem>>) semaphore(%arg23 : memref<!tpu.dma_semaphore, #tpu.memory_space<semaphore_mem>>) {add = true}
      %add3A_592 = arith.constant 1 : i32
      %add3A_593 = arith.addi %mul3A_567, %add3A_592 : i32
      %dma_wait3A_594 = arith.constant 5 : i32
      %dma_wait3A_595 = arith.constant 0 : i32
      %dma_wait3A_596 = arith.constant 0 : i32
      %dma_wait3A_597 = tpu.memref_slice %arg8[%dma_wait3A_594, %dma_wait3A_595, %dma_wait3A_596] : memref<8x64x64xf32, #tpu.memory_space<vmem>> -> memref<1x64x64xf32, #tpu.memory_space<vmem>>
      %dma_wait3A_598 = tpu.memref_squeeze %dma_wait3A_597 : memref<1x64x64xf32, #tpu.memory_space<vmem>> -> memref<64x64xf32, #tpu.memory_space<vmem>>
      %dma_wait3A_599 = arith.constant 0 : i32
      %dma_wait3A_600 = tpu.memref_slice %arg6[%add3A_593, %dma_wait3A_599] : memref<160x64xi32, #tpu.memory_space<vmem>> -> memref<1x64xi32, #tpu.memory_space<vmem>>
      %dma_wait3A_601 = tpu.memref_squeeze %dma_wait3A_600 : memref<1x64xi32, #tpu.memory_space<vmem>> -> memref<64xi32, #tpu.memory_space<vmem>>
      %dma_wait3A_602 = arith.constant 0 : i32
      %dma_wait3A_603 = arith.constant 0 : i32
      %dma_wait3A_604 = tpu.memref_slice %arg2[%dma_wait3A_602, %dma_wait3A_603] : memref<20480x64xf32, #tpu.memory_space<hbm>> -> memref<20480x64xf32, #tpu.memory_space<hbm>>
      tpu.wait_indirect_dma semaphore(%arg16 : memref<!tpu.dma_semaphore, #tpu.memory_space<semaphore_mem>>) src(%dma_wait3A_604 : memref<20480x64xf32, #tpu.memory_space<hbm>>) dst(%dma_wait3A_598 : memref<64x64xf32, #tpu.memory_space<vmem>>)
      %dma_start3A_605 = arith.constant 5 : i32
      %dma_start3A_606 = arith.constant 0 : i32
      %dma_start3A_607 = arith.constant 0 : i32
      %dma_start3A_608 = tpu.memref_slice %arg8[%dma_start3A_605, %dma_start3A_606, %dma_start3A_607] : memref<8x64x64xf32, #tpu.memory_space<vmem>> -> memref<1x64x64xf32, #tpu.memory_space<vmem>>
      %dma_start3A_609 = tpu.memref_squeeze %dma_start3A_608 : memref<1x64x64xf32, #tpu.memory_space<vmem>> -> memref<64x64xf32, #tpu.memory_space<vmem>>
      %dma_start3A_610 = arith.constant 0 : i32
      %dma_start3A_611 = tpu.memref_slice %arg7[%add3A_593, %dma_start3A_610] : memref<160x64xi32, #tpu.memory_space<vmem>> -> memref<1x64xi32, #tpu.memory_space<vmem>>
      %dma_start3A_612 = tpu.memref_squeeze %dma_start3A_611 : memref<1x64xi32, #tpu.memory_space<vmem>> -> memref<64xi32, #tpu.memory_space<vmem>>
      %dma_start3A_613 = arith.constant 0 : i32
      %dma_start3A_614 = arith.constant 0 : i32
      %dma_start3A_615 = tpu.memref_slice %arg10[%dma_start3A_613, %dma_start3A_614] : memref<10240x64xf32, #tpu.memory_space<vmem_shared>> -> memref<10240x64xf32, #tpu.memory_space<vmem_shared>>
      tpu.enqueue_indirect_dma source(%dma_start3A_609 : memref<64x64xf32, #tpu.memory_space<vmem>>) target(%dma_start3A_615 : memref<10240x64xf32, #tpu.memory_space<vmem_shared>>) offsets(%dma_start3A_612 : memref<64xi32, #tpu.memory_space<vmem>>) semaphore(%arg24 : memref<!tpu.dma_semaphore, #tpu.memory_space<semaphore_mem>>) {add = true}
      %add3A_616 = arith.constant 2 : i32
      %add3A_617 = arith.addi %mul3A_567, %add3A_616 : i32
      %dma_wait3A_618 = arith.constant 6 : i32
      %dma_wait3A_619 = arith.constant 0 : i32
      %dma_wait3A_620 = arith.constant 0 : i32
      %dma_wait3A_621 = tpu.memref_slice %arg8[%dma_wait3A_618, %dma_wait3A_619, %dma_wait3A_620] : memref<8x64x64xf32, #tpu.memory_space<vmem>> -> memref<1x64x64xf32, #tpu.memory_space<vmem>>
      %dma_wait3A_622 = tpu.memref_squeeze %dma_wait3A_621 : memref<1x64x64xf32, #tpu.memory_space<vmem>> -> memref<64x64xf32, #tpu.memory_space<vmem>>
      %dma_wait3A_623 = arith.constant 0 : i32
      %dma_wait3A_624 = tpu.memref_slice %arg6[%add3A_617, %dma_wait3A_623] : memref<160x64xi32, #tpu.memory_space<vmem>> -> memref<1x64xi32, #tpu.memory_space<vmem>>
      %dma_wait3A_625 = tpu.memref_squeeze %dma_wait3A_624 : memref<1x64xi32, #tpu.memory_space<vmem>> -> memref<64xi32, #tpu.memory_space<vmem>>
      %dma_wait3A_626 = arith.constant 0 : i32
      %dma_wait3A_627 = arith.constant 0 : i32
      %dma_wait3A_628 = tpu.memref_slice %arg2[%dma_wait3A_626, %dma_wait3A_627] : memref<20480x64xf32, #tpu.memory_space<hbm>> -> memref<20480x64xf32, #tpu.memory_space<hbm>>
      tpu.wait_indirect_dma semaphore(%arg17 : memref<!tpu.dma_semaphore, #tpu.memory_space<semaphore_mem>>) src(%dma_wait3A_628 : memref<20480x64xf32, #tpu.memory_space<hbm>>) dst(%dma_wait3A_622 : memref<64x64xf32, #tpu.memory_space<vmem>>)
      %dma_start3A_629 = arith.constant 6 : i32
      %dma_start3A_630 = arith.constant 0 : i32
      %dma_start3A_631 = arith.constant 0 : i32
      %dma_start3A_632 = tpu.memref_slice %arg8[%dma_start3A_629, %dma_start3A_630, %dma_start3A_631] : memref<8x64x64xf32, #tpu.memory_space<vmem>> -> memref<1x64x64xf32, #tpu.memory_space<vmem>>
      %dma_start3A_633 = tpu.memref_squeeze %dma_start3A_632 : memref<1x64x64xf32, #tpu.memory_space<vmem>> -> memref<64x64xf32, #tpu.memory_space<vmem>>
      %dma_start3A_634 = arith.constant 0 : i32
      %dma_start3A_635 = tpu.memref_slice %arg7[%add3A_617, %dma_start3A_634] : memref<160x64xi32, #tpu.memory_space<vmem>> -> memref<1x64xi32, #tpu.memory_space<vmem>>
      %dma_start3A_636 = tpu.memref_squeeze %dma_start3A_635 : memref<1x64xi32, #tpu.memory_space<vmem>> -> memref<64xi32, #tpu.memory_space<vmem>>
      %dma_start3A_637 = arith.constant 0 : i32
      %dma_start3A_638 = arith.constant 0 : i32
      %dma_start3A_639 = tpu.memref_slice %arg10[%dma_start3A_637, %dma_start3A_638] : memref<10240x64xf32, #tpu.memory_space<vmem_shared>> -> memref<10240x64xf32, #tpu.memory_space<vmem_shared>>
      tpu.enqueue_indirect_dma source(%dma_start3A_633 : memref<64x64xf32, #tpu.memory_space<vmem>>) target(%dma_start3A_639 : memref<10240x64xf32, #tpu.memory_space<vmem_shared>>) offsets(%dma_start3A_636 : memref<64xi32, #tpu.memory_space<vmem>>) semaphore(%arg25 : memref<!tpu.dma_semaphore, #tpu.memory_space<semaphore_mem>>) {add = true}
      %add3A_640 = arith.constant 3 : i32
      %add3A_641 = arith.addi %mul3A_567, %add3A_640 : i32
      %dma_wait3A_642 = arith.constant 7 : i32
      %dma_wait3A_643 = arith.constant 0 : i32
      %dma_wait3A_644 = arith.constant 0 : i32
      %dma_wait3A_645 = tpu.memref_slice %arg8[%dma_wait3A_642, %dma_wait3A_643, %dma_wait3A_644] : memref<8x64x64xf32, #tpu.memory_space<vmem>> -> memref<1x64x64xf32, #tpu.memory_space<vmem>>
      %dma_wait3A_646 = tpu.memref_squeeze %dma_wait3A_645 : memref<1x64x64xf32, #tpu.memory_space<vmem>> -> memref<64x64xf32, #tpu.memory_space<vmem>>
      %dma_wait3A_647 = arith.constant 0 : i32
      %dma_wait3A_648 = tpu.memref_slice %arg6[%add3A_641, %dma_wait3A_647] : memref<160x64xi32, #tpu.memory_space<vmem>> -> memref<1x64xi32, #tpu.memory_space<vmem>>
      %dma_wait3A_649 = tpu.memref_squeeze %dma_wait3A_648 : memref<1x64xi32, #tpu.memory_space<vmem>> -> memref<64xi32, #tpu.memory_space<vmem>>
      %dma_wait3A_650 = arith.constant 0 : i32
      %dma_wait3A_651 = arith.constant 0 : i32
      %dma_wait3A_652 = tpu.memref_slice %arg2[%dma_wait3A_650, %dma_wait3A_651] : memref<20480x64xf32, #tpu.memory_space<hbm>> -> memref<20480x64xf32, #tpu.memory_space<hbm>>
      tpu.wait_indirect_dma semaphore(%arg18 : memref<!tpu.dma_semaphore, #tpu.memory_space<semaphore_mem>>) src(%dma_wait3A_652 : memref<20480x64xf32, #tpu.memory_space<hbm>>) dst(%dma_wait3A_646 : memref<64x64xf32, #tpu.memory_space<vmem>>)
      %dma_start3A_653 = arith.constant 7 : i32
      %dma_start3A_654 = arith.constant 0 : i32
      %dma_start3A_655 = arith.constant 0 : i32
      %dma_start3A_656 = tpu.memref_slice %arg8[%dma_start3A_653, %dma_start3A_654, %dma_start3A_655] : memref<8x64x64xf32, #tpu.memory_space<vmem>> -> memref<1x64x64xf32, #tpu.memory_space<vmem>>
      %dma_start3A_657 = tpu.memref_squeeze %dma_start3A_656 : memref<1x64x64xf32, #tpu.memory_space<vmem>> -> memref<64x64xf32, #tpu.memory_space<vmem>>
      %dma_start3A_658 = arith.constant 0 : i32
      %dma_start3A_659 = tpu.memref_slice %arg7[%add3A_641, %dma_start3A_658] : memref<160x64xi32, #tpu.memory_space<vmem>> -> memref<1x64xi32, #tpu.memory_space<vmem>>
      %dma_start3A_660 = tpu.memref_squeeze %dma_start3A_659 : memref<1x64xi32, #tpu.memory_space<vmem>> -> memref<64xi32, #tpu.memory_space<vmem>>
      %dma_start3A_661 = arith.constant 0 : i32
      %dma_start3A_662 = arith.constant 0 : i32
      %dma_start3A_663 = tpu.memref_slice %arg10[%dma_start3A_661, %dma_start3A_662] : memref<10240x64xf32, #tpu.memory_space<vmem_shared>> -> memref<10240x64xf32, #tpu.memory_space<vmem_shared>>
      tpu.enqueue_indirect_dma source(%dma_start3A_657 : memref<64x64xf32, #tpu.memory_space<vmem>>) target(%dma_start3A_663 : memref<10240x64xf32, #tpu.memory_space<vmem_shared>>) offsets(%dma_start3A_660 : memref<64xi32, #tpu.memory_space<vmem>>) semaphore(%arg26 : memref<!tpu.dma_semaphore, #tpu.memory_space<semaphore_mem>>) {add = true}
      %lt3A_664 = arith.constant 38 : i32
      %lt3A_665 = arith.cmpi slt, %add3A_565, %lt3A_664 : i32
      %convert_element_type3A_666 = arith.extui %lt3A_665 : i1 to i32
      %cond3A_667 = arith.constant 0 : i32
      %cond3A_668 = arith.cmpi ne, %convert_element_type3A_666, %cond3A_667 : i32
      scf.if %cond3A_668 {
        %add3A_670 = arith.constant 0 : i32
        %add3A_671 = arith.addi %mul3A_567, %add3A_670 : i32
        %dma_wait3A_672 = arith.constant 4 : i32
        %dma_wait3A_673 = arith.constant 0 : i32
        %dma_wait3A_674 = arith.constant 0 : i32
        %dma_wait3A_675 = tpu.memref_slice %arg8[%dma_wait3A_672, %dma_wait3A_673, %dma_wait3A_674] : memref<8x64x64xf32, #tpu.memory_space<vmem>> -> memref<1x64x64xf32, #tpu.memory_space<vmem>>
        %dma_wait3A_676 = tpu.memref_squeeze %dma_wait3A_675 : memref<1x64x64xf32, #tpu.memory_space<vmem>> -> memref<64x64xf32, #tpu.memory_space<vmem>>
        %dma_wait3A_677 = arith.constant 0 : i32
        %dma_wait3A_678 = tpu.memref_slice %arg7[%add3A_671, %dma_wait3A_677] : memref<160x64xi32, #tpu.memory_space<vmem>> -> memref<1x64xi32, #tpu.memory_space<vmem>>
        %dma_wait3A_679 = tpu.memref_squeeze %dma_wait3A_678 : memref<1x64xi32, #tpu.memory_space<vmem>> -> memref<64xi32, #tpu.memory_space<vmem>>
        %dma_wait3A_680 = arith.constant 0 : i32
        %dma_wait3A_681 = arith.constant 0 : i32
        %dma_wait3A_682 = tpu.memref_slice %arg10[%dma_wait3A_680, %dma_wait3A_681] : memref<10240x64xf32, #tpu.memory_space<vmem_shared>> -> memref<10240x64xf32, #tpu.memory_space<vmem_shared>>
        tpu.wait_indirect_dma semaphore(%arg23 : memref<!tpu.dma_semaphore, #tpu.memory_space<semaphore_mem>>) src(%dma_wait3A_676 : memref<64x64xf32, #tpu.memory_space<vmem>>) dst(%dma_wait3A_682 : memref<10240x64xf32, #tpu.memory_space<vmem_shared>>)
        %add3A_683 = arith.constant 8 : i32
        %add3A_684 = arith.addi %add3A_671, %add3A_683 : i32
        %dma_start3A_685 = arith.constant 4 : i32
        %dma_start3A_686 = arith.constant 0 : i32
        %dma_start3A_687 = arith.constant 0 : i32
        %dma_start3A_688 = tpu.memref_slice %arg8[%dma_start3A_685, %dma_start3A_686, %dma_start3A_687] : memref<8x64x64xf32, #tpu.memory_space<vmem>> -> memref<1x64x64xf32, #tpu.memory_space<vmem>>
        %dma_start3A_689 = tpu.memref_squeeze %dma_start3A_688 : memref<1x64x64xf32, #tpu.memory_space<vmem>> -> memref<64x64xf32, #tpu.memory_space<vmem>>
        %dma_start3A_690 = arith.constant 0 : i32
        %dma_start3A_691 = tpu.memref_slice %arg6[%add3A_684, %dma_start3A_690] : memref<160x64xi32, #tpu.memory_space<vmem>> -> memref<1x64xi32, #tpu.memory_space<vmem>>
        %dma_start3A_692 = tpu.memref_squeeze %dma_start3A_691 : memref<1x64xi32, #tpu.memory_space<vmem>> -> memref<64xi32, #tpu.memory_space<vmem>>
        %dma_start3A_693 = arith.constant 0 : i32
        %dma_start3A_694 = arith.constant 0 : i32
        %dma_start3A_695 = tpu.memref_slice %arg2[%dma_start3A_693, %dma_start3A_694] : memref<20480x64xf32, #tpu.memory_space<hbm>> -> memref<20480x64xf32, #tpu.memory_space<hbm>>
        tpu.enqueue_indirect_dma source(%dma_start3A_695 : memref<20480x64xf32, #tpu.memory_space<hbm>>) target(%dma_start3A_689 : memref<64x64xf32, #tpu.memory_space<vmem>>) offsets(%dma_start3A_692 : memref<64xi32, #tpu.memory_space<vmem>>) semaphore(%arg15 : memref<!tpu.dma_semaphore, #tpu.memory_space<semaphore_mem>>)
        %add3A_696 = arith.constant 1 : i32
        %add3A_697 = arith.addi %mul3A_567, %add3A_696 : i32
        %dma_wait3A_698 = arith.constant 5 : i32
        %dma_wait3A_699 = arith.constant 0 : i32
        %dma_wait3A_700 = arith.constant 0 : i32
        %dma_wait3A_701 = tpu.memref_slice %arg8[%dma_wait3A_698, %dma_wait3A_699, %dma_wait3A_700] : memref<8x64x64xf32, #tpu.memory_space<vmem>> -> memref<1x64x64xf32, #tpu.memory_space<vmem>>
        %dma_wait3A_702 = tpu.memref_squeeze %dma_wait3A_701 : memref<1x64x64xf32, #tpu.memory_space<vmem>> -> memref<64x64xf32, #tpu.memory_space<vmem>>
        %dma_wait3A_703 = arith.constant 0 : i32
        %dma_wait3A_704 = tpu.memref_slice %arg7[%add3A_697, %dma_wait3A_703] : memref<160x64xi32, #tpu.memory_space<vmem>> -> memref<1x64xi32, #tpu.memory_space<vmem>>
        %dma_wait3A_705 = tpu.memref_squeeze %dma_wait3A_704 : memref<1x64xi32, #tpu.memory_space<vmem>> -> memref<64xi32, #tpu.memory_space<vmem>>
        %dma_wait3A_706 = arith.constant 0 : i32
        %dma_wait3A_707 = arith.constant 0 : i32
        %dma_wait3A_708 = tpu.memref_slice %arg10[%dma_wait3A_706, %dma_wait3A_707] : memref<10240x64xf32, #tpu.memory_space<vmem_shared>> -> memref<10240x64xf32, #tpu.memory_space<vmem_shared>>
        tpu.wait_indirect_dma semaphore(%arg24 : memref<!tpu.dma_semaphore, #tpu.memory_space<semaphore_mem>>) src(%dma_wait3A_702 : memref<64x64xf32, #tpu.memory_space<vmem>>) dst(%dma_wait3A_708 : memref<10240x64xf32, #tpu.memory_space<vmem_shared>>)
        %add3A_709 = arith.constant 8 : i32
        %add3A_710 = arith.addi %add3A_697, %add3A_709 : i32
        %dma_start3A_711 = arith.constant 5 : i32
        %dma_start3A_712 = arith.constant 0 : i32
        %dma_start3A_713 = arith.constant 0 : i32
        %dma_start3A_714 = tpu.memref_slice %arg8[%dma_start3A_711, %dma_start3A_712, %dma_start3A_713] : memref<8x64x64xf32, #tpu.memory_space<vmem>> -> memref<1x64x64xf32, #tpu.memory_space<vmem>>
        %dma_start3A_715 = tpu.memref_squeeze %dma_start3A_714 : memref<1x64x64xf32, #tpu.memory_space<vmem>> -> memref<64x64xf32, #tpu.memory_space<vmem>>
        %dma_start3A_716 = arith.constant 0 : i32
        %dma_start3A_717 = tpu.memref_slice %arg6[%add3A_710, %dma_start3A_716] : memref<160x64xi32, #tpu.memory_space<vmem>> -> memref<1x64xi32, #tpu.memory_space<vmem>>
        %dma_start3A_718 = tpu.memref_squeeze %dma_start3A_717 : memref<1x64xi32, #tpu.memory_space<vmem>> -> memref<64xi32, #tpu.memory_space<vmem>>
        %dma_start3A_719 = arith.constant 0 : i32
        %dma_start3A_720 = arith.constant 0 : i32
        %dma_start3A_721 = tpu.memref_slice %arg2[%dma_start3A_719, %dma_start3A_720] : memref<20480x64xf32, #tpu.memory_space<hbm>> -> memref<20480x64xf32, #tpu.memory_space<hbm>>
        tpu.enqueue_indirect_dma source(%dma_start3A_721 : memref<20480x64xf32, #tpu.memory_space<hbm>>) target(%dma_start3A_715 : memref<64x64xf32, #tpu.memory_space<vmem>>) offsets(%dma_start3A_718 : memref<64xi32, #tpu.memory_space<vmem>>) semaphore(%arg16 : memref<!tpu.dma_semaphore, #tpu.memory_space<semaphore_mem>>)
        %add3A_722 = arith.constant 2 : i32
        %add3A_723 = arith.addi %mul3A_567, %add3A_722 : i32
        %dma_wait3A_724 = arith.constant 6 : i32
        %dma_wait3A_725 = arith.constant 0 : i32
        %dma_wait3A_726 = arith.constant 0 : i32
        %dma_wait3A_727 = tpu.memref_slice %arg8[%dma_wait3A_724, %dma_wait3A_725, %dma_wait3A_726] : memref<8x64x64xf32, #tpu.memory_space<vmem>> -> memref<1x64x64xf32, #tpu.memory_space<vmem>>
        %dma_wait3A_728 = tpu.memref_squeeze %dma_wait3A_727 : memref<1x64x64xf32, #tpu.memory_space<vmem>> -> memref<64x64xf32, #tpu.memory_space<vmem>>
        %dma_wait3A_729 = arith.constant 0 : i32
        %dma_wait3A_730 = tpu.memref_slice %arg7[%add3A_723, %dma_wait3A_729] : memref<160x64xi32, #tpu.memory_space<vmem>> -> memref<1x64xi32, #tpu.memory_space<vmem>>
        %dma_wait3A_731 = tpu.memref_squeeze %dma_wait3A_730 : memref<1x64xi32, #tpu.memory_space<vmem>> -> memref<64xi32, #tpu.memory_space<vmem>>
        %dma_wait3A_732 = arith.constant 0 : i32
        %dma_wait3A_733 = arith.constant 0 : i32
        %dma_wait3A_734 = tpu.memref_slice %arg10[%dma_wait3A_732, %dma_wait3A_733] : memref<10240x64xf32, #tpu.memory_space<vmem_shared>> -> memref<10240x64xf32, #tpu.memory_space<vmem_shared>>
        tpu.wait_indirect_dma semaphore(%arg25 : memref<!tpu.dma_semaphore, #tpu.memory_space<semaphore_mem>>) src(%dma_wait3A_728 : memref<64x64xf32, #tpu.memory_space<vmem>>) dst(%dma_wait3A_734 : memref<10240x64xf32, #tpu.memory_space<vmem_shared>>)
        %add3A_735 = arith.constant 8 : i32
        %add3A_736 = arith.addi %add3A_723, %add3A_735 : i32
        %dma_start3A_737 = arith.constant 6 : i32
        %dma_start3A_738 = arith.constant 0 : i32
        %dma_start3A_739 = arith.constant 0 : i32
        %dma_start3A_740 = tpu.memref_slice %arg8[%dma_start3A_737, %dma_start3A_738, %dma_start3A_739] : memref<8x64x64xf32, #tpu.memory_space<vmem>> -> memref<1x64x64xf32, #tpu.memory_space<vmem>>
        %dma_start3A_741 = tpu.memref_squeeze %dma_start3A_740 : memref<1x64x64xf32, #tpu.memory_space<vmem>> -> memref<64x64xf32, #tpu.memory_space<vmem>>
        %dma_start3A_742 = arith.constant 0 : i32
        %dma_start3A_743 = tpu.memref_slice %arg6[%add3A_736, %dma_start3A_742] : memref<160x64xi32, #tpu.memory_space<vmem>> -> memref<1x64xi32, #tpu.memory_space<vmem>>
        %dma_start3A_744 = tpu.memref_squeeze %dma_start3A_743 : memref<1x64xi32, #tpu.memory_space<vmem>> -> memref<64xi32, #tpu.memory_space<vmem>>
        %dma_start3A_745 = arith.constant 0 : i32
        %dma_start3A_746 = arith.constant 0 : i32
        %dma_start3A_747 = tpu.memref_slice %arg2[%dma_start3A_745, %dma_start3A_746] : memref<20480x64xf32, #tpu.memory_space<hbm>> -> memref<20480x64xf32, #tpu.memory_space<hbm>>
        tpu.enqueue_indirect_dma source(%dma_start3A_747 : memref<20480x64xf32, #tpu.memory_space<hbm>>) target(%dma_start3A_741 : memref<64x64xf32, #tpu.memory_space<vmem>>) offsets(%dma_start3A_744 : memref<64xi32, #tpu.memory_space<vmem>>) semaphore(%arg17 : memref<!tpu.dma_semaphore, #tpu.memory_space<semaphore_mem>>)
        %add3A_748 = arith.constant 3 : i32
        %add3A_749 = arith.addi %mul3A_567, %add3A_748 : i32
        %dma_wait3A_750 = arith.constant 7 : i32
        %dma_wait3A_751 = arith.constant 0 : i32
        %dma_wait3A_752 = arith.constant 0 : i32
        %dma_wait3A_753 = tpu.memref_slice %arg8[%dma_wait3A_750, %dma_wait3A_751, %dma_wait3A_752] : memref<8x64x64xf32, #tpu.memory_space<vmem>> -> memref<1x64x64xf32, #tpu.memory_space<vmem>>
        %dma_wait3A_754 = tpu.memref_squeeze %dma_wait3A_753 : memref<1x64x64xf32, #tpu.memory_space<vmem>> -> memref<64x64xf32, #tpu.memory_space<vmem>>
        %dma_wait3A_755 = arith.constant 0 : i32
        %dma_wait3A_756 = tpu.memref_slice %arg7[%add3A_749, %dma_wait3A_755] : memref<160x64xi32, #tpu.memory_space<vmem>> -> memref<1x64xi32, #tpu.memory_space<vmem>>
        %dma_wait3A_757 = tpu.memref_squeeze %dma_wait3A_756 : memref<1x64xi32, #tpu.memory_space<vmem>> -> memref<64xi32, #tpu.memory_space<vmem>>
        %dma_wait3A_758 = arith.constant 0 : i32
        %dma_wait3A_759 = arith.constant 0 : i32
        %dma_wait3A_760 = tpu.memref_slice %arg10[%dma_wait3A_758, %dma_wait3A_759] : memref<10240x64xf32, #tpu.memory_space<vmem_shared>> -> memref<10240x64xf32, #tpu.memory_space<vmem_shared>>
        tpu.wait_indirect_dma semaphore(%arg26 : memref<!tpu.dma_semaphore, #tpu.memory_space<semaphore_mem>>) src(%dma_wait3A_754 : memref<64x64xf32, #tpu.memory_space<vmem>>) dst(%dma_wait3A_760 : memref<10240x64xf32, #tpu.memory_space<vmem_shared>>)
        %add3A_761 = arith.constant 8 : i32
        %add3A_762 = arith.addi %add3A_749, %add3A_761 : i32
        %dma_start3A_763 = arith.constant 7 : i32
        %dma_start3A_764 = arith.constant 0 : i32
        %dma_start3A_765 = arith.constant 0 : i32
        %dma_start3A_766 = tpu.memref_slice %arg8[%dma_start3A_763, %dma_start3A_764, %dma_start3A_765] : memref<8x64x64xf32, #tpu.memory_space<vmem>> -> memref<1x64x64xf32, #tpu.memory_space<vmem>>
        %dma_start3A_767 = tpu.memref_squeeze %dma_start3A_766 : memref<1x64x64xf32, #tpu.memory_space<vmem>> -> memref<64x64xf32, #tpu.memory_space<vmem>>
        %dma_start3A_768 = arith.constant 0 : i32
        %dma_start3A_769 = tpu.memref_slice %arg6[%add3A_762, %dma_start3A_768] : memref<160x64xi32, #tpu.memory_space<vmem>> -> memref<1x64xi32, #tpu.memory_space<vmem>>
        %dma_start3A_770 = tpu.memref_squeeze %dma_start3A_769 : memref<1x64xi32, #tpu.memory_space<vmem>> -> memref<64xi32, #tpu.memory_space<vmem>>
        %dma_start3A_771 = arith.constant 0 : i32
        %dma_start3A_772 = arith.constant 0 : i32
        %dma_start3A_773 = tpu.memref_slice %arg2[%dma_start3A_771, %dma_start3A_772] : memref<20480x64xf32, #tpu.memory_space<hbm>> -> memref<20480x64xf32, #tpu.memory_space<hbm>>
        tpu.enqueue_indirect_dma source(%dma_start3A_773 : memref<20480x64xf32, #tpu.memory_space<hbm>>) target(%dma_start3A_767 : memref<64x64xf32, #tpu.memory_space<vmem>>) offsets(%dma_start3A_770 : memref<64xi32, #tpu.memory_space<vmem>>) semaphore(%arg18 : memref<!tpu.dma_semaphore, #tpu.memory_space<semaphore_mem>>)
      } else {
      }
      %scan3A_669 = arith.constant 0 : i32
      scf.yield %scan3A_669 : i32
    }
    %scan3A_129 = arith.constant 20 : i32
    %dma_wait3A = arith.constant 0 : i32
    %dma_wait3A_130 = arith.constant 152 : i32
    %dma_wait3A_131 = arith.constant 0 : i32
    %dma_wait3A_132 = arith.constant 0 : i32
    %dma_wait3A_133 = tpu.memref_slice %arg8[%dma_wait3A, %dma_wait3A_131, %dma_wait3A_132] : memref<8x64x64xf32, #tpu.memory_space<vmem>> -> memref<1x64x64xf32, #tpu.memory_space<vmem>>
    %dma_wait3A_134 = tpu.memref_squeeze %dma_wait3A_133 : memref<1x64x64xf32, #tpu.memory_space<vmem>> -> memref<64x64xf32, #tpu.memory_space<vmem>>
    %dma_wait3A_135 = arith.constant 0 : i32
    %dma_wait3A_136 = tpu.memref_slice %arg7[%dma_wait3A_130, %dma_wait3A_135] : memref<160x64xi32, #tpu.memory_space<vmem>> -> memref<1x64xi32, #tpu.memory_space<vmem>>
    %dma_wait3A_137 = tpu.memref_squeeze %dma_wait3A_136 : memref<1x64xi32, #tpu.memory_space<vmem>> -> memref<64xi32, #tpu.memory_space<vmem>>
    %dma_wait3A_138 = arith.constant 0 : i32
    %dma_wait3A_139 = arith.constant 0 : i32
    %dma_wait3A_140 = tpu.memref_slice %arg10[%dma_wait3A_138, %dma_wait3A_139] : memref<10240x64xf32, #tpu.memory_space<vmem_shared>> -> memref<10240x64xf32, #tpu.memory_space<vmem_shared>>
    tpu.wait_indirect_dma semaphore(%arg19 : memref<!tpu.dma_semaphore, #tpu.memory_space<semaphore_mem>>) src(%dma_wait3A_134 : memref<64x64xf32, #tpu.memory_space<vmem>>) dst(%dma_wait3A_140 : memref<10240x64xf32, #tpu.memory_space<vmem_shared>>)
    %dma_wait3A_141 = arith.constant 1 : i32
    %dma_wait3A_142 = arith.constant 153 : i32
    %dma_wait3A_143 = arith.constant 0 : i32
    %dma_wait3A_144 = arith.constant 0 : i32
    %dma_wait3A_145 = tpu.memref_slice %arg8[%dma_wait3A_141, %dma_wait3A_143, %dma_wait3A_144] : memref<8x64x64xf32, #tpu.memory_space<vmem>> -> memref<1x64x64xf32, #tpu.memory_space<vmem>>
    %dma_wait3A_146 = tpu.memref_squeeze %dma_wait3A_145 : memref<1x64x64xf32, #tpu.memory_space<vmem>> -> memref<64x64xf32, #tpu.memory_space<vmem>>
    %dma_wait3A_147 = arith.constant 0 : i32
    %dma_wait3A_148 = tpu.memref_slice %arg7[%dma_wait3A_142, %dma_wait3A_147] : memref<160x64xi32, #tpu.memory_space<vmem>> -> memref<1x64xi32, #tpu.memory_space<vmem>>
    %dma_wait3A_149 = tpu.memref_squeeze %dma_wait3A_148 : memref<1x64xi32, #tpu.memory_space<vmem>> -> memref<64xi32, #tpu.memory_space<vmem>>
    %dma_wait3A_150 = arith.constant 0 : i32
    %dma_wait3A_151 = arith.constant 0 : i32
    %dma_wait3A_152 = tpu.memref_slice %arg10[%dma_wait3A_150, %dma_wait3A_151] : memref<10240x64xf32, #tpu.memory_space<vmem_shared>> -> memref<10240x64xf32, #tpu.memory_space<vmem_shared>>
    tpu.wait_indirect_dma semaphore(%arg20 : memref<!tpu.dma_semaphore, #tpu.memory_space<semaphore_mem>>) src(%dma_wait3A_146 : memref<64x64xf32, #tpu.memory_space<vmem>>) dst(%dma_wait3A_152 : memref<10240x64xf32, #tpu.memory_space<vmem_shared>>)
    %dma_wait3A_153 = arith.constant 2 : i32
    %dma_wait3A_154 = arith.constant 154 : i32
    %dma_wait3A_155 = arith.constant 0 : i32
    %dma_wait3A_156 = arith.constant 0 : i32
    %dma_wait3A_157 = tpu.memref_slice %arg8[%dma_wait3A_153, %dma_wait3A_155, %dma_wait3A_156] : memref<8x64x64xf32, #tpu.memory_space<vmem>> -> memref<1x64x64xf32, #tpu.memory_space<vmem>>
    %dma_wait3A_158 = tpu.memref_squeeze %dma_wait3A_157 : memref<1x64x64xf32, #tpu.memory_space<vmem>> -> memref<64x64xf32, #tpu.memory_space<vmem>>
    %dma_wait3A_159 = arith.constant 0 : i32
    %dma_wait3A_160 = tpu.memref_slice %arg7[%dma_wait3A_154, %dma_wait3A_159] : memref<160x64xi32, #tpu.memory_space<vmem>> -> memref<1x64xi32, #tpu.memory_space<vmem>>
    %dma_wait3A_161 = tpu.memref_squeeze %dma_wait3A_160 : memref<1x64xi32, #tpu.memory_space<vmem>> -> memref<64xi32, #tpu.memory_space<vmem>>
    %dma_wait3A_162 = arith.constant 0 : i32
    %dma_wait3A_163 = arith.constant 0 : i32
    %dma_wait3A_164 = tpu.memref_slice %arg10[%dma_wait3A_162, %dma_wait3A_163] : memref<10240x64xf32, #tpu.memory_space<vmem_shared>> -> memref<10240x64xf32, #tpu.memory_space<vmem_shared>>
    tpu.wait_indirect_dma semaphore(%arg21 : memref<!tpu.dma_semaphore, #tpu.memory_space<semaphore_mem>>) src(%dma_wait3A_158 : memref<64x64xf32, #tpu.memory_space<vmem>>) dst(%dma_wait3A_164 : memref<10240x64xf32, #tpu.memory_space<vmem_shared>>)
    %dma_wait3A_165 = arith.constant 3 : i32
    %dma_wait3A_166 = arith.constant 155 : i32
    %dma_wait3A_167 = arith.constant 0 : i32
    %dma_wait3A_168 = arith.constant 0 : i32
    %dma_wait3A_169 = tpu.memref_slice %arg8[%dma_wait3A_165, %dma_wait3A_167, %dma_wait3A_168] : memref<8x64x64xf32, #tpu.memory_space<vmem>> -> memref<1x64x64xf32, #tpu.memory_space<vmem>>
    %dma_wait3A_170 = tpu.memref_squeeze %dma_wait3A_169 : memref<1x64x64xf32, #tpu.memory_space<vmem>> -> memref<64x64xf32, #tpu.memory_space<vmem>>
    %dma_wait3A_171 = arith.constant 0 : i32
    %dma_wait3A_172 = tpu.memref_slice %arg7[%dma_wait3A_166, %dma_wait3A_171] : memref<160x64xi32, #tpu.memory_space<vmem>> -> memref<1x64xi32, #tpu.memory_space<vmem>>
    %dma_wait3A_173 = tpu.memref_squeeze %dma_wait3A_172 : memref<1x64xi32, #tpu.memory_space<vmem>> -> memref<64xi32, #tpu.memory_space<vmem>>
    %dma_wait3A_174 = arith.constant 0 : i32
    %dma_wait3A_175 = arith.constant 0 : i32
    %dma_wait3A_176 = tpu.memref_slice %arg10[%dma_wait3A_174, %dma_wait3A_175] : memref<10240x64xf32, #tpu.memory_space<vmem_shared>> -> memref<10240x64xf32, #tpu.memory_space<vmem_shared>>
    tpu.wait_indirect_dma semaphore(%arg22 : memref<!tpu.dma_semaphore, #tpu.memory_space<semaphore_mem>>) src(%dma_wait3A_170 : memref<64x64xf32, #tpu.memory_space<vmem>>) dst(%dma_wait3A_176 : memref<10240x64xf32, #tpu.memory_space<vmem_shared>>)
    %dma_wait3A_177 = arith.constant 4 : i32
    %dma_wait3A_178 = arith.constant 156 : i32
    %dma_wait3A_179 = arith.constant 0 : i32
    %dma_wait3A_180 = arith.constant 0 : i32
    %dma_wait3A_181 = tpu.memref_slice %arg8[%dma_wait3A_177, %dma_wait3A_179, %dma_wait3A_180] : memref<8x64x64xf32, #tpu.memory_space<vmem>> -> memref<1x64x64xf32, #tpu.memory_space<vmem>>
    %dma_wait3A_182 = tpu.memref_squeeze %dma_wait3A_181 : memref<1x64x64xf32, #tpu.memory_space<vmem>> -> memref<64x64xf32, #tpu.memory_space<vmem>>
    %dma_wait3A_183 = arith.constant 0 : i32
    %dma_wait3A_184 = tpu.memref_slice %arg7[%dma_wait3A_178, %dma_wait3A_183] : memref<160x64xi32, #tpu.memory_space<vmem>> -> memref<1x64xi32, #tpu.memory_space<vmem>>
    %dma_wait3A_185 = tpu.memref_squeeze %dma_wait3A_184 : memref<1x64xi32, #tpu.memory_space<vmem>> -> memref<64xi32, #tpu.memory_space<vmem>>
    %dma_wait3A_186 = arith.constant 0 : i32
    %dma_wait3A_187 = arith.constant 0 : i32
    %dma_wait3A_188 = tpu.memref_slice %arg10[%dma_wait3A_186, %dma_wait3A_187] : memref<10240x64xf32, #tpu.memory_space<vmem_shared>> -> memref<10240x64xf32, #tpu.memory_space<vmem_shared>>
    tpu.wait_indirect_dma semaphore(%arg23 : memref<!tpu.dma_semaphore, #tpu.memory_space<semaphore_mem>>) src(%dma_wait3A_182 : memref<64x64xf32, #tpu.memory_space<vmem>>) dst(%dma_wait3A_188 : memref<10240x64xf32, #tpu.memory_space<vmem_shared>>)
    %dma_wait3A_189 = arith.constant 5 : i32
    %dma_wait3A_190 = arith.constant 157 : i32
    %dma_wait3A_191 = arith.constant 0 : i32
    %dma_wait3A_192 = arith.constant 0 : i32
    %dma_wait3A_193 = tpu.memref_slice %arg8[%dma_wait3A_189, %dma_wait3A_191, %dma_wait3A_192] : memref<8x64x64xf32, #tpu.memory_space<vmem>> -> memref<1x64x64xf32, #tpu.memory_space<vmem>>
    %dma_wait3A_194 = tpu.memref_squeeze %dma_wait3A_193 : memref<1x64x64xf32, #tpu.memory_space<vmem>> -> memref<64x64xf32, #tpu.memory_space<vmem>>
    %dma_wait3A_195 = arith.constant 0 : i32
    %dma_wait3A_196 = tpu.memref_slice %arg7[%dma_wait3A_190, %dma_wait3A_195] : memref<160x64xi32, #tpu.memory_space<vmem>> -> memref<1x64xi32, #tpu.memory_space<vmem>>
    %dma_wait3A_197 = tpu.memref_squeeze %dma_wait3A_196 : memref<1x64xi32, #tpu.memory_space<vmem>> -> memref<64xi32, #tpu.memory_space<vmem>>
    %dma_wait3A_198 = arith.constant 0 : i32
    %dma_wait3A_199 = arith.constant 0 : i32
    %dma_wait3A_200 = tpu.memref_slice %arg10[%dma_wait3A_198, %dma_wait3A_199] : memref<10240x64xf32, #tpu.memory_space<vmem_shared>> -> memref<10240x64xf32, #tpu.memory_space<vmem_shared>>
    tpu.wait_indirect_dma semaphore(%arg24 : memref<!tpu.dma_semaphore, #tpu.memory_space<semaphore_mem>>) src(%dma_wait3A_194 : memref<64x64xf32, #tpu.memory_space<vmem>>) dst(%dma_wait3A_200 : memref<10240x64xf32, #tpu.memory_space<vmem_shared>>)
    %dma_wait3A_201 = arith.constant 6 : i32
    %dma_wait3A_202 = arith.constant 158 : i32
    %dma_wait3A_203 = arith.constant 0 : i32
    %dma_wait3A_204 = arith.constant 0 : i32
    %dma_wait3A_205 = tpu.memref_slice %arg8[%dma_wait3A_201, %dma_wait3A_203, %dma_wait3A_204] : memref<8x64x64xf32, #tpu.memory_space<vmem>> -> memref<1x64x64xf32, #tpu.memory_space<vmem>>
    %dma_wait3A_206 = tpu.memref_squeeze %dma_wait3A_205 : memref<1x64x64xf32, #tpu.memory_space<vmem>> -> memref<64x64xf32, #tpu.memory_space<vmem>>
    %dma_wait3A_207 = arith.constant 0 : i32
    %dma_wait3A_208 = tpu.memref_slice %arg7[%dma_wait3A_202, %dma_wait3A_207] : memref<160x64xi32, #tpu.memory_space<vmem>> -> memref<1x64xi32, #tpu.memory_space<vmem>>
    %dma_wait3A_209 = tpu.memref_squeeze %dma_wait3A_208 : memref<1x64xi32, #tpu.memory_space<vmem>> -> memref<64xi32, #tpu.memory_space<vmem>>
    %dma_wait3A_210 = arith.constant 0 : i32
    %dma_wait3A_211 = arith.constant 0 : i32
    %dma_wait3A_212 = tpu.memref_slice %arg10[%dma_wait3A_210, %dma_wait3A_211] : memref<10240x64xf32, #tpu.memory_space<vmem_shared>> -> memref<10240x64xf32, #tpu.memory_space<vmem_shared>>
    tpu.wait_indirect_dma semaphore(%arg25 : memref<!tpu.dma_semaphore, #tpu.memory_space<semaphore_mem>>) src(%dma_wait3A_206 : memref<64x64xf32, #tpu.memory_space<vmem>>) dst(%dma_wait3A_212 : memref<10240x64xf32, #tpu.memory_space<vmem_shared>>)
    %dma_wait3A_213 = arith.constant 7 : i32
    %dma_wait3A_214 = arith.constant 159 : i32
    %dma_wait3A_215 = arith.constant 0 : i32
    %dma_wait3A_216 = arith.constant 0 : i32
    %dma_wait3A_217 = tpu.memref_slice %arg8[%dma_wait3A_213, %dma_wait3A_215, %dma_wait3A_216] : memref<8x64x64xf32, #tpu.memory_space<vmem>> -> memref<1x64x64xf32, #tpu.memory_space<vmem>>
    %dma_wait3A_218 = tpu.memref_squeeze %dma_wait3A_217 : memref<1x64x64xf32, #tpu.memory_space<vmem>> -> memref<64x64xf32, #tpu.memory_space<vmem>>
    %dma_wait3A_219 = arith.constant 0 : i32
    %dma_wait3A_220 = tpu.memref_slice %arg7[%dma_wait3A_214, %dma_wait3A_219] : memref<160x64xi32, #tpu.memory_space<vmem>> -> memref<1x64xi32, #tpu.memory_space<vmem>>
    %dma_wait3A_221 = tpu.memref_squeeze %dma_wait3A_220 : memref<1x64xi32, #tpu.memory_space<vmem>> -> memref<64xi32, #tpu.memory_space<vmem>>
    %dma_wait3A_222 = arith.constant 0 : i32
    %dma_wait3A_223 = arith.constant 0 : i32
    %dma_wait3A_224 = tpu.memref_slice %arg10[%dma_wait3A_222, %dma_wait3A_223] : memref<10240x64xf32, #tpu.memory_space<vmem_shared>> -> memref<10240x64xf32, #tpu.memory_space<vmem_shared>>
    tpu.wait_indirect_dma semaphore(%arg26 : memref<!tpu.dma_semaphore, #tpu.memory_space<semaphore_mem>>) src(%dma_wait3A_218 : memref<64x64xf32, #tpu.memory_space<vmem>>) dst(%dma_wait3A_224 : memref<10240x64xf32, #tpu.memory_space<vmem_shared>>)
    %barrier3A_225 = arith.constant 0 : index
    tpu.barrier barrier_id(%barrier3A_225)
    %mul3A_226 = arith.constant 640 : i32
    %mul3A_227 = arith.muli %arg1, %mul3A_226 : i32
    %mul3A_228 = arith.constant 640 : i32
    %mul3A_229 = arith.muli %arg1, %mul3A_228 : i32
    "tpu.region"() ({
      %run_scoped3A_456 = tpu.sem_alloc : memref<!tpu.dma_semaphore, #tpu.memory_space<semaphore_mem>>
      %dma_start3A_457 = arith.constant 0 : i32
      %dma_start3A_458 = tpu.memref_slice %arg5[%arg0, %mul3A_229, %dma_start3A_457] : memref<2x10240x128xf32, #tpu.memory_space<hbm>> -> memref<1x640x64xf32, #tpu.memory_space<hbm>>
      %dma_start3A_459 = tpu.memref_squeeze %dma_start3A_458 : memref<1x640x64xf32, #tpu.memory_space<hbm>> -> memref<640x64xf32, #tpu.memory_space<hbm>>
      %dma_start3A_460 = arith.constant 0 : i32
      %dma_start3A_461 = tpu.memref_slice %arg10[%mul3A_227, %dma_start3A_460] : memref<10240x64xf32, #tpu.memory_space<vmem_shared>> -> memref<640x64xf32, #tpu.memory_space<vmem_shared>>
      tpu.enqueue_dma source(%dma_start3A_461 : memref<640x64xf32, #tpu.memory_space<vmem_shared>>) target(%dma_start3A_459 : memref<640x64xf32, #tpu.memory_space<hbm>>) target_semaphore(%run_scoped3A_456 : memref<!tpu.dma_semaphore, #tpu.memory_space<semaphore_mem>>)
      %dma_wait3A_462 = arith.constant 0 : i32
      %dma_wait3A_463 = tpu.memref_slice %arg5[%arg0, %mul3A_229, %dma_wait3A_462] : memref<2x10240x128xf32, #tpu.memory_space<hbm>> -> memref<1x640x64xf32, #tpu.memory_space<hbm>>
      %dma_wait3A_464 = tpu.memref_squeeze %dma_wait3A_463 : memref<1x640x64xf32, #tpu.memory_space<hbm>> -> memref<640x64xf32, #tpu.memory_space<hbm>>
      %dma_wait3A_465 = arith.constant 0 : i32
      %dma_wait3A_466 = tpu.memref_slice %arg10[%mul3A_227, %dma_wait3A_465] : memref<10240x64xf32, #tpu.memory_space<vmem_shared>> -> memref<640x64xf32, #tpu.memory_space<vmem_shared>>
      tpu.wait_dma2 semaphore(%run_scoped3A_456 : memref<!tpu.dma_semaphore, #tpu.memory_space<semaphore_mem>>) src(%dma_wait3A_466 : memref<640x64xf32, #tpu.memory_space<vmem_shared>>) dst(%dma_wait3A_464 : memref<640x64xf32, #tpu.memory_space<hbm>>)
      tpu.yield
    }) : () -> ()
    %run_scoped3A_230 = arith.constant 1 : i32
    "tpu.region"() ({
      %run_scoped3A_456 = tpu.sem_alloc : memref<!tpu.dma_semaphore, #tpu.memory_space<semaphore_mem>>
      %dma_start3A_457 = arith.constant 0 : i32
      %dma_start3A_458 = arith.constant 0 : i32
      %dma_start3A_459 = tpu.memref_slice %arg3[%run_scoped3A_230, %add3A, %dma_start3A_457, %dma_start3A_458] : memref<2x32x160x64xi32, #tpu.memory_space<hbm>> -> memref<1x1x160x64xi32, #tpu.memory_space<hbm>>
      %dma_start3A_460 = tpu.memref_squeeze %dma_start3A_459 : memref<1x1x160x64xi32, #tpu.memory_space<hbm>> -> memref<160x64xi32, #tpu.memory_space<hbm>>
      %dma_start3A_461 = arith.constant 0 : i32
      %dma_start3A_462 = arith.constant 0 : i32
      %dma_start3A_463 = tpu.memref_slice %arg3[%run_scoped3A_230, %add3A, %dma_start3A_461, %dma_start3A_462] : memref<2x32x160x64xi32, #tpu.memory_space<hbm>> -> memref<1x1x160x64xi32, #tpu.memory_space<hbm>>
      %dma_start3A_464 = tpu.memref_squeeze %dma_start3A_463 : memref<1x1x160x64xi32, #tpu.memory_space<hbm>> -> memref<160x64xi32, #tpu.memory_space<hbm>>
      tpu.enqueue_dma source(%dma_start3A_464 : memref<160x64xi32, #tpu.memory_space<hbm>>) target(%arg6 : memref<160x64xi32, #tpu.memory_space<vmem>>) target_semaphore(%run_scoped3A_456 : memref<!tpu.dma_semaphore, #tpu.memory_space<semaphore_mem>>)
      %dma_wait3A_465 = arith.constant 0 : i32
      %dma_wait3A_466 = arith.constant 0 : i32
      %dma_wait3A_467 = tpu.memref_slice %arg3[%run_scoped3A_230, %add3A, %dma_wait3A_465, %dma_wait3A_466] : memref<2x32x160x64xi32, #tpu.memory_space<hbm>> -> memref<1x1x160x64xi32, #tpu.memory_space<hbm>>
      %dma_wait3A_468 = tpu.memref_squeeze %dma_wait3A_467 : memref<1x1x160x64xi32, #tpu.memory_space<hbm>> -> memref<160x64xi32, #tpu.memory_space<hbm>>
      %dma_wait3A_469 = arith.constant 0 : i32
      %dma_wait3A_470 = arith.constant 0 : i32
      %dma_wait3A_471 = tpu.memref_slice %arg3[%run_scoped3A_230, %add3A, %dma_wait3A_469, %dma_wait3A_470] : memref<2x32x160x64xi32, #tpu.memory_space<hbm>> -> memref<1x1x160x64xi32, #tpu.memory_space<hbm>>
      %dma_wait3A_472 = tpu.memref_squeeze %dma_wait3A_471 : memref<1x1x160x64xi32, #tpu.memory_space<hbm>> -> memref<160x64xi32, #tpu.memory_space<hbm>>
      tpu.wait_dma2 semaphore(%run_scoped3A_456 : memref<!tpu.dma_semaphore, #tpu.memory_space<semaphore_mem>>) src(%dma_wait3A_472 : memref<160x64xi32, #tpu.memory_space<hbm>>) dst(%arg6 : memref<160x64xi32, #tpu.memory_space<vmem>>)
      tpu.yield
    }) : () -> ()
    %mul3A_231 = arith.constant 640 : i32
    %mul3A_232 = arith.muli %arg1, %mul3A_231 : i32
    %add3A_233 = arith.constant 0 : i32
    %add3A_234 = arith.addi %mul3A_232, %add3A_233 : i32
    "tpu.region"() ({
      %run_scoped3A_456 = tpu.sem_alloc : memref<!tpu.dma_semaphore, #tpu.memory_space<semaphore_mem>>
      %dma_start3A_457 = arith.constant 0 : i32
      %dma_start3A_458 = tpu.memref_slice %arg10[%add3A_234, %dma_start3A_457] : memref<10240x64xf32, #tpu.memory_space<vmem_shared>> -> memref<128x64xf32, #tpu.memory_space<vmem_shared>>
      %dma_start3A_459 = arith.constant 0 : i32
      %dma_start3A_460 = tpu.memref_slice %arg10[%add3A_234, %dma_start3A_459] : memref<10240x64xf32, #tpu.memory_space<vmem_shared>> -> memref<128x64xf32, #tpu.memory_space<vmem_shared>>
      tpu.enqueue_dma source(%arg9 : memref<128x64xf32, #tpu.memory_space<vmem>>) target(%dma_start3A_460 : memref<128x64xf32, #tpu.memory_space<vmem_shared>>) target_semaphore(%run_scoped3A_456 : memref<!tpu.dma_semaphore, #tpu.memory_space<semaphore_mem>>)
      %dma_wait3A_461 = arith.constant 0 : i32
      %dma_wait3A_462 = tpu.memref_slice %arg10[%add3A_234, %dma_wait3A_461] : memref<10240x64xf32, #tpu.memory_space<vmem_shared>> -> memref<128x64xf32, #tpu.memory_space<vmem_shared>>
      %dma_wait3A_463 = arith.constant 0 : i32
      %dma_wait3A_464 = tpu.memref_slice %arg10[%add3A_234, %dma_wait3A_463] : memref<10240x64xf32, #tpu.memory_space<vmem_shared>> -> memref<128x64xf32, #tpu.memory_space<vmem_shared>>
      tpu.wait_dma2 semaphore(%run_scoped3A_456 : memref<!tpu.dma_semaphore, #tpu.memory_space<semaphore_mem>>) src(%arg9 : memref<128x64xf32, #tpu.memory_space<vmem>>) dst(%dma_wait3A_464 : memref<128x64xf32, #tpu.memory_space<vmem_shared>>)
      tpu.yield
    }) : () -> ()
    %mul3A_235 = arith.constant 640 : i32
    %mul3A_236 = arith.muli %arg1, %mul3A_235 : i32
    %add3A_237 = arith.constant 128 : i32
    %add3A_238 = arith.addi %mul3A_236, %add3A_237 : i32
    "tpu.region"() ({
      %run_scoped3A_456 = tpu.sem_alloc : memref<!tpu.dma_semaphore, #tpu.memory_space<semaphore_mem>>
      %dma_start3A_457 = arith.constant 0 : i32
      %dma_start3A_458 = tpu.memref_slice %arg10[%add3A_238, %dma_start3A_457] : memref<10240x64xf32, #tpu.memory_space<vmem_shared>> -> memref<128x64xf32, #tpu.memory_space<vmem_shared>>
      %dma_start3A_459 = arith.constant 0 : i32
      %dma_start3A_460 = tpu.memref_slice %arg10[%add3A_238, %dma_start3A_459] : memref<10240x64xf32, #tpu.memory_space<vmem_shared>> -> memref<128x64xf32, #tpu.memory_space<vmem_shared>>
      tpu.enqueue_dma source(%arg9 : memref<128x64xf32, #tpu.memory_space<vmem>>) target(%dma_start3A_460 : memref<128x64xf32, #tpu.memory_space<vmem_shared>>) target_semaphore(%run_scoped3A_456 : memref<!tpu.dma_semaphore, #tpu.memory_space<semaphore_mem>>)
      %dma_wait3A_461 = arith.constant 0 : i32
      %dma_wait3A_462 = tpu.memref_slice %arg10[%add3A_238, %dma_wait3A_461] : memref<10240x64xf32, #tpu.memory_space<vmem_shared>> -> memref<128x64xf32, #tpu.memory_space<vmem_shared>>
      %dma_wait3A_463 = arith.constant 0 : i32
      %dma_wait3A_464 = tpu.memref_slice %arg10[%add3A_238, %dma_wait3A_463] : memref<10240x64xf32, #tpu.memory_space<vmem_shared>> -> memref<128x64xf32, #tpu.memory_space<vmem_shared>>
      tpu.wait_dma2 semaphore(%run_scoped3A_456 : memref<!tpu.dma_semaphore, #tpu.memory_space<semaphore_mem>>) src(%arg9 : memref<128x64xf32, #tpu.memory_space<vmem>>) dst(%dma_wait3A_464 : memref<128x64xf32, #tpu.memory_space<vmem_shared>>)
      tpu.yield
    }) : () -> ()
    %mul3A_239 = arith.constant 640 : i32
    %mul3A_240 = arith.muli %arg1, %mul3A_239 : i32
    %add3A_241 = arith.constant 256 : i32
    %add3A_242 = arith.addi %mul3A_240, %add3A_241 : i32
    "tpu.region"() ({
      %run_scoped3A_456 = tpu.sem_alloc : memref<!tpu.dma_semaphore, #tpu.memory_space<semaphore_mem>>
      %dma_start3A_457 = arith.constant 0 : i32
      %dma_start3A_458 = tpu.memref_slice %arg10[%add3A_242, %dma_start3A_457] : memref<10240x64xf32, #tpu.memory_space<vmem_shared>> -> memref<128x64xf32, #tpu.memory_space<vmem_shared>>
      %dma_start3A_459 = arith.constant 0 : i32
      %dma_start3A_460 = tpu.memref_slice %arg10[%add3A_242, %dma_start3A_459] : memref<10240x64xf32, #tpu.memory_space<vmem_shared>> -> memref<128x64xf32, #tpu.memory_space<vmem_shared>>
      tpu.enqueue_dma source(%arg9 : memref<128x64xf32, #tpu.memory_space<vmem>>) target(%dma_start3A_460 : memref<128x64xf32, #tpu.memory_space<vmem_shared>>) target_semaphore(%run_scoped3A_456 : memref<!tpu.dma_semaphore, #tpu.memory_space<semaphore_mem>>)
      %dma_wait3A_461 = arith.constant 0 : i32
      %dma_wait3A_462 = tpu.memref_slice %arg10[%add3A_242, %dma_wait3A_461] : memref<10240x64xf32, #tpu.memory_space<vmem_shared>> -> memref<128x64xf32, #tpu.memory_space<vmem_shared>>
      %dma_wait3A_463 = arith.constant 0 : i32
      %dma_wait3A_464 = tpu.memref_slice %arg10[%add3A_242, %dma_wait3A_463] : memref<10240x64xf32, #tpu.memory_space<vmem_shared>> -> memref<128x64xf32, #tpu.memory_space<vmem_shared>>
      tpu.wait_dma2 semaphore(%run_scoped3A_456 : memref<!tpu.dma_semaphore, #tpu.memory_space<semaphore_mem>>) src(%arg9 : memref<128x64xf32, #tpu.memory_space<vmem>>) dst(%dma_wait3A_464 : memref<128x64xf32, #tpu.memory_space<vmem_shared>>)
      tpu.yield
    }) : () -> ()
    %mul3A_243 = arith.constant 640 : i32
    %mul3A_244 = arith.muli %arg1, %mul3A_243 : i32
    %add3A_245 = arith.constant 384 : i32
    %add3A_246 = arith.addi %mul3A_244, %add3A_245 : i32
    "tpu.region"() ({
      %run_scoped3A_456 = tpu.sem_alloc : memref<!tpu.dma_semaphore, #tpu.memory_space<semaphore_mem>>
      %dma_start3A_457 = arith.constant 0 : i32
      %dma_start3A_458 = tpu.memref_slice %arg10[%add3A_246, %dma_start3A_457] : memref<10240x64xf32, #tpu.memory_space<vmem_shared>> -> memref<128x64xf32, #tpu.memory_space<vmem_shared>>
      %dma_start3A_459 = arith.constant 0 : i32
      %dma_start3A_460 = tpu.memref_slice %arg10[%add3A_246, %dma_start3A_459] : memref<10240x64xf32, #tpu.memory_space<vmem_shared>> -> memref<128x64xf32, #tpu.memory_space<vmem_shared>>
      tpu.enqueue_dma source(%arg9 : memref<128x64xf32, #tpu.memory_space<vmem>>) target(%dma_start3A_460 : memref<128x64xf32, #tpu.memory_space<vmem_shared>>) target_semaphore(%run_scoped3A_456 : memref<!tpu.dma_semaphore, #tpu.memory_space<semaphore_mem>>)
      %dma_wait3A_461 = arith.constant 0 : i32
      %dma_wait3A_462 = tpu.memref_slice %arg10[%add3A_246, %dma_wait3A_461] : memref<10240x64xf32, #tpu.memory_space<vmem_shared>> -> memref<128x64xf32, #tpu.memory_space<vmem_shared>>
      %dma_wait3A_463 = arith.constant 0 : i32
      %dma_wait3A_464 = tpu.memref_slice %arg10[%add3A_246, %dma_wait3A_463] : memref<10240x64xf32, #tpu.memory_space<vmem_shared>> -> memref<128x64xf32, #tpu.memory_space<vmem_shared>>
      tpu.wait_dma2 semaphore(%run_scoped3A_456 : memref<!tpu.dma_semaphore, #tpu.memory_space<semaphore_mem>>) src(%arg9 : memref<128x64xf32, #tpu.memory_space<vmem>>) dst(%dma_wait3A_464 : memref<128x64xf32, #tpu.memory_space<vmem_shared>>)
      tpu.yield
    }) : () -> ()
    %mul3A_247 = arith.constant 640 : i32
    %mul3A_248 = arith.muli %arg1, %mul3A_247 : i32
    %add3A_249 = arith.constant 512 : i32
    %add3A_250 = arith.addi %mul3A_248, %add3A_249 : i32
    "tpu.region"() ({
      %run_scoped3A_456 = tpu.sem_alloc : memref<!tpu.dma_semaphore, #tpu.memory_space<semaphore_mem>>
      %dma_start3A_457 = arith.constant 0 : i32
      %dma_start3A_458 = tpu.memref_slice %arg10[%add3A_250, %dma_start3A_457] : memref<10240x64xf32, #tpu.memory_space<vmem_shared>> -> memref<128x64xf32, #tpu.memory_space<vmem_shared>>
      %dma_start3A_459 = arith.constant 0 : i32
      %dma_start3A_460 = tpu.memref_slice %arg10[%add3A_250, %dma_start3A_459] : memref<10240x64xf32, #tpu.memory_space<vmem_shared>> -> memref<128x64xf32, #tpu.memory_space<vmem_shared>>
      tpu.enqueue_dma source(%arg9 : memref<128x64xf32, #tpu.memory_space<vmem>>) target(%dma_start3A_460 : memref<128x64xf32, #tpu.memory_space<vmem_shared>>) target_semaphore(%run_scoped3A_456 : memref<!tpu.dma_semaphore, #tpu.memory_space<semaphore_mem>>)
      %dma_wait3A_461 = arith.constant 0 : i32
      %dma_wait3A_462 = tpu.memref_slice %arg10[%add3A_250, %dma_wait3A_461] : memref<10240x64xf32, #tpu.memory_space<vmem_shared>> -> memref<128x64xf32, #tpu.memory_space<vmem_shared>>
      %dma_wait3A_463 = arith.constant 0 : i32
      %dma_wait3A_464 = tpu.memref_slice %arg10[%add3A_250, %dma_wait3A_463] : memref<10240x64xf32, #tpu.memory_space<vmem_shared>> -> memref<128x64xf32, #tpu.memory_space<vmem_shared>>
      tpu.wait_dma2 semaphore(%run_scoped3A_456 : memref<!tpu.dma_semaphore, #tpu.memory_space<semaphore_mem>>) src(%arg9 : memref<128x64xf32, #tpu.memory_space<vmem>>) dst(%dma_wait3A_464 : memref<128x64xf32, #tpu.memory_space<vmem_shared>>)
      tpu.yield
    }) : () -> ()
    %barrier3A_251 = arith.constant 0 : index
    tpu.barrier barrier_id(%barrier3A_251)
    %dma_start3A_252 = arith.constant 0 : i32
    %dma_start3A_253 = arith.constant 0 : i32
    %dma_start3A_254 = arith.constant 0 : i32
    %dma_start3A_255 = arith.constant 0 : i32
    %dma_start3A_256 = tpu.memref_slice %arg8[%dma_start3A_253, %dma_start3A_254, %dma_start3A_255] : memref<8x64x64xf32, #tpu.memory_space<vmem>> -> memref<1x64x64xf32, #tpu.memory_space<vmem>>
    %dma_start3A_257 = tpu.memref_squeeze %dma_start3A_256 : memref<1x64x64xf32, #tpu.memory_space<vmem>> -> memref<64x64xf32, #tpu.memory_space<vmem>>
    %dma_start3A_258 = arith.constant 0 : i32
    %dma_start3A_259 = tpu.memref_slice %arg6[%dma_start3A_252, %dma_start3A_258] : memref<160x64xi32, #tpu.memory_space<vmem>> -> memref<1x64xi32, #tpu.memory_space<vmem>>
    %dma_start3A_260 = tpu.memref_squeeze %dma_start3A_259 : memref<1x64xi32, #tpu.memory_space<vmem>> -> memref<64xi32, #tpu.memory_space<vmem>>
    %dma_start3A_261 = arith.constant 0 : i32
    %dma_start3A_262 = arith.constant 0 : i32
    %dma_start3A_263 = tpu.memref_slice %arg2[%dma_start3A_261, %dma_start3A_262] : memref<20480x64xf32, #tpu.memory_space<hbm>> -> memref<20480x64xf32, #tpu.memory_space<hbm>>
    tpu.enqueue_indirect_dma source(%dma_start3A_263 : memref<20480x64xf32, #tpu.memory_space<hbm>>) target(%dma_start3A_257 : memref<64x64xf32, #tpu.memory_space<vmem>>) offsets(%dma_start3A_260 : memref<64xi32, #tpu.memory_space<vmem>>) semaphore(%arg11 : memref<!tpu.dma_semaphore, #tpu.memory_space<semaphore_mem>>)
    %dma_start3A_264 = arith.constant 1 : i32
    %dma_start3A_265 = arith.constant 1 : i32
    %dma_start3A_266 = arith.constant 0 : i32
    %dma_start3A_267 = arith.constant 0 : i32
    %dma_start3A_268 = tpu.memref_slice %arg8[%dma_start3A_265, %dma_start3A_266, %dma_start3A_267] : memref<8x64x64xf32, #tpu.memory_space<vmem>> -> memref<1x64x64xf32, #tpu.memory_space<vmem>>
    %dma_start3A_269 = tpu.memref_squeeze %dma_start3A_268 : memref<1x64x64xf32, #tpu.memory_space<vmem>> -> memref<64x64xf32, #tpu.memory_space<vmem>>
    %dma_start3A_270 = arith.constant 0 : i32
    %dma_start3A_271 = tpu.memref_slice %arg6[%dma_start3A_264, %dma_start3A_270] : memref<160x64xi32, #tpu.memory_space<vmem>> -> memref<1x64xi32, #tpu.memory_space<vmem>>
    %dma_start3A_272 = tpu.memref_squeeze %dma_start3A_271 : memref<1x64xi32, #tpu.memory_space<vmem>> -> memref<64xi32, #tpu.memory_space<vmem>>
    %dma_start3A_273 = arith.constant 0 : i32
    %dma_start3A_274 = arith.constant 0 : i32
    %dma_start3A_275 = tpu.memref_slice %arg2[%dma_start3A_273, %dma_start3A_274] : memref<20480x64xf32, #tpu.memory_space<hbm>> -> memref<20480x64xf32, #tpu.memory_space<hbm>>
    tpu.enqueue_indirect_dma source(%dma_start3A_275 : memref<20480x64xf32, #tpu.memory_space<hbm>>) target(%dma_start3A_269 : memref<64x64xf32, #tpu.memory_space<vmem>>) offsets(%dma_start3A_272 : memref<64xi32, #tpu.memory_space<vmem>>) semaphore(%arg12 : memref<!tpu.dma_semaphore, #tpu.memory_space<semaphore_mem>>)
    %dma_start3A_276 = arith.constant 2 : i32
    %dma_start3A_277 = arith.constant 2 : i32
    %dma_start3A_278 = arith.constant 0 : i32
    %dma_start3A_279 = arith.constant 0 : i32
    %dma_start3A_280 = tpu.memref_slice %arg8[%dma_start3A_277, %dma_start3A_278, %dma_start3A_279] : memref<8x64x64xf32, #tpu.memory_space<vmem>> -> memref<1x64x64xf32, #tpu.memory_space<vmem>>
    %dma_start3A_281 = tpu.memref_squeeze %dma_start3A_280 : memref<1x64x64xf32, #tpu.memory_space<vmem>> -> memref<64x64xf32, #tpu.memory_space<vmem>>
    %dma_start3A_282 = arith.constant 0 : i32
    %dma_start3A_283 = tpu.memref_slice %arg6[%dma_start3A_276, %dma_start3A_282] : memref<160x64xi32, #tpu.memory_space<vmem>> -> memref<1x64xi32, #tpu.memory_space<vmem>>
    %dma_start3A_284 = tpu.memref_squeeze %dma_start3A_283 : memref<1x64xi32, #tpu.memory_space<vmem>> -> memref<64xi32, #tpu.memory_space<vmem>>
    %dma_start3A_285 = arith.constant 0 : i32
    %dma_start3A_286 = arith.constant 0 : i32
    %dma_start3A_287 = tpu.memref_slice %arg2[%dma_start3A_285, %dma_start3A_286] : memref<20480x64xf32, #tpu.memory_space<hbm>> -> memref<20480x64xf32, #tpu.memory_space<hbm>>
    tpu.enqueue_indirect_dma source(%dma_start3A_287 : memref<20480x64xf32, #tpu.memory_space<hbm>>) target(%dma_start3A_281 : memref<64x64xf32, #tpu.memory_space<vmem>>) offsets(%dma_start3A_284 : memref<64xi32, #tpu.memory_space<vmem>>) semaphore(%arg13 : memref<!tpu.dma_semaphore, #tpu.memory_space<semaphore_mem>>)
    %dma_start3A_288 = arith.constant 3 : i32
    %dma_start3A_289 = arith.constant 3 : i32
    %dma_start3A_290 = arith.constant 0 : i32
    %dma_start3A_291 = arith.constant 0 : i32
    %dma_start3A_292 = tpu.memref_slice %arg8[%dma_start3A_289, %dma_start3A_290, %dma_start3A_291] : memref<8x64x64xf32, #tpu.memory_space<vmem>> -> memref<1x64x64xf32, #tpu.memory_space<vmem>>
    %dma_start3A_293 = tpu.memref_squeeze %dma_start3A_292 : memref<1x64x64xf32, #tpu.memory_space<vmem>> -> memref<64x64xf32, #tpu.memory_space<vmem>>
    %dma_start3A_294 = arith.constant 0 : i32
    %dma_start3A_295 = tpu.memref_slice %arg6[%dma_start3A_288, %dma_start3A_294] : memref<160x64xi32, #tpu.memory_space<vmem>> -> memref<1x64xi32, #tpu.memory_space<vmem>>
    %dma_start3A_296 = tpu.memref_squeeze %dma_start3A_295 : memref<1x64xi32, #tpu.memory_space<vmem>> -> memref<64xi32, #tpu.memory_space<vmem>>
    %dma_start3A_297 = arith.constant 0 : i32
    %dma_start3A_298 = arith.constant 0 : i32
    %dma_start3A_299 = tpu.memref_slice %arg2[%dma_start3A_297, %dma_start3A_298] : memref<20480x64xf32, #tpu.memory_space<hbm>> -> memref<20480x64xf32, #tpu.memory_space<hbm>>
    tpu.enqueue_indirect_dma source(%dma_start3A_299 : memref<20480x64xf32, #tpu.memory_space<hbm>>) target(%dma_start3A_293 : memref<64x64xf32, #tpu.memory_space<vmem>>) offsets(%dma_start3A_296 : memref<64xi32, #tpu.memory_space<vmem>>) semaphore(%arg14 : memref<!tpu.dma_semaphore, #tpu.memory_space<semaphore_mem>>)
    %dma_start3A_300 = arith.constant 4 : i32
    %dma_start3A_301 = arith.constant 4 : i32
    %dma_start3A_302 = arith.constant 0 : i32
    %dma_start3A_303 = arith.constant 0 : i32
    %dma_start3A_304 = tpu.memref_slice %arg8[%dma_start3A_301, %dma_start3A_302, %dma_start3A_303] : memref<8x64x64xf32, #tpu.memory_space<vmem>> -> memref<1x64x64xf32, #tpu.memory_space<vmem>>
    %dma_start3A_305 = tpu.memref_squeeze %dma_start3A_304 : memref<1x64x64xf32, #tpu.memory_space<vmem>> -> memref<64x64xf32, #tpu.memory_space<vmem>>
    %dma_start3A_306 = arith.constant 0 : i32
    %dma_start3A_307 = tpu.memref_slice %arg6[%dma_start3A_300, %dma_start3A_306] : memref<160x64xi32, #tpu.memory_space<vmem>> -> memref<1x64xi32, #tpu.memory_space<vmem>>
    %dma_start3A_308 = tpu.memref_squeeze %dma_start3A_307 : memref<1x64xi32, #tpu.memory_space<vmem>> -> memref<64xi32, #tpu.memory_space<vmem>>
    %dma_start3A_309 = arith.constant 0 : i32
    %dma_start3A_310 = arith.constant 0 : i32
    %dma_start3A_311 = tpu.memref_slice %arg2[%dma_start3A_309, %dma_start3A_310] : memref<20480x64xf32, #tpu.memory_space<hbm>> -> memref<20480x64xf32, #tpu.memory_space<hbm>>
    tpu.enqueue_indirect_dma source(%dma_start3A_311 : memref<20480x64xf32, #tpu.memory_space<hbm>>) target(%dma_start3A_305 : memref<64x64xf32, #tpu.memory_space<vmem>>) offsets(%dma_start3A_308 : memref<64xi32, #tpu.memory_space<vmem>>) semaphore(%arg15 : memref<!tpu.dma_semaphore, #tpu.memory_space<semaphore_mem>>)
    %dma_start3A_312 = arith.constant 5 : i32
    %dma_start3A_313 = arith.constant 5 : i32
    %dma_start3A_314 = arith.constant 0 : i32
    %dma_start3A_315 = arith.constant 0 : i32
    %dma_start3A_316 = tpu.memref_slice %arg8[%dma_start3A_313, %dma_start3A_314, %dma_start3A_315] : memref<8x64x64xf32, #tpu.memory_space<vmem>> -> memref<1x64x64xf32, #tpu.memory_space<vmem>>
    %dma_start3A_317 = tpu.memref_squeeze %dma_start3A_316 : memref<1x64x64xf32, #tpu.memory_space<vmem>> -> memref<64x64xf32, #tpu.memory_space<vmem>>
    %dma_start3A_318 = arith.constant 0 : i32
    %dma_start3A_319 = tpu.memref_slice %arg6[%dma_start3A_312, %dma_start3A_318] : memref<160x64xi32, #tpu.memory_space<vmem>> -> memref<1x64xi32, #tpu.memory_space<vmem>>
    %dma_start3A_320 = tpu.memref_squeeze %dma_start3A_319 : memref<1x64xi32, #tpu.memory_space<vmem>> -> memref<64xi32, #tpu.memory_space<vmem>>
    %dma_start3A_321 = arith.constant 0 : i32
    %dma_start3A_322 = arith.constant 0 : i32
    %dma_start3A_323 = tpu.memref_slice %arg2[%dma_start3A_321, %dma_start3A_322] : memref<20480x64xf32, #tpu.memory_space<hbm>> -> memref<20480x64xf32, #tpu.memory_space<hbm>>
    tpu.enqueue_indirect_dma source(%dma_start3A_323 : memref<20480x64xf32, #tpu.memory_space<hbm>>) target(%dma_start3A_317 : memref<64x64xf32, #tpu.memory_space<vmem>>) offsets(%dma_start3A_320 : memref<64xi32, #tpu.memory_space<vmem>>) semaphore(%arg16 : memref<!tpu.dma_semaphore, #tpu.memory_space<semaphore_mem>>)
    %dma_start3A_324 = arith.constant 6 : i32
    %dma_start3A_325 = arith.constant 6 : i32
    %dma_start3A_326 = arith.constant 0 : i32
    %dma_start3A_327 = arith.constant 0 : i32
    %dma_start3A_328 = tpu.memref_slice %arg8[%dma_start3A_325, %dma_start3A_326, %dma_start3A_327] : memref<8x64x64xf32, #tpu.memory_space<vmem>> -> memref<1x64x64xf32, #tpu.memory_space<vmem>>
    %dma_start3A_329 = tpu.memref_squeeze %dma_start3A_328 : memref<1x64x64xf32, #tpu.memory_space<vmem>> -> memref<64x64xf32, #tpu.memory_space<vmem>>
    %dma_start3A_330 = arith.constant 0 : i32
    %dma_start3A_331 = tpu.memref_slice %arg6[%dma_start3A_324, %dma_start3A_330] : memref<160x64xi32, #tpu.memory_space<vmem>> -> memref<1x64xi32, #tpu.memory_space<vmem>>
    %dma_start3A_332 = tpu.memref_squeeze %dma_start3A_331 : memref<1x64xi32, #tpu.memory_space<vmem>> -> memref<64xi32, #tpu.memory_space<vmem>>
    %dma_start3A_333 = arith.constant 0 : i32
    %dma_start3A_334 = arith.constant 0 : i32
    %dma_start3A_335 = tpu.memref_slice %arg2[%dma_start3A_333, %dma_start3A_334] : memref<20480x64xf32, #tpu.memory_space<hbm>> -> memref<20480x64xf32, #tpu.memory_space<hbm>>
    tpu.enqueue_indirect_dma source(%dma_start3A_335 : memref<20480x64xf32, #tpu.memory_space<hbm>>) target(%dma_start3A_329 : memref<64x64xf32, #tpu.memory_space<vmem>>) offsets(%dma_start3A_332 : memref<64xi32, #tpu.memory_space<vmem>>) semaphore(%arg17 : memref<!tpu.dma_semaphore, #tpu.memory_space<semaphore_mem>>)
    %dma_start3A_336 = arith.constant 7 : i32
    %dma_start3A_337 = arith.constant 7 : i32
    %dma_start3A_338 = arith.constant 0 : i32
    %dma_start3A_339 = arith.constant 0 : i32
    %dma_start3A_340 = tpu.memref_slice %arg8[%dma_start3A_337, %dma_start3A_338, %dma_start3A_339] : memref<8x64x64xf32, #tpu.memory_space<vmem>> -> memref<1x64x64xf32, #tpu.memory_space<vmem>>
    %dma_start3A_341 = tpu.memref_squeeze %dma_start3A_340 : memref<1x64x64xf32, #tpu.memory_space<vmem>> -> memref<64x64xf32, #tpu.memory_space<vmem>>
    %dma_start3A_342 = arith.constant 0 : i32
    %dma_start3A_343 = tpu.memref_slice %arg6[%dma_start3A_336, %dma_start3A_342] : memref<160x64xi32, #tpu.memory_space<vmem>> -> memref<1x64xi32, #tpu.memory_space<vmem>>
    %dma_start3A_344 = tpu.memref_squeeze %dma_start3A_343 : memref<1x64xi32, #tpu.memory_space<vmem>> -> memref<64xi32, #tpu.memory_space<vmem>>
    %dma_start3A_345 = arith.constant 0 : i32
    %dma_start3A_346 = arith.constant 0 : i32
    %dma_start3A_347 = tpu.memref_slice %arg2[%dma_start3A_345, %dma_start3A_346] : memref<20480x64xf32, #tpu.memory_space<hbm>> -> memref<20480x64xf32, #tpu.memory_space<hbm>>
    tpu.enqueue_indirect_dma source(%dma_start3A_347 : memref<20480x64xf32, #tpu.memory_space<hbm>>) target(%dma_start3A_341 : memref<64x64xf32, #tpu.memory_space<vmem>>) offsets(%dma_start3A_344 : memref<64xi32, #tpu.memory_space<vmem>>) semaphore(%arg18 : memref<!tpu.dma_semaphore, #tpu.memory_space<semaphore_mem>>)
    %scan3A_348 = arith.constant 0 : i32
    %scan3A_349 = arith.constant 0 : i32
    %scan3A_350 = arith.constant 20 : i32
    %scan3A_351 = arith.addi %scan3A_349, %scan3A_350 : i32
    %scan3A_352 = arith.constant 1 : i32
    %scan3A_353 = scf.for %scan3A_456 = %scan3A_349 to %scan3A_351 step %scan3A_352 iter_args(%scan3A_457 = %scan3A_348) -> (i32)  : i32 {
      %mul3A_458 = arith.constant 2 : i32
      %mul3A_459 = arith.muli %mul3A_458, %scan3A_456 : i32
      %add3A_460 = arith.constant 0 : i32
      %add3A_461 = arith.addi %mul3A_459, %add3A_460 : i32
      %mul3A_462 = arith.constant 4 : i32
      %mul3A_463 = arith.muli %mul3A_462, %add3A_461 : i32
      %add3A_464 = arith.constant 0 : i32
      %add3A_465 = arith.addi %mul3A_463, %add3A_464 : i32
      %dma_wait3A_466 = arith.constant 0 : i32
      %dma_wait3A_467 = arith.constant 0 : i32
      %dma_wait3A_468 = arith.constant 0 : i32
      %dma_wait3A_469 = tpu.memref_slice %arg8[%dma_wait3A_466, %dma_wait3A_467, %dma_wait3A_468] : memref<8x64x64xf32, #tpu.memory_space<vmem>> -> memref<1x64x64xf32, #tpu.memory_space<vmem>>
      %dma_wait3A_470 = tpu.memref_squeeze %dma_wait3A_469 : memref<1x64x64xf32, #tpu.memory_space<vmem>> -> memref<64x64xf32, #tpu.memory_space<vmem>>
      %dma_wait3A_471 = arith.constant 0 : i32
      %dma_wait3A_472 = tpu.memref_slice %arg6[%add3A_465, %dma_wait3A_471] : memref<160x64xi32, #tpu.memory_space<vmem>> -> memref<1x64xi32, #tpu.memory_space<vmem>>
      %dma_wait3A_473 = tpu.memref_squeeze %dma_wait3A_472 : memref<1x64xi32, #tpu.memory_space<vmem>> -> memref<64xi32, #tpu.memory_space<vmem>>
      %dma_wait3A_474 = arith.constant 0 : i32
      %dma_wait3A_475 = arith.constant 0 : i32
      %dma_wait3A_476 = tpu.memref_slice %arg2[%dma_wait3A_474, %dma_wait3A_475] : memref<20480x64xf32, #tpu.memory_space<hbm>> -> memref<20480x64xf32, #tpu.memory_space<hbm>>
      tpu.wait_indirect_dma semaphore(%arg11 : memref<!tpu.dma_semaphore, #tpu.memory_space<semaphore_mem>>) src(%dma_wait3A_476 : memref<20480x64xf32, #tpu.memory_space<hbm>>) dst(%dma_wait3A_470 : memref<64x64xf32, #tpu.memory_space<vmem>>)
      %dma_start3A_477 = arith.constant 0 : i32
      %dma_start3A_478 = arith.constant 0 : i32
      %dma_start3A_479 = arith.constant 0 : i32
      %dma_start3A_480 = tpu.memref_slice %arg8[%dma_start3A_477, %dma_start3A_478, %dma_start3A_479] : memref<8x64x64xf32, #tpu.memory_space<vmem>> -> memref<1x64x64xf32, #tpu.memory_space<vmem>>
      %dma_start3A_481 = tpu.memref_squeeze %dma_start3A_480 : memref<1x64x64xf32, #tpu.memory_space<vmem>> -> memref<64x64xf32, #tpu.memory_space<vmem>>
      %dma_start3A_482 = arith.constant 0 : i32
      %dma_start3A_483 = tpu.memref_slice %arg7[%add3A_465, %dma_start3A_482] : memref<160x64xi32, #tpu.memory_space<vmem>> -> memref<1x64xi32, #tpu.memory_space<vmem>>
      %dma_start3A_484 = tpu.memref_squeeze %dma_start3A_483 : memref<1x64xi32, #tpu.memory_space<vmem>> -> memref<64xi32, #tpu.memory_space<vmem>>
      %dma_start3A_485 = arith.constant 0 : i32
      %dma_start3A_486 = arith.constant 0 : i32
      %dma_start3A_487 = tpu.memref_slice %arg10[%dma_start3A_485, %dma_start3A_486] : memref<10240x64xf32, #tpu.memory_space<vmem_shared>> -> memref<10240x64xf32, #tpu.memory_space<vmem_shared>>
      tpu.enqueue_indirect_dma source(%dma_start3A_481 : memref<64x64xf32, #tpu.memory_space<vmem>>) target(%dma_start3A_487 : memref<10240x64xf32, #tpu.memory_space<vmem_shared>>) offsets(%dma_start3A_484 : memref<64xi32, #tpu.memory_space<vmem>>) semaphore(%arg19 : memref<!tpu.dma_semaphore, #tpu.memory_space<semaphore_mem>>) {add = true}
      %add3A_488 = arith.constant 1 : i32
      %add3A_489 = arith.addi %mul3A_463, %add3A_488 : i32
      %dma_wait3A_490 = arith.constant 1 : i32
      %dma_wait3A_491 = arith.constant 0 : i32
      %dma_wait3A_492 = arith.constant 0 : i32
      %dma_wait3A_493 = tpu.memref_slice %arg8[%dma_wait3A_490, %dma_wait3A_491, %dma_wait3A_492] : memref<8x64x64xf32, #tpu.memory_space<vmem>> -> memref<1x64x64xf32, #tpu.memory_space<vmem>>
      %dma_wait3A_494 = tpu.memref_squeeze %dma_wait3A_493 : memref<1x64x64xf32, #tpu.memory_space<vmem>> -> memref<64x64xf32, #tpu.memory_space<vmem>>
      %dma_wait3A_495 = arith.constant 0 : i32
      %dma_wait3A_496 = tpu.memref_slice %arg6[%add3A_489, %dma_wait3A_495] : memref<160x64xi32, #tpu.memory_space<vmem>> -> memref<1x64xi32, #tpu.memory_space<vmem>>
      %dma_wait3A_497 = tpu.memref_squeeze %dma_wait3A_496 : memref<1x64xi32, #tpu.memory_space<vmem>> -> memref<64xi32, #tpu.memory_space<vmem>>
      %dma_wait3A_498 = arith.constant 0 : i32
      %dma_wait3A_499 = arith.constant 0 : i32
      %dma_wait3A_500 = tpu.memref_slice %arg2[%dma_wait3A_498, %dma_wait3A_499] : memref<20480x64xf32, #tpu.memory_space<hbm>> -> memref<20480x64xf32, #tpu.memory_space<hbm>>
      tpu.wait_indirect_dma semaphore(%arg12 : memref<!tpu.dma_semaphore, #tpu.memory_space<semaphore_mem>>) src(%dma_wait3A_500 : memref<20480x64xf32, #tpu.memory_space<hbm>>) dst(%dma_wait3A_494 : memref<64x64xf32, #tpu.memory_space<vmem>>)
      %dma_start3A_501 = arith.constant 1 : i32
      %dma_start3A_502 = arith.constant 0 : i32
      %dma_start3A_503 = arith.constant 0 : i32
      %dma_start3A_504 = tpu.memref_slice %arg8[%dma_start3A_501, %dma_start3A_502, %dma_start3A_503] : memref<8x64x64xf32, #tpu.memory_space<vmem>> -> memref<1x64x64xf32, #tpu.memory_space<vmem>>
      %dma_start3A_505 = tpu.memref_squeeze %dma_start3A_504 : memref<1x64x64xf32, #tpu.memory_space<vmem>> -> memref<64x64xf32, #tpu.memory_space<vmem>>
      %dma_start3A_506 = arith.constant 0 : i32
      %dma_start3A_507 = tpu.memref_slice %arg7[%add3A_489, %dma_start3A_506] : memref<160x64xi32, #tpu.memory_space<vmem>> -> memref<1x64xi32, #tpu.memory_space<vmem>>
      %dma_start3A_508 = tpu.memref_squeeze %dma_start3A_507 : memref<1x64xi32, #tpu.memory_space<vmem>> -> memref<64xi32, #tpu.memory_space<vmem>>
      %dma_start3A_509 = arith.constant 0 : i32
      %dma_start3A_510 = arith.constant 0 : i32
      %dma_start3A_511 = tpu.memref_slice %arg10[%dma_start3A_509, %dma_start3A_510] : memref<10240x64xf32, #tpu.memory_space<vmem_shared>> -> memref<10240x64xf32, #tpu.memory_space<vmem_shared>>
      tpu.enqueue_indirect_dma source(%dma_start3A_505 : memref<64x64xf32, #tpu.memory_space<vmem>>) target(%dma_start3A_511 : memref<10240x64xf32, #tpu.memory_space<vmem_shared>>) offsets(%dma_start3A_508 : memref<64xi32, #tpu.memory_space<vmem>>) semaphore(%arg20 : memref<!tpu.dma_semaphore, #tpu.memory_space<semaphore_mem>>) {add = true}
      %add3A_512 = arith.constant 2 : i32
      %add3A_513 = arith.addi %mul3A_463, %add3A_512 : i32
      %dma_wait3A_514 = arith.constant 2 : i32
      %dma_wait3A_515 = arith.constant 0 : i32
      %dma_wait3A_516 = arith.constant 0 : i32
      %dma_wait3A_517 = tpu.memref_slice %arg8[%dma_wait3A_514, %dma_wait3A_515, %dma_wait3A_516] : memref<8x64x64xf32, #tpu.memory_space<vmem>> -> memref<1x64x64xf32, #tpu.memory_space<vmem>>
      %dma_wait3A_518 = tpu.memref_squeeze %dma_wait3A_517 : memref<1x64x64xf32, #tpu.memory_space<vmem>> -> memref<64x64xf32, #tpu.memory_space<vmem>>
      %dma_wait3A_519 = arith.constant 0 : i32
      %dma_wait3A_520 = tpu.memref_slice %arg6[%add3A_513, %dma_wait3A_519] : memref<160x64xi32, #tpu.memory_space<vmem>> -> memref<1x64xi32, #tpu.memory_space<vmem>>
      %dma_wait3A_521 = tpu.memref_squeeze %dma_wait3A_520 : memref<1x64xi32, #tpu.memory_space<vmem>> -> memref<64xi32, #tpu.memory_space<vmem>>
      %dma_wait3A_522 = arith.constant 0 : i32
      %dma_wait3A_523 = arith.constant 0 : i32
      %dma_wait3A_524 = tpu.memref_slice %arg2[%dma_wait3A_522, %dma_wait3A_523] : memref<20480x64xf32, #tpu.memory_space<hbm>> -> memref<20480x64xf32, #tpu.memory_space<hbm>>
      tpu.wait_indirect_dma semaphore(%arg13 : memref<!tpu.dma_semaphore, #tpu.memory_space<semaphore_mem>>) src(%dma_wait3A_524 : memref<20480x64xf32, #tpu.memory_space<hbm>>) dst(%dma_wait3A_518 : memref<64x64xf32, #tpu.memory_space<vmem>>)
      %dma_start3A_525 = arith.constant 2 : i32
      %dma_start3A_526 = arith.constant 0 : i32
      %dma_start3A_527 = arith.constant 0 : i32
      %dma_start3A_528 = tpu.memref_slice %arg8[%dma_start3A_525, %dma_start3A_526, %dma_start3A_527] : memref<8x64x64xf32, #tpu.memory_space<vmem>> -> memref<1x64x64xf32, #tpu.memory_space<vmem>>
      %dma_start3A_529 = tpu.memref_squeeze %dma_start3A_528 : memref<1x64x64xf32, #tpu.memory_space<vmem>> -> memref<64x64xf32, #tpu.memory_space<vmem>>
      %dma_start3A_530 = arith.constant 0 : i32
      %dma_start3A_531 = tpu.memref_slice %arg7[%add3A_513, %dma_start3A_530] : memref<160x64xi32, #tpu.memory_space<vmem>> -> memref<1x64xi32, #tpu.memory_space<vmem>>
      %dma_start3A_532 = tpu.memref_squeeze %dma_start3A_531 : memref<1x64xi32, #tpu.memory_space<vmem>> -> memref<64xi32, #tpu.memory_space<vmem>>
      %dma_start3A_533 = arith.constant 0 : i32
      %dma_start3A_534 = arith.constant 0 : i32
      %dma_start3A_535 = tpu.memref_slice %arg10[%dma_start3A_533, %dma_start3A_534] : memref<10240x64xf32, #tpu.memory_space<vmem_shared>> -> memref<10240x64xf32, #tpu.memory_space<vmem_shared>>
      tpu.enqueue_indirect_dma source(%dma_start3A_529 : memref<64x64xf32, #tpu.memory_space<vmem>>) target(%dma_start3A_535 : memref<10240x64xf32, #tpu.memory_space<vmem_shared>>) offsets(%dma_start3A_532 : memref<64xi32, #tpu.memory_space<vmem>>) semaphore(%arg21 : memref<!tpu.dma_semaphore, #tpu.memory_space<semaphore_mem>>) {add = true}
      %add3A_536 = arith.constant 3 : i32
      %add3A_537 = arith.addi %mul3A_463, %add3A_536 : i32
      %dma_wait3A_538 = arith.constant 3 : i32
      %dma_wait3A_539 = arith.constant 0 : i32
      %dma_wait3A_540 = arith.constant 0 : i32
      %dma_wait3A_541 = tpu.memref_slice %arg8[%dma_wait3A_538, %dma_wait3A_539, %dma_wait3A_540] : memref<8x64x64xf32, #tpu.memory_space<vmem>> -> memref<1x64x64xf32, #tpu.memory_space<vmem>>
      %dma_wait3A_542 = tpu.memref_squeeze %dma_wait3A_541 : memref<1x64x64xf32, #tpu.memory_space<vmem>> -> memref<64x64xf32, #tpu.memory_space<vmem>>
      %dma_wait3A_543 = arith.constant 0 : i32
      %dma_wait3A_544 = tpu.memref_slice %arg6[%add3A_537, %dma_wait3A_543] : memref<160x64xi32, #tpu.memory_space<vmem>> -> memref<1x64xi32, #tpu.memory_space<vmem>>
      %dma_wait3A_545 = tpu.memref_squeeze %dma_wait3A_544 : memref<1x64xi32, #tpu.memory_space<vmem>> -> memref<64xi32, #tpu.memory_space<vmem>>
      %dma_wait3A_546 = arith.constant 0 : i32
      %dma_wait3A_547 = arith.constant 0 : i32
      %dma_wait3A_548 = tpu.memref_slice %arg2[%dma_wait3A_546, %dma_wait3A_547] : memref<20480x64xf32, #tpu.memory_space<hbm>> -> memref<20480x64xf32, #tpu.memory_space<hbm>>
      tpu.wait_indirect_dma semaphore(%arg14 : memref<!tpu.dma_semaphore, #tpu.memory_space<semaphore_mem>>) src(%dma_wait3A_548 : memref<20480x64xf32, #tpu.memory_space<hbm>>) dst(%dma_wait3A_542 : memref<64x64xf32, #tpu.memory_space<vmem>>)
      %dma_start3A_549 = arith.constant 3 : i32
      %dma_start3A_550 = arith.constant 0 : i32
      %dma_start3A_551 = arith.constant 0 : i32
      %dma_start3A_552 = tpu.memref_slice %arg8[%dma_start3A_549, %dma_start3A_550, %dma_start3A_551] : memref<8x64x64xf32, #tpu.memory_space<vmem>> -> memref<1x64x64xf32, #tpu.memory_space<vmem>>
      %dma_start3A_553 = tpu.memref_squeeze %dma_start3A_552 : memref<1x64x64xf32, #tpu.memory_space<vmem>> -> memref<64x64xf32, #tpu.memory_space<vmem>>
      %dma_start3A_554 = arith.constant 0 : i32
      %dma_start3A_555 = tpu.memref_slice %arg7[%add3A_537, %dma_start3A_554] : memref<160x64xi32, #tpu.memory_space<vmem>> -> memref<1x64xi32, #tpu.memory_space<vmem>>
      %dma_start3A_556 = tpu.memref_squeeze %dma_start3A_555 : memref<1x64xi32, #tpu.memory_space<vmem>> -> memref<64xi32, #tpu.memory_space<vmem>>
      %dma_start3A_557 = arith.constant 0 : i32
      %dma_start3A_558 = arith.constant 0 : i32
      %dma_start3A_559 = tpu.memref_slice %arg10[%dma_start3A_557, %dma_start3A_558] : memref<10240x64xf32, #tpu.memory_space<vmem_shared>> -> memref<10240x64xf32, #tpu.memory_space<vmem_shared>>
      tpu.enqueue_indirect_dma source(%dma_start3A_553 : memref<64x64xf32, #tpu.memory_space<vmem>>) target(%dma_start3A_559 : memref<10240x64xf32, #tpu.memory_space<vmem_shared>>) offsets(%dma_start3A_556 : memref<64xi32, #tpu.memory_space<vmem>>) semaphore(%arg22 : memref<!tpu.dma_semaphore, #tpu.memory_space<semaphore_mem>>) {add = true}
      %lt3A = arith.constant 38 : i32
      %lt3A_560 = arith.cmpi slt, %add3A_461, %lt3A : i32
      %convert_element_type3A = arith.extui %lt3A_560 : i1 to i32
      %cond3A = arith.constant 0 : i32
      %cond3A_561 = arith.cmpi ne, %convert_element_type3A, %cond3A : i32
      scf.if %cond3A_561 {
        %add3A_670 = arith.constant 0 : i32
        %add3A_671 = arith.addi %mul3A_463, %add3A_670 : i32
        %dma_wait3A_672 = arith.constant 0 : i32
        %dma_wait3A_673 = arith.constant 0 : i32
        %dma_wait3A_674 = arith.constant 0 : i32
        %dma_wait3A_675 = tpu.memref_slice %arg8[%dma_wait3A_672, %dma_wait3A_673, %dma_wait3A_674] : memref<8x64x64xf32, #tpu.memory_space<vmem>> -> memref<1x64x64xf32, #tpu.memory_space<vmem>>
        %dma_wait3A_676 = tpu.memref_squeeze %dma_wait3A_675 : memref<1x64x64xf32, #tpu.memory_space<vmem>> -> memref<64x64xf32, #tpu.memory_space<vmem>>
        %dma_wait3A_677 = arith.constant 0 : i32
        %dma_wait3A_678 = tpu.memref_slice %arg7[%add3A_671, %dma_wait3A_677] : memref<160x64xi32, #tpu.memory_space<vmem>> -> memref<1x64xi32, #tpu.memory_space<vmem>>
        %dma_wait3A_679 = tpu.memref_squeeze %dma_wait3A_678 : memref<1x64xi32, #tpu.memory_space<vmem>> -> memref<64xi32, #tpu.memory_space<vmem>>
        %dma_wait3A_680 = arith.constant 0 : i32
        %dma_wait3A_681 = arith.constant 0 : i32
        %dma_wait3A_682 = tpu.memref_slice %arg10[%dma_wait3A_680, %dma_wait3A_681] : memref<10240x64xf32, #tpu.memory_space<vmem_shared>> -> memref<10240x64xf32, #tpu.memory_space<vmem_shared>>
        tpu.wait_indirect_dma semaphore(%arg19 : memref<!tpu.dma_semaphore, #tpu.memory_space<semaphore_mem>>) src(%dma_wait3A_676 : memref<64x64xf32, #tpu.memory_space<vmem>>) dst(%dma_wait3A_682 : memref<10240x64xf32, #tpu.memory_space<vmem_shared>>)
        %add3A_683 = arith.constant 8 : i32
        %add3A_684 = arith.addi %add3A_671, %add3A_683 : i32
        %dma_start3A_685 = arith.constant 0 : i32
        %dma_start3A_686 = arith.constant 0 : i32
        %dma_start3A_687 = arith.constant 0 : i32
        %dma_start3A_688 = tpu.memref_slice %arg8[%dma_start3A_685, %dma_start3A_686, %dma_start3A_687] : memref<8x64x64xf32, #tpu.memory_space<vmem>> -> memref<1x64x64xf32, #tpu.memory_space<vmem>>
        %dma_start3A_689 = tpu.memref_squeeze %dma_start3A_688 : memref<1x64x64xf32, #tpu.memory_space<vmem>> -> memref<64x64xf32, #tpu.memory_space<vmem>>
        %dma_start3A_690 = arith.constant 0 : i32
        %dma_start3A_691 = tpu.memref_slice %arg6[%add3A_684, %dma_start3A_690] : memref<160x64xi32, #tpu.memory_space<vmem>> -> memref<1x64xi32, #tpu.memory_space<vmem>>
        %dma_start3A_692 = tpu.memref_squeeze %dma_start3A_691 : memref<1x64xi32, #tpu.memory_space<vmem>> -> memref<64xi32, #tpu.memory_space<vmem>>
        %dma_start3A_693 = arith.constant 0 : i32
        %dma_start3A_694 = arith.constant 0 : i32
        %dma_start3A_695 = tpu.memref_slice %arg2[%dma_start3A_693, %dma_start3A_694] : memref<20480x64xf32, #tpu.memory_space<hbm>> -> memref<20480x64xf32, #tpu.memory_space<hbm>>
        tpu.enqueue_indirect_dma source(%dma_start3A_695 : memref<20480x64xf32, #tpu.memory_space<hbm>>) target(%dma_start3A_689 : memref<64x64xf32, #tpu.memory_space<vmem>>) offsets(%dma_start3A_692 : memref<64xi32, #tpu.memory_space<vmem>>) semaphore(%arg11 : memref<!tpu.dma_semaphore, #tpu.memory_space<semaphore_mem>>)
        %add3A_696 = arith.constant 1 : i32
        %add3A_697 = arith.addi %mul3A_463, %add3A_696 : i32
        %dma_wait3A_698 = arith.constant 1 : i32
        %dma_wait3A_699 = arith.constant 0 : i32
        %dma_wait3A_700 = arith.constant 0 : i32
        %dma_wait3A_701 = tpu.memref_slice %arg8[%dma_wait3A_698, %dma_wait3A_699, %dma_wait3A_700] : memref<8x64x64xf32, #tpu.memory_space<vmem>> -> memref<1x64x64xf32, #tpu.memory_space<vmem>>
        %dma_wait3A_702 = tpu.memref_squeeze %dma_wait3A_701 : memref<1x64x64xf32, #tpu.memory_space<vmem>> -> memref<64x64xf32, #tpu.memory_space<vmem>>
        %dma_wait3A_703 = arith.constant 0 : i32
        %dma_wait3A_704 = tpu.memref_slice %arg7[%add3A_697, %dma_wait3A_703] : memref<160x64xi32, #tpu.memory_space<vmem>> -> memref<1x64xi32, #tpu.memory_space<vmem>>
        %dma_wait3A_705 = tpu.memref_squeeze %dma_wait3A_704 : memref<1x64xi32, #tpu.memory_space<vmem>> -> memref<64xi32, #tpu.memory_space<vmem>>
        %dma_wait3A_706 = arith.constant 0 : i32
        %dma_wait3A_707 = arith.constant 0 : i32
        %dma_wait3A_708 = tpu.memref_slice %arg10[%dma_wait3A_706, %dma_wait3A_707] : memref<10240x64xf32, #tpu.memory_space<vmem_shared>> -> memref<10240x64xf32, #tpu.memory_space<vmem_shared>>
        tpu.wait_indirect_dma semaphore(%arg20 : memref<!tpu.dma_semaphore, #tpu.memory_space<semaphore_mem>>) src(%dma_wait3A_702 : memref<64x64xf32, #tpu.memory_space<vmem>>) dst(%dma_wait3A_708 : memref<10240x64xf32, #tpu.memory_space<vmem_shared>>)
        %add3A_709 = arith.constant 8 : i32
        %add3A_710 = arith.addi %add3A_697, %add3A_709 : i32
        %dma_start3A_711 = arith.constant 1 : i32
        %dma_start3A_712 = arith.constant 0 : i32
        %dma_start3A_713 = arith.constant 0 : i32
        %dma_start3A_714 = tpu.memref_slice %arg8[%dma_start3A_711, %dma_start3A_712, %dma_start3A_713] : memref<8x64x64xf32, #tpu.memory_space<vmem>> -> memref<1x64x64xf32, #tpu.memory_space<vmem>>
        %dma_start3A_715 = tpu.memref_squeeze %dma_start3A_714 : memref<1x64x64xf32, #tpu.memory_space<vmem>> -> memref<64x64xf32, #tpu.memory_space<vmem>>
        %dma_start3A_716 = arith.constant 0 : i32
        %dma_start3A_717 = tpu.memref_slice %arg6[%add3A_710, %dma_start3A_716] : memref<160x64xi32, #tpu.memory_space<vmem>> -> memref<1x64xi32, #tpu.memory_space<vmem>>
        %dma_start3A_718 = tpu.memref_squeeze %dma_start3A_717 : memref<1x64xi32, #tpu.memory_space<vmem>> -> memref<64xi32, #tpu.memory_space<vmem>>
        %dma_start3A_719 = arith.constant 0 : i32
        %dma_start3A_720 = arith.constant 0 : i32
        %dma_start3A_721 = tpu.memref_slice %arg2[%dma_start3A_719, %dma_start3A_720] : memref<20480x64xf32, #tpu.memory_space<hbm>> -> memref<20480x64xf32, #tpu.memory_space<hbm>>
        tpu.enqueue_indirect_dma source(%dma_start3A_721 : memref<20480x64xf32, #tpu.memory_space<hbm>>) target(%dma_start3A_715 : memref<64x64xf32, #tpu.memory_space<vmem>>) offsets(%dma_start3A_718 : memref<64xi32, #tpu.memory_space<vmem>>) semaphore(%arg12 : memref<!tpu.dma_semaphore, #tpu.memory_space<semaphore_mem>>)
        %add3A_722 = arith.constant 2 : i32
        %add3A_723 = arith.addi %mul3A_463, %add3A_722 : i32
        %dma_wait3A_724 = arith.constant 2 : i32
        %dma_wait3A_725 = arith.constant 0 : i32
        %dma_wait3A_726 = arith.constant 0 : i32
        %dma_wait3A_727 = tpu.memref_slice %arg8[%dma_wait3A_724, %dma_wait3A_725, %dma_wait3A_726] : memref<8x64x64xf32, #tpu.memory_space<vmem>> -> memref<1x64x64xf32, #tpu.memory_space<vmem>>
        %dma_wait3A_728 = tpu.memref_squeeze %dma_wait3A_727 : memref<1x64x64xf32, #tpu.memory_space<vmem>> -> memref<64x64xf32, #tpu.memory_space<vmem>>
        %dma_wait3A_729 = arith.constant 0 : i32
        %dma_wait3A_730 = tpu.memref_slice %arg7[%add3A_723, %dma_wait3A_729] : memref<160x64xi32, #tpu.memory_space<vmem>> -> memref<1x64xi32, #tpu.memory_space<vmem>>
        %dma_wait3A_731 = tpu.memref_squeeze %dma_wait3A_730 : memref<1x64xi32, #tpu.memory_space<vmem>> -> memref<64xi32, #tpu.memory_space<vmem>>
        %dma_wait3A_732 = arith.constant 0 : i32
        %dma_wait3A_733 = arith.constant 0 : i32
        %dma_wait3A_734 = tpu.memref_slice %arg10[%dma_wait3A_732, %dma_wait3A_733] : memref<10240x64xf32, #tpu.memory_space<vmem_shared>> -> memref<10240x64xf32, #tpu.memory_space<vmem_shared>>
        tpu.wait_indirect_dma semaphore(%arg21 : memref<!tpu.dma_semaphore, #tpu.memory_space<semaphore_mem>>) src(%dma_wait3A_728 : memref<64x64xf32, #tpu.memory_space<vmem>>) dst(%dma_wait3A_734 : memref<10240x64xf32, #tpu.memory_space<vmem_shared>>)
        %add3A_735 = arith.constant 8 : i32
        %add3A_736 = arith.addi %add3A_723, %add3A_735 : i32
        %dma_start3A_737 = arith.constant 2 : i32
        %dma_start3A_738 = arith.constant 0 : i32
        %dma_start3A_739 = arith.constant 0 : i32
        %dma_start3A_740 = tpu.memref_slice %arg8[%dma_start3A_737, %dma_start3A_738, %dma_start3A_739] : memref<8x64x64xf32, #tpu.memory_space<vmem>> -> memref<1x64x64xf32, #tpu.memory_space<vmem>>
        %dma_start3A_741 = tpu.memref_squeeze %dma_start3A_740 : memref<1x64x64xf32, #tpu.memory_space<vmem>> -> memref<64x64xf32, #tpu.memory_space<vmem>>
        %dma_start3A_742 = arith.constant 0 : i32
        %dma_start3A_743 = tpu.memref_slice %arg6[%add3A_736, %dma_start3A_742] : memref<160x64xi32, #tpu.memory_space<vmem>> -> memref<1x64xi32, #tpu.memory_space<vmem>>
        %dma_start3A_744 = tpu.memref_squeeze %dma_start3A_743 : memref<1x64xi32, #tpu.memory_space<vmem>> -> memref<64xi32, #tpu.memory_space<vmem>>
        %dma_start3A_745 = arith.constant 0 : i32
        %dma_start3A_746 = arith.constant 0 : i32
        %dma_start3A_747 = tpu.memref_slice %arg2[%dma_start3A_745, %dma_start3A_746] : memref<20480x64xf32, #tpu.memory_space<hbm>> -> memref<20480x64xf32, #tpu.memory_space<hbm>>
        tpu.enqueue_indirect_dma source(%dma_start3A_747 : memref<20480x64xf32, #tpu.memory_space<hbm>>) target(%dma_start3A_741 : memref<64x64xf32, #tpu.memory_space<vmem>>) offsets(%dma_start3A_744 : memref<64xi32, #tpu.memory_space<vmem>>) semaphore(%arg13 : memref<!tpu.dma_semaphore, #tpu.memory_space<semaphore_mem>>)
        %add3A_748 = arith.constant 3 : i32
        %add3A_749 = arith.addi %mul3A_463, %add3A_748 : i32
        %dma_wait3A_750 = arith.constant 3 : i32
        %dma_wait3A_751 = arith.constant 0 : i32
        %dma_wait3A_752 = arith.constant 0 : i32
        %dma_wait3A_753 = tpu.memref_slice %arg8[%dma_wait3A_750, %dma_wait3A_751, %dma_wait3A_752] : memref<8x64x64xf32, #tpu.memory_space<vmem>> -> memref<1x64x64xf32, #tpu.memory_space<vmem>>
        %dma_wait3A_754 = tpu.memref_squeeze %dma_wait3A_753 : memref<1x64x64xf32, #tpu.memory_space<vmem>> -> memref<64x64xf32, #tpu.memory_space<vmem>>
        %dma_wait3A_755 = arith.constant 0 : i32
        %dma_wait3A_756 = tpu.memref_slice %arg7[%add3A_749, %dma_wait3A_755] : memref<160x64xi32, #tpu.memory_space<vmem>> -> memref<1x64xi32, #tpu.memory_space<vmem>>
        %dma_wait3A_757 = tpu.memref_squeeze %dma_wait3A_756 : memref<1x64xi32, #tpu.memory_space<vmem>> -> memref<64xi32, #tpu.memory_space<vmem>>
        %dma_wait3A_758 = arith.constant 0 : i32
        %dma_wait3A_759 = arith.constant 0 : i32
        %dma_wait3A_760 = tpu.memref_slice %arg10[%dma_wait3A_758, %dma_wait3A_759] : memref<10240x64xf32, #tpu.memory_space<vmem_shared>> -> memref<10240x64xf32, #tpu.memory_space<vmem_shared>>
        tpu.wait_indirect_dma semaphore(%arg22 : memref<!tpu.dma_semaphore, #tpu.memory_space<semaphore_mem>>) src(%dma_wait3A_754 : memref<64x64xf32, #tpu.memory_space<vmem>>) dst(%dma_wait3A_760 : memref<10240x64xf32, #tpu.memory_space<vmem_shared>>)
        %add3A_761 = arith.constant 8 : i32
        %add3A_762 = arith.addi %add3A_749, %add3A_761 : i32
        %dma_start3A_763 = arith.constant 3 : i32
        %dma_start3A_764 = arith.constant 0 : i32
        %dma_start3A_765 = arith.constant 0 : i32
        %dma_start3A_766 = tpu.memref_slice %arg8[%dma_start3A_763, %dma_start3A_764, %dma_start3A_765] : memref<8x64x64xf32, #tpu.memory_space<vmem>> -> memref<1x64x64xf32, #tpu.memory_space<vmem>>
        %dma_start3A_767 = tpu.memref_squeeze %dma_start3A_766 : memref<1x64x64xf32, #tpu.memory_space<vmem>> -> memref<64x64xf32, #tpu.memory_space<vmem>>
        %dma_start3A_768 = arith.constant 0 : i32
        %dma_start3A_769 = tpu.memref_slice %arg6[%add3A_762, %dma_start3A_768] : memref<160x64xi32, #tpu.memory_space<vmem>> -> memref<1x64xi32, #tpu.memory_space<vmem>>
        %dma_start3A_770 = tpu.memref_squeeze %dma_start3A_769 : memref<1x64xi32, #tpu.memory_space<vmem>> -> memref<64xi32, #tpu.memory_space<vmem>>
        %dma_start3A_771 = arith.constant 0 : i32
        %dma_start3A_772 = arith.constant 0 : i32
        %dma_start3A_773 = tpu.memref_slice %arg2[%dma_start3A_771, %dma_start3A_772] : memref<20480x64xf32, #tpu.memory_space<hbm>> -> memref<20480x64xf32, #tpu.memory_space<hbm>>
        tpu.enqueue_indirect_dma source(%dma_start3A_773 : memref<20480x64xf32, #tpu.memory_space<hbm>>) target(%dma_start3A_767 : memref<64x64xf32, #tpu.memory_space<vmem>>) offsets(%dma_start3A_770 : memref<64xi32, #tpu.memory_space<vmem>>) semaphore(%arg14 : memref<!tpu.dma_semaphore, #tpu.memory_space<semaphore_mem>>)
      } else {
      }
      %mul3A_562 = arith.constant 2 : i32
      %mul3A_563 = arith.muli %mul3A_562, %scan3A_456 : i32
      %add3A_564 = arith.constant 1 : i32
      %add3A_565 = arith.addi %mul3A_563, %add3A_564 : i32
      %mul3A_566 = arith.constant 4 : i32
      %mul3A_567 = arith.muli %mul3A_566, %add3A_565 : i32
      %add3A_568 = arith.constant 0 : i32
      %add3A_569 = arith.addi %mul3A_567, %add3A_568 : i32
      %dma_wait3A_570 = arith.constant 4 : i32
      %dma_wait3A_571 = arith.constant 0 : i32
      %dma_wait3A_572 = arith.constant 0 : i32
      %dma_wait3A_573 = tpu.memref_slice %arg8[%dma_wait3A_570, %dma_wait3A_571, %dma_wait3A_572] : memref<8x64x64xf32, #tpu.memory_space<vmem>> -> memref<1x64x64xf32, #tpu.memory_space<vmem>>
      %dma_wait3A_574 = tpu.memref_squeeze %dma_wait3A_573 : memref<1x64x64xf32, #tpu.memory_space<vmem>> -> memref<64x64xf32, #tpu.memory_space<vmem>>
      %dma_wait3A_575 = arith.constant 0 : i32
      %dma_wait3A_576 = tpu.memref_slice %arg6[%add3A_569, %dma_wait3A_575] : memref<160x64xi32, #tpu.memory_space<vmem>> -> memref<1x64xi32, #tpu.memory_space<vmem>>
      %dma_wait3A_577 = tpu.memref_squeeze %dma_wait3A_576 : memref<1x64xi32, #tpu.memory_space<vmem>> -> memref<64xi32, #tpu.memory_space<vmem>>
      %dma_wait3A_578 = arith.constant 0 : i32
      %dma_wait3A_579 = arith.constant 0 : i32
      %dma_wait3A_580 = tpu.memref_slice %arg2[%dma_wait3A_578, %dma_wait3A_579] : memref<20480x64xf32, #tpu.memory_space<hbm>> -> memref<20480x64xf32, #tpu.memory_space<hbm>>
      tpu.wait_indirect_dma semaphore(%arg15 : memref<!tpu.dma_semaphore, #tpu.memory_space<semaphore_mem>>) src(%dma_wait3A_580 : memref<20480x64xf32, #tpu.memory_space<hbm>>) dst(%dma_wait3A_574 : memref<64x64xf32, #tpu.memory_space<vmem>>)
      %dma_start3A_581 = arith.constant 4 : i32
      %dma_start3A_582 = arith.constant 0 : i32
      %dma_start3A_583 = arith.constant 0 : i32
      %dma_start3A_584 = tpu.memref_slice %arg8[%dma_start3A_581, %dma_start3A_582, %dma_start3A_583] : memref<8x64x64xf32, #tpu.memory_space<vmem>> -> memref<1x64x64xf32, #tpu.memory_space<vmem>>
      %dma_start3A_585 = tpu.memref_squeeze %dma_start3A_584 : memref<1x64x64xf32, #tpu.memory_space<vmem>> -> memref<64x64xf32, #tpu.memory_space<vmem>>
      %dma_start3A_586 = arith.constant 0 : i32
      %dma_start3A_587 = tpu.memref_slice %arg7[%add3A_569, %dma_start3A_586] : memref<160x64xi32, #tpu.memory_space<vmem>> -> memref<1x64xi32, #tpu.memory_space<vmem>>
      %dma_start3A_588 = tpu.memref_squeeze %dma_start3A_587 : memref<1x64xi32, #tpu.memory_space<vmem>> -> memref<64xi32, #tpu.memory_space<vmem>>
      %dma_start3A_589 = arith.constant 0 : i32
      %dma_start3A_590 = arith.constant 0 : i32
      %dma_start3A_591 = tpu.memref_slice %arg10[%dma_start3A_589, %dma_start3A_590] : memref<10240x64xf32, #tpu.memory_space<vmem_shared>> -> memref<10240x64xf32, #tpu.memory_space<vmem_shared>>
      tpu.enqueue_indirect_dma source(%dma_start3A_585 : memref<64x64xf32, #tpu.memory_space<vmem>>) target(%dma_start3A_591 : memref<10240x64xf32, #tpu.memory_space<vmem_shared>>) offsets(%dma_start3A_588 : memref<64xi32, #tpu.memory_space<vmem>>) semaphore(%arg23 : memref<!tpu.dma_semaphore, #tpu.memory_space<semaphore_mem>>) {add = true}
      %add3A_592 = arith.constant 1 : i32
      %add3A_593 = arith.addi %mul3A_567, %add3A_592 : i32
      %dma_wait3A_594 = arith.constant 5 : i32
      %dma_wait3A_595 = arith.constant 0 : i32
      %dma_wait3A_596 = arith.constant 0 : i32
      %dma_wait3A_597 = tpu.memref_slice %arg8[%dma_wait3A_594, %dma_wait3A_595, %dma_wait3A_596] : memref<8x64x64xf32, #tpu.memory_space<vmem>> -> memref<1x64x64xf32, #tpu.memory_space<vmem>>
      %dma_wait3A_598 = tpu.memref_squeeze %dma_wait3A_597 : memref<1x64x64xf32, #tpu.memory_space<vmem>> -> memref<64x64xf32, #tpu.memory_space<vmem>>
      %dma_wait3A_599 = arith.constant 0 : i32
      %dma_wait3A_600 = tpu.memref_slice %arg6[%add3A_593, %dma_wait3A_599] : memref<160x64xi32, #tpu.memory_space<vmem>> -> memref<1x64xi32, #tpu.memory_space<vmem>>
      %dma_wait3A_601 = tpu.memref_squeeze %dma_wait3A_600 : memref<1x64xi32, #tpu.memory_space<vmem>> -> memref<64xi32, #tpu.memory_space<vmem>>
      %dma_wait3A_602 = arith.constant 0 : i32
      %dma_wait3A_603 = arith.constant 0 : i32
      %dma_wait3A_604 = tpu.memref_slice %arg2[%dma_wait3A_602, %dma_wait3A_603] : memref<20480x64xf32, #tpu.memory_space<hbm>> -> memref<20480x64xf32, #tpu.memory_space<hbm>>
      tpu.wait_indirect_dma semaphore(%arg16 : memref<!tpu.dma_semaphore, #tpu.memory_space<semaphore_mem>>) src(%dma_wait3A_604 : memref<20480x64xf32, #tpu.memory_space<hbm>>) dst(%dma_wait3A_598 : memref<64x64xf32, #tpu.memory_space<vmem>>)
      %dma_start3A_605 = arith.constant 5 : i32
      %dma_start3A_606 = arith.constant 0 : i32
      %dma_start3A_607 = arith.constant 0 : i32
      %dma_start3A_608 = tpu.memref_slice %arg8[%dma_start3A_605, %dma_start3A_606, %dma_start3A_607] : memref<8x64x64xf32, #tpu.memory_space<vmem>> -> memref<1x64x64xf32, #tpu.memory_space<vmem>>
      %dma_start3A_609 = tpu.memref_squeeze %dma_start3A_608 : memref<1x64x64xf32, #tpu.memory_space<vmem>> -> memref<64x64xf32, #tpu.memory_space<vmem>>
      %dma_start3A_610 = arith.constant 0 : i32
      %dma_start3A_611 = tpu.memref_slice %arg7[%add3A_593, %dma_start3A_610] : memref<160x64xi32, #tpu.memory_space<vmem>> -> memref<1x64xi32, #tpu.memory_space<vmem>>
      %dma_start3A_612 = tpu.memref_squeeze %dma_start3A_611 : memref<1x64xi32, #tpu.memory_space<vmem>> -> memref<64xi32, #tpu.memory_space<vmem>>
      %dma_start3A_613 = arith.constant 0 : i32
      %dma_start3A_614 = arith.constant 0 : i32
      %dma_start3A_615 = tpu.memref_slice %arg10[%dma_start3A_613, %dma_start3A_614] : memref<10240x64xf32, #tpu.memory_space<vmem_shared>> -> memref<10240x64xf32, #tpu.memory_space<vmem_shared>>
      tpu.enqueue_indirect_dma source(%dma_start3A_609 : memref<64x64xf32, #tpu.memory_space<vmem>>) target(%dma_start3A_615 : memref<10240x64xf32, #tpu.memory_space<vmem_shared>>) offsets(%dma_start3A_612 : memref<64xi32, #tpu.memory_space<vmem>>) semaphore(%arg24 : memref<!tpu.dma_semaphore, #tpu.memory_space<semaphore_mem>>) {add = true}
      %add3A_616 = arith.constant 2 : i32
      %add3A_617 = arith.addi %mul3A_567, %add3A_616 : i32
      %dma_wait3A_618 = arith.constant 6 : i32
      %dma_wait3A_619 = arith.constant 0 : i32
      %dma_wait3A_620 = arith.constant 0 : i32
      %dma_wait3A_621 = tpu.memref_slice %arg8[%dma_wait3A_618, %dma_wait3A_619, %dma_wait3A_620] : memref<8x64x64xf32, #tpu.memory_space<vmem>> -> memref<1x64x64xf32, #tpu.memory_space<vmem>>
      %dma_wait3A_622 = tpu.memref_squeeze %dma_wait3A_621 : memref<1x64x64xf32, #tpu.memory_space<vmem>> -> memref<64x64xf32, #tpu.memory_space<vmem>>
      %dma_wait3A_623 = arith.constant 0 : i32
      %dma_wait3A_624 = tpu.memref_slice %arg6[%add3A_617, %dma_wait3A_623] : memref<160x64xi32, #tpu.memory_space<vmem>> -> memref<1x64xi32, #tpu.memory_space<vmem>>
      %dma_wait3A_625 = tpu.memref_squeeze %dma_wait3A_624 : memref<1x64xi32, #tpu.memory_space<vmem>> -> memref<64xi32, #tpu.memory_space<vmem>>
      %dma_wait3A_626 = arith.constant 0 : i32
      %dma_wait3A_627 = arith.constant 0 : i32
      %dma_wait3A_628 = tpu.memref_slice %arg2[%dma_wait3A_626, %dma_wait3A_627] : memref<20480x64xf32, #tpu.memory_space<hbm>> -> memref<20480x64xf32, #tpu.memory_space<hbm>>
      tpu.wait_indirect_dma semaphore(%arg17 : memref<!tpu.dma_semaphore, #tpu.memory_space<semaphore_mem>>) src(%dma_wait3A_628 : memref<20480x64xf32, #tpu.memory_space<hbm>>) dst(%dma_wait3A_622 : memref<64x64xf32, #tpu.memory_space<vmem>>)
      %dma_start3A_629 = arith.constant 6 : i32
      %dma_start3A_630 = arith.constant 0 : i32
      %dma_start3A_631 = arith.constant 0 : i32
      %dma_start3A_632 = tpu.memref_slice %arg8[%dma_start3A_629, %dma_start3A_630, %dma_start3A_631] : memref<8x64x64xf32, #tpu.memory_space<vmem>> -> memref<1x64x64xf32, #tpu.memory_space<vmem>>
      %dma_start3A_633 = tpu.memref_squeeze %dma_start3A_632 : memref<1x64x64xf32, #tpu.memory_space<vmem>> -> memref<64x64xf32, #tpu.memory_space<vmem>>
      %dma_start3A_634 = arith.constant 0 : i32
      %dma_start3A_635 = tpu.memref_slice %arg7[%add3A_617, %dma_start3A_634] : memref<160x64xi32, #tpu.memory_space<vmem>> -> memref<1x64xi32, #tpu.memory_space<vmem>>
      %dma_start3A_636 = tpu.memref_squeeze %dma_start3A_635 : memref<1x64xi32, #tpu.memory_space<vmem>> -> memref<64xi32, #tpu.memory_space<vmem>>
      %dma_start3A_637 = arith.constant 0 : i32
      %dma_start3A_638 = arith.constant 0 : i32
      %dma_start3A_639 = tpu.memref_slice %arg10[%dma_start3A_637, %dma_start3A_638] : memref<10240x64xf32, #tpu.memory_space<vmem_shared>> -> memref<10240x64xf32, #tpu.memory_space<vmem_shared>>
      tpu.enqueue_indirect_dma source(%dma_start3A_633 : memref<64x64xf32, #tpu.memory_space<vmem>>) target(%dma_start3A_639 : memref<10240x64xf32, #tpu.memory_space<vmem_shared>>) offsets(%dma_start3A_636 : memref<64xi32, #tpu.memory_space<vmem>>) semaphore(%arg25 : memref<!tpu.dma_semaphore, #tpu.memory_space<semaphore_mem>>) {add = true}
      %add3A_640 = arith.constant 3 : i32
      %add3A_641 = arith.addi %mul3A_567, %add3A_640 : i32
      %dma_wait3A_642 = arith.constant 7 : i32
      %dma_wait3A_643 = arith.constant 0 : i32
      %dma_wait3A_644 = arith.constant 0 : i32
      %dma_wait3A_645 = tpu.memref_slice %arg8[%dma_wait3A_642, %dma_wait3A_643, %dma_wait3A_644] : memref<8x64x64xf32, #tpu.memory_space<vmem>> -> memref<1x64x64xf32, #tpu.memory_space<vmem>>
      %dma_wait3A_646 = tpu.memref_squeeze %dma_wait3A_645 : memref<1x64x64xf32, #tpu.memory_space<vmem>> -> memref<64x64xf32, #tpu.memory_space<vmem>>
      %dma_wait3A_647 = arith.constant 0 : i32
      %dma_wait3A_648 = tpu.memref_slice %arg6[%add3A_641, %dma_wait3A_647] : memref<160x64xi32, #tpu.memory_space<vmem>> -> memref<1x64xi32, #tpu.memory_space<vmem>>
      %dma_wait3A_649 = tpu.memref_squeeze %dma_wait3A_648 : memref<1x64xi32, #tpu.memory_space<vmem>> -> memref<64xi32, #tpu.memory_space<vmem>>
      %dma_wait3A_650 = arith.constant 0 : i32
      %dma_wait3A_651 = arith.constant 0 : i32
      %dma_wait3A_652 = tpu.memref_slice %arg2[%dma_wait3A_650, %dma_wait3A_651] : memref<20480x64xf32, #tpu.memory_space<hbm>> -> memref<20480x64xf32, #tpu.memory_space<hbm>>
      tpu.wait_indirect_dma semaphore(%arg18 : memref<!tpu.dma_semaphore, #tpu.memory_space<semaphore_mem>>) src(%dma_wait3A_652 : memref<20480x64xf32, #tpu.memory_space<hbm>>) dst(%dma_wait3A_646 : memref<64x64xf32, #tpu.memory_space<vmem>>)
      %dma_start3A_653 = arith.constant 7 : i32
      %dma_start3A_654 = arith.constant 0 : i32
      %dma_start3A_655 = arith.constant 0 : i32
      %dma_start3A_656 = tpu.memref_slice %arg8[%dma_start3A_653, %dma_start3A_654, %dma_start3A_655] : memref<8x64x64xf32, #tpu.memory_space<vmem>> -> memref<1x64x64xf32, #tpu.memory_space<vmem>>
      %dma_start3A_657 = tpu.memref_squeeze %dma_start3A_656 : memref<1x64x64xf32, #tpu.memory_space<vmem>> -> memref<64x64xf32, #tpu.memory_space<vmem>>
      %dma_start3A_658 = arith.constant 0 : i32
      %dma_start3A_659 = tpu.memref_slice %arg7[%add3A_641, %dma_start3A_658] : memref<160x64xi32, #tpu.memory_space<vmem>> -> memref<1x64xi32, #tpu.memory_space<vmem>>
      %dma_start3A_660 = tpu.memref_squeeze %dma_start3A_659 : memref<1x64xi32, #tpu.memory_space<vmem>> -> memref<64xi32, #tpu.memory_space<vmem>>
      %dma_start3A_661 = arith.constant 0 : i32
      %dma_start3A_662 = arith.constant 0 : i32
      %dma_start3A_663 = tpu.memref_slice %arg10[%dma_start3A_661, %dma_start3A_662] : memref<10240x64xf32, #tpu.memory_space<vmem_shared>> -> memref<10240x64xf32, #tpu.memory_space<vmem_shared>>
      tpu.enqueue_indirect_dma source(%dma_start3A_657 : memref<64x64xf32, #tpu.memory_space<vmem>>) target(%dma_start3A_663 : memref<10240x64xf32, #tpu.memory_space<vmem_shared>>) offsets(%dma_start3A_660 : memref<64xi32, #tpu.memory_space<vmem>>) semaphore(%arg26 : memref<!tpu.dma_semaphore, #tpu.memory_space<semaphore_mem>>) {add = true}
      %lt3A_664 = arith.constant 38 : i32
      %lt3A_665 = arith.cmpi slt, %add3A_565, %lt3A_664 : i32
      %convert_element_type3A_666 = arith.extui %lt3A_665 : i1 to i32
      %cond3A_667 = arith.constant 0 : i32
      %cond3A_668 = arith.cmpi ne, %convert_element_type3A_666, %cond3A_667 : i32
      scf.if %cond3A_668 {
        %add3A_670 = arith.constant 0 : i32
        %add3A_671 = arith.addi %mul3A_567, %add3A_670 : i32
        %dma_wait3A_672 = arith.constant 4 : i32
        %dma_wait3A_673 = arith.constant 0 : i32
        %dma_wait3A_674 = arith.constant 0 : i32
        %dma_wait3A_675 = tpu.memref_slice %arg8[%dma_wait3A_672, %dma_wait3A_673, %dma_wait3A_674] : memref<8x64x64xf32, #tpu.memory_space<vmem>> -> memref<1x64x64xf32, #tpu.memory_space<vmem>>
        %dma_wait3A_676 = tpu.memref_squeeze %dma_wait3A_675 : memref<1x64x64xf32, #tpu.memory_space<vmem>> -> memref<64x64xf32, #tpu.memory_space<vmem>>
        %dma_wait3A_677 = arith.constant 0 : i32
        %dma_wait3A_678 = tpu.memref_slice %arg7[%add3A_671, %dma_wait3A_677] : memref<160x64xi32, #tpu.memory_space<vmem>> -> memref<1x64xi32, #tpu.memory_space<vmem>>
        %dma_wait3A_679 = tpu.memref_squeeze %dma_wait3A_678 : memref<1x64xi32, #tpu.memory_space<vmem>> -> memref<64xi32, #tpu.memory_space<vmem>>
        %dma_wait3A_680 = arith.constant 0 : i32
        %dma_wait3A_681 = arith.constant 0 : i32
        %dma_wait3A_682 = tpu.memref_slice %arg10[%dma_wait3A_680, %dma_wait3A_681] : memref<10240x64xf32, #tpu.memory_space<vmem_shared>> -> memref<10240x64xf32, #tpu.memory_space<vmem_shared>>
        tpu.wait_indirect_dma semaphore(%arg23 : memref<!tpu.dma_semaphore, #tpu.memory_space<semaphore_mem>>) src(%dma_wait3A_676 : memref<64x64xf32, #tpu.memory_space<vmem>>) dst(%dma_wait3A_682 : memref<10240x64xf32, #tpu.memory_space<vmem_shared>>)
        %add3A_683 = arith.constant 8 : i32
        %add3A_684 = arith.addi %add3A_671, %add3A_683 : i32
        %dma_start3A_685 = arith.constant 4 : i32
        %dma_start3A_686 = arith.constant 0 : i32
        %dma_start3A_687 = arith.constant 0 : i32
        %dma_start3A_688 = tpu.memref_slice %arg8[%dma_start3A_685, %dma_start3A_686, %dma_start3A_687] : memref<8x64x64xf32, #tpu.memory_space<vmem>> -> memref<1x64x64xf32, #tpu.memory_space<vmem>>
        %dma_start3A_689 = tpu.memref_squeeze %dma_start3A_688 : memref<1x64x64xf32, #tpu.memory_space<vmem>> -> memref<64x64xf32, #tpu.memory_space<vmem>>
        %dma_start3A_690 = arith.constant 0 : i32
        %dma_start3A_691 = tpu.memref_slice %arg6[%add3A_684, %dma_start3A_690] : memref<160x64xi32, #tpu.memory_space<vmem>> -> memref<1x64xi32, #tpu.memory_space<vmem>>
        %dma_start3A_692 = tpu.memref_squeeze %dma_start3A_691 : memref<1x64xi32, #tpu.memory_space<vmem>> -> memref<64xi32, #tpu.memory_space<vmem>>
        %dma_start3A_693 = arith.constant 0 : i32
        %dma_start3A_694 = arith.constant 0 : i32
        %dma_start3A_695 = tpu.memref_slice %arg2[%dma_start3A_693, %dma_start3A_694] : memref<20480x64xf32, #tpu.memory_space<hbm>> -> memref<20480x64xf32, #tpu.memory_space<hbm>>
        tpu.enqueue_indirect_dma source(%dma_start3A_695 : memref<20480x64xf32, #tpu.memory_space<hbm>>) target(%dma_start3A_689 : memref<64x64xf32, #tpu.memory_space<vmem>>) offsets(%dma_start3A_692 : memref<64xi32, #tpu.memory_space<vmem>>) semaphore(%arg15 : memref<!tpu.dma_semaphore, #tpu.memory_space<semaphore_mem>>)
        %add3A_696 = arith.constant 1 : i32
        %add3A_697 = arith.addi %mul3A_567, %add3A_696 : i32
        %dma_wait3A_698 = arith.constant 5 : i32
        %dma_wait3A_699 = arith.constant 0 : i32
        %dma_wait3A_700 = arith.constant 0 : i32
        %dma_wait3A_701 = tpu.memref_slice %arg8[%dma_wait3A_698, %dma_wait3A_699, %dma_wait3A_700] : memref<8x64x64xf32, #tpu.memory_space<vmem>> -> memref<1x64x64xf32, #tpu.memory_space<vmem>>
        %dma_wait3A_702 = tpu.memref_squeeze %dma_wait3A_701 : memref<1x64x64xf32, #tpu.memory_space<vmem>> -> memref<64x64xf32, #tpu.memory_space<vmem>>
        %dma_wait3A_703 = arith.constant 0 : i32
        %dma_wait3A_704 = tpu.memref_slice %arg7[%add3A_697, %dma_wait3A_703] : memref<160x64xi32, #tpu.memory_space<vmem>> -> memref<1x64xi32, #tpu.memory_space<vmem>>
        %dma_wait3A_705 = tpu.memref_squeeze %dma_wait3A_704 : memref<1x64xi32, #tpu.memory_space<vmem>> -> memref<64xi32, #tpu.memory_space<vmem>>
        %dma_wait3A_706 = arith.constant 0 : i32
        %dma_wait3A_707 = arith.constant 0 : i32
        %dma_wait3A_708 = tpu.memref_slice %arg10[%dma_wait3A_706, %dma_wait3A_707] : memref<10240x64xf32, #tpu.memory_space<vmem_shared>> -> memref<10240x64xf32, #tpu.memory_space<vmem_shared>>
        tpu.wait_indirect_dma semaphore(%arg24 : memref<!tpu.dma_semaphore, #tpu.memory_space<semaphore_mem>>) src(%dma_wait3A_702 : memref<64x64xf32, #tpu.memory_space<vmem>>) dst(%dma_wait3A_708 : memref<10240x64xf32, #tpu.memory_space<vmem_shared>>)
        %add3A_709 = arith.constant 8 : i32
        %add3A_710 = arith.addi %add3A_697, %add3A_709 : i32
        %dma_start3A_711 = arith.constant 5 : i32
        %dma_start3A_712 = arith.constant 0 : i32
        %dma_start3A_713 = arith.constant 0 : i32
        %dma_start3A_714 = tpu.memref_slice %arg8[%dma_start3A_711, %dma_start3A_712, %dma_start3A_713] : memref<8x64x64xf32, #tpu.memory_space<vmem>> -> memref<1x64x64xf32, #tpu.memory_space<vmem>>
        %dma_start3A_715 = tpu.memref_squeeze %dma_start3A_714 : memref<1x64x64xf32, #tpu.memory_space<vmem>> -> memref<64x64xf32, #tpu.memory_space<vmem>>
        %dma_start3A_716 = arith.constant 0 : i32
        %dma_start3A_717 = tpu.memref_slice %arg6[%add3A_710, %dma_start3A_716] : memref<160x64xi32, #tpu.memory_space<vmem>> -> memref<1x64xi32, #tpu.memory_space<vmem>>
        %dma_start3A_718 = tpu.memref_squeeze %dma_start3A_717 : memref<1x64xi32, #tpu.memory_space<vmem>> -> memref<64xi32, #tpu.memory_space<vmem>>
        %dma_start3A_719 = arith.constant 0 : i32
        %dma_start3A_720 = arith.constant 0 : i32
        %dma_start3A_721 = tpu.memref_slice %arg2[%dma_start3A_719, %dma_start3A_720] : memref<20480x64xf32, #tpu.memory_space<hbm>> -> memref<20480x64xf32, #tpu.memory_space<hbm>>
        tpu.enqueue_indirect_dma source(%dma_start3A_721 : memref<20480x64xf32, #tpu.memory_space<hbm>>) target(%dma_start3A_715 : memref<64x64xf32, #tpu.memory_space<vmem>>) offsets(%dma_start3A_718 : memref<64xi32, #tpu.memory_space<vmem>>) semaphore(%arg16 : memref<!tpu.dma_semaphore, #tpu.memory_space<semaphore_mem>>)
        %add3A_722 = arith.constant 2 : i32
        %add3A_723 = arith.addi %mul3A_567, %add3A_722 : i32
        %dma_wait3A_724 = arith.constant 6 : i32
        %dma_wait3A_725 = arith.constant 0 : i32
        %dma_wait3A_726 = arith.constant 0 : i32
        %dma_wait3A_727 = tpu.memref_slice %arg8[%dma_wait3A_724, %dma_wait3A_725, %dma_wait3A_726] : memref<8x64x64xf32, #tpu.memory_space<vmem>> -> memref<1x64x64xf32, #tpu.memory_space<vmem>>
        %dma_wait3A_728 = tpu.memref_squeeze %dma_wait3A_727 : memref<1x64x64xf32, #tpu.memory_space<vmem>> -> memref<64x64xf32, #tpu.memory_space<vmem>>
        %dma_wait3A_729 = arith.constant 0 : i32
        %dma_wait3A_730 = tpu.memref_slice %arg7[%add3A_723, %dma_wait3A_729] : memref<160x64xi32, #tpu.memory_space<vmem>> -> memref<1x64xi32, #tpu.memory_space<vmem>>
        %dma_wait3A_731 = tpu.memref_squeeze %dma_wait3A_730 : memref<1x64xi32, #tpu.memory_space<vmem>> -> memref<64xi32, #tpu.memory_space<vmem>>
        %dma_wait3A_732 = arith.constant 0 : i32
        %dma_wait3A_733 = arith.constant 0 : i32
        %dma_wait3A_734 = tpu.memref_slice %arg10[%dma_wait3A_732, %dma_wait3A_733] : memref<10240x64xf32, #tpu.memory_space<vmem_shared>> -> memref<10240x64xf32, #tpu.memory_space<vmem_shared>>
        tpu.wait_indirect_dma semaphore(%arg25 : memref<!tpu.dma_semaphore, #tpu.memory_space<semaphore_mem>>) src(%dma_wait3A_728 : memref<64x64xf32, #tpu.memory_space<vmem>>) dst(%dma_wait3A_734 : memref<10240x64xf32, #tpu.memory_space<vmem_shared>>)
        %add3A_735 = arith.constant 8 : i32
        %add3A_736 = arith.addi %add3A_723, %add3A_735 : i32
        %dma_start3A_737 = arith.constant 6 : i32
        %dma_start3A_738 = arith.constant 0 : i32
        %dma_start3A_739 = arith.constant 0 : i32
        %dma_start3A_740 = tpu.memref_slice %arg8[%dma_start3A_737, %dma_start3A_738, %dma_start3A_739] : memref<8x64x64xf32, #tpu.memory_space<vmem>> -> memref<1x64x64xf32, #tpu.memory_space<vmem>>
        %dma_start3A_741 = tpu.memref_squeeze %dma_start3A_740 : memref<1x64x64xf32, #tpu.memory_space<vmem>> -> memref<64x64xf32, #tpu.memory_space<vmem>>
        %dma_start3A_742 = arith.constant 0 : i32
        %dma_start3A_743 = tpu.memref_slice %arg6[%add3A_736, %dma_start3A_742] : memref<160x64xi32, #tpu.memory_space<vmem>> -> memref<1x64xi32, #tpu.memory_space<vmem>>
        %dma_start3A_744 = tpu.memref_squeeze %dma_start3A_743 : memref<1x64xi32, #tpu.memory_space<vmem>> -> memref<64xi32, #tpu.memory_space<vmem>>
        %dma_start3A_745 = arith.constant 0 : i32
        %dma_start3A_746 = arith.constant 0 : i32
        %dma_start3A_747 = tpu.memref_slice %arg2[%dma_start3A_745, %dma_start3A_746] : memref<20480x64xf32, #tpu.memory_space<hbm>> -> memref<20480x64xf32, #tpu.memory_space<hbm>>
        tpu.enqueue_indirect_dma source(%dma_start3A_747 : memref<20480x64xf32, #tpu.memory_space<hbm>>) target(%dma_start3A_741 : memref<64x64xf32, #tpu.memory_space<vmem>>) offsets(%dma_start3A_744 : memref<64xi32, #tpu.memory_space<vmem>>) semaphore(%arg17 : memref<!tpu.dma_semaphore, #tpu.memory_space<semaphore_mem>>)
        %add3A_748 = arith.constant 3 : i32
        %add3A_749 = arith.addi %mul3A_567, %add3A_748 : i32
        %dma_wait3A_750 = arith.constant 7 : i32
        %dma_wait3A_751 = arith.constant 0 : i32
        %dma_wait3A_752 = arith.constant 0 : i32
        %dma_wait3A_753 = tpu.memref_slice %arg8[%dma_wait3A_750, %dma_wait3A_751, %dma_wait3A_752] : memref<8x64x64xf32, #tpu.memory_space<vmem>> -> memref<1x64x64xf32, #tpu.memory_space<vmem>>
        %dma_wait3A_754 = tpu.memref_squeeze %dma_wait3A_753 : memref<1x64x64xf32, #tpu.memory_space<vmem>> -> memref<64x64xf32, #tpu.memory_space<vmem>>
        %dma_wait3A_755 = arith.constant 0 : i32
        %dma_wait3A_756 = tpu.memref_slice %arg7[%add3A_749, %dma_wait3A_755] : memref<160x64xi32, #tpu.memory_space<vmem>> -> memref<1x64xi32, #tpu.memory_space<vmem>>
        %dma_wait3A_757 = tpu.memref_squeeze %dma_wait3A_756 : memref<1x64xi32, #tpu.memory_space<vmem>> -> memref<64xi32, #tpu.memory_space<vmem>>
        %dma_wait3A_758 = arith.constant 0 : i32
        %dma_wait3A_759 = arith.constant 0 : i32
        %dma_wait3A_760 = tpu.memref_slice %arg10[%dma_wait3A_758, %dma_wait3A_759] : memref<10240x64xf32, #tpu.memory_space<vmem_shared>> -> memref<10240x64xf32, #tpu.memory_space<vmem_shared>>
        tpu.wait_indirect_dma semaphore(%arg26 : memref<!tpu.dma_semaphore, #tpu.memory_space<semaphore_mem>>) src(%dma_wait3A_754 : memref<64x64xf32, #tpu.memory_space<vmem>>) dst(%dma_wait3A_760 : memref<10240x64xf32, #tpu.memory_space<vmem_shared>>)
        %add3A_761 = arith.constant 8 : i32
        %add3A_762 = arith.addi %add3A_749, %add3A_761 : i32
        %dma_start3A_763 = arith.constant 7 : i32
        %dma_start3A_764 = arith.constant 0 : i32
        %dma_start3A_765 = arith.constant 0 : i32
        %dma_start3A_766 = tpu.memref_slice %arg8[%dma_start3A_763, %dma_start3A_764, %dma_start3A_765] : memref<8x64x64xf32, #tpu.memory_space<vmem>> -> memref<1x64x64xf32, #tpu.memory_space<vmem>>
        %dma_start3A_767 = tpu.memref_squeeze %dma_start3A_766 : memref<1x64x64xf32, #tpu.memory_space<vmem>> -> memref<64x64xf32, #tpu.memory_space<vmem>>
        %dma_start3A_768 = arith.constant 0 : i32
        %dma_start3A_769 = tpu.memref_slice %arg6[%add3A_762, %dma_start3A_768] : memref<160x64xi32, #tpu.memory_space<vmem>> -> memref<1x64xi32, #tpu.memory_space<vmem>>
        %dma_start3A_770 = tpu.memref_squeeze %dma_start3A_769 : memref<1x64xi32, #tpu.memory_space<vmem>> -> memref<64xi32, #tpu.memory_space<vmem>>
        %dma_start3A_771 = arith.constant 0 : i32
        %dma_start3A_772 = arith.constant 0 : i32
        %dma_start3A_773 = tpu.memref_slice %arg2[%dma_start3A_771, %dma_start3A_772] : memref<20480x64xf32, #tpu.memory_space<hbm>> -> memref<20480x64xf32, #tpu.memory_space<hbm>>
        tpu.enqueue_indirect_dma source(%dma_start3A_773 : memref<20480x64xf32, #tpu.memory_space<hbm>>) target(%dma_start3A_767 : memref<64x64xf32, #tpu.memory_space<vmem>>) offsets(%dma_start3A_770 : memref<64xi32, #tpu.memory_space<vmem>>) semaphore(%arg18 : memref<!tpu.dma_semaphore, #tpu.memory_space<semaphore_mem>>)
      } else {
      }
      %scan3A_669 = arith.constant 0 : i32
      scf.yield %scan3A_669 : i32
    }
    %scan3A_354 = arith.constant 20 : i32
    %dma_wait3A_355 = arith.constant 0 : i32
    %dma_wait3A_356 = arith.constant 152 : i32
    %dma_wait3A_357 = arith.constant 0 : i32
    %dma_wait3A_358 = arith.constant 0 : i32
    %dma_wait3A_359 = tpu.memref_slice %arg8[%dma_wait3A_355, %dma_wait3A_357, %dma_wait3A_358] : memref<8x64x64xf32, #tpu.memory_space<vmem>> -> memref<1x64x64xf32, #tpu.memory_space<vmem>>
    %dma_wait3A_360 = tpu.memref_squeeze %dma_wait3A_359 : memref<1x64x64xf32, #tpu.memory_space<vmem>> -> memref<64x64xf32, #tpu.memory_space<vmem>>
    %dma_wait3A_361 = arith.constant 0 : i32
    %dma_wait3A_362 = tpu.memref_slice %arg7[%dma_wait3A_356, %dma_wait3A_361] : memref<160x64xi32, #tpu.memory_space<vmem>> -> memref<1x64xi32, #tpu.memory_space<vmem>>
    %dma_wait3A_363 = tpu.memref_squeeze %dma_wait3A_362 : memref<1x64xi32, #tpu.memory_space<vmem>> -> memref<64xi32, #tpu.memory_space<vmem>>
    %dma_wait3A_364 = arith.constant 0 : i32
    %dma_wait3A_365 = arith.constant 0 : i32
    %dma_wait3A_366 = tpu.memref_slice %arg10[%dma_wait3A_364, %dma_wait3A_365] : memref<10240x64xf32, #tpu.memory_space<vmem_shared>> -> memref<10240x64xf32, #tpu.memory_space<vmem_shared>>
    tpu.wait_indirect_dma semaphore(%arg19 : memref<!tpu.dma_semaphore, #tpu.memory_space<semaphore_mem>>) src(%dma_wait3A_360 : memref<64x64xf32, #tpu.memory_space<vmem>>) dst(%dma_wait3A_366 : memref<10240x64xf32, #tpu.memory_space<vmem_shared>>)
    %dma_wait3A_367 = arith.constant 1 : i32
    %dma_wait3A_368 = arith.constant 153 : i32
    %dma_wait3A_369 = arith.constant 0 : i32
    %dma_wait3A_370 = arith.constant 0 : i32
    %dma_wait3A_371 = tpu.memref_slice %arg8[%dma_wait3A_367, %dma_wait3A_369, %dma_wait3A_370] : memref<8x64x64xf32, #tpu.memory_space<vmem>> -> memref<1x64x64xf32, #tpu.memory_space<vmem>>
    %dma_wait3A_372 = tpu.memref_squeeze %dma_wait3A_371 : memref<1x64x64xf32, #tpu.memory_space<vmem>> -> memref<64x64xf32, #tpu.memory_space<vmem>>
    %dma_wait3A_373 = arith.constant 0 : i32
    %dma_wait3A_374 = tpu.memref_slice %arg7[%dma_wait3A_368, %dma_wait3A_373] : memref<160x64xi32, #tpu.memory_space<vmem>> -> memref<1x64xi32, #tpu.memory_space<vmem>>
    %dma_wait3A_375 = tpu.memref_squeeze %dma_wait3A_374 : memref<1x64xi32, #tpu.memory_space<vmem>> -> memref<64xi32, #tpu.memory_space<vmem>>
    %dma_wait3A_376 = arith.constant 0 : i32
    %dma_wait3A_377 = arith.constant 0 : i32
    %dma_wait3A_378 = tpu.memref_slice %arg10[%dma_wait3A_376, %dma_wait3A_377] : memref<10240x64xf32, #tpu.memory_space<vmem_shared>> -> memref<10240x64xf32, #tpu.memory_space<vmem_shared>>
    tpu.wait_indirect_dma semaphore(%arg20 : memref<!tpu.dma_semaphore, #tpu.memory_space<semaphore_mem>>) src(%dma_wait3A_372 : memref<64x64xf32, #tpu.memory_space<vmem>>) dst(%dma_wait3A_378 : memref<10240x64xf32, #tpu.memory_space<vmem_shared>>)
    %dma_wait3A_379 = arith.constant 2 : i32
    %dma_wait3A_380 = arith.constant 154 : i32
    %dma_wait3A_381 = arith.constant 0 : i32
    %dma_wait3A_382 = arith.constant 0 : i32
    %dma_wait3A_383 = tpu.memref_slice %arg8[%dma_wait3A_379, %dma_wait3A_381, %dma_wait3A_382] : memref<8x64x64xf32, #tpu.memory_space<vmem>> -> memref<1x64x64xf32, #tpu.memory_space<vmem>>
    %dma_wait3A_384 = tpu.memref_squeeze %dma_wait3A_383 : memref<1x64x64xf32, #tpu.memory_space<vmem>> -> memref<64x64xf32, #tpu.memory_space<vmem>>
    %dma_wait3A_385 = arith.constant 0 : i32
    %dma_wait3A_386 = tpu.memref_slice %arg7[%dma_wait3A_380, %dma_wait3A_385] : memref<160x64xi32, #tpu.memory_space<vmem>> -> memref<1x64xi32, #tpu.memory_space<vmem>>
    %dma_wait3A_387 = tpu.memref_squeeze %dma_wait3A_386 : memref<1x64xi32, #tpu.memory_space<vmem>> -> memref<64xi32, #tpu.memory_space<vmem>>
    %dma_wait3A_388 = arith.constant 0 : i32
    %dma_wait3A_389 = arith.constant 0 : i32
    %dma_wait3A_390 = tpu.memref_slice %arg10[%dma_wait3A_388, %dma_wait3A_389] : memref<10240x64xf32, #tpu.memory_space<vmem_shared>> -> memref<10240x64xf32, #tpu.memory_space<vmem_shared>>
    tpu.wait_indirect_dma semaphore(%arg21 : memref<!tpu.dma_semaphore, #tpu.memory_space<semaphore_mem>>) src(%dma_wait3A_384 : memref<64x64xf32, #tpu.memory_space<vmem>>) dst(%dma_wait3A_390 : memref<10240x64xf32, #tpu.memory_space<vmem_shared>>)
    %dma_wait3A_391 = arith.constant 3 : i32
    %dma_wait3A_392 = arith.constant 155 : i32
    %dma_wait3A_393 = arith.constant 0 : i32
    %dma_wait3A_394 = arith.constant 0 : i32
    %dma_wait3A_395 = tpu.memref_slice %arg8[%dma_wait3A_391, %dma_wait3A_393, %dma_wait3A_394] : memref<8x64x64xf32, #tpu.memory_space<vmem>> -> memref<1x64x64xf32, #tpu.memory_space<vmem>>
    %dma_wait3A_396 = tpu.memref_squeeze %dma_wait3A_395 : memref<1x64x64xf32, #tpu.memory_space<vmem>> -> memref<64x64xf32, #tpu.memory_space<vmem>>
    %dma_wait3A_397 = arith.constant 0 : i32
    %dma_wait3A_398 = tpu.memref_slice %arg7[%dma_wait3A_392, %dma_wait3A_397] : memref<160x64xi32, #tpu.memory_space<vmem>> -> memref<1x64xi32, #tpu.memory_space<vmem>>
    %dma_wait3A_399 = tpu.memref_squeeze %dma_wait3A_398 : memref<1x64xi32, #tpu.memory_space<vmem>> -> memref<64xi32, #tpu.memory_space<vmem>>
    %dma_wait3A_400 = arith.constant 0 : i32
    %dma_wait3A_401 = arith.constant 0 : i32
    %dma_wait3A_402 = tpu.memref_slice %arg10[%dma_wait3A_400, %dma_wait3A_401] : memref<10240x64xf32, #tpu.memory_space<vmem_shared>> -> memref<10240x64xf32, #tpu.memory_space<vmem_shared>>
    tpu.wait_indirect_dma semaphore(%arg22 : memref<!tpu.dma_semaphore, #tpu.memory_space<semaphore_mem>>) src(%dma_wait3A_396 : memref<64x64xf32, #tpu.memory_space<vmem>>) dst(%dma_wait3A_402 : memref<10240x64xf32, #tpu.memory_space<vmem_shared>>)
    %dma_wait3A_403 = arith.constant 4 : i32
    %dma_wait3A_404 = arith.constant 156 : i32
    %dma_wait3A_405 = arith.constant 0 : i32
    %dma_wait3A_406 = arith.constant 0 : i32
    %dma_wait3A_407 = tpu.memref_slice %arg8[%dma_wait3A_403, %dma_wait3A_405, %dma_wait3A_406] : memref<8x64x64xf32, #tpu.memory_space<vmem>> -> memref<1x64x64xf32, #tpu.memory_space<vmem>>
    %dma_wait3A_408 = tpu.memref_squeeze %dma_wait3A_407 : memref<1x64x64xf32, #tpu.memory_space<vmem>> -> memref<64x64xf32, #tpu.memory_space<vmem>>
    %dma_wait3A_409 = arith.constant 0 : i32
    %dma_wait3A_410 = tpu.memref_slice %arg7[%dma_wait3A_404, %dma_wait3A_409] : memref<160x64xi32, #tpu.memory_space<vmem>> -> memref<1x64xi32, #tpu.memory_space<vmem>>
    %dma_wait3A_411 = tpu.memref_squeeze %dma_wait3A_410 : memref<1x64xi32, #tpu.memory_space<vmem>> -> memref<64xi32, #tpu.memory_space<vmem>>
    %dma_wait3A_412 = arith.constant 0 : i32
    %dma_wait3A_413 = arith.constant 0 : i32
    %dma_wait3A_414 = tpu.memref_slice %arg10[%dma_wait3A_412, %dma_wait3A_413] : memref<10240x64xf32, #tpu.memory_space<vmem_shared>> -> memref<10240x64xf32, #tpu.memory_space<vmem_shared>>
    tpu.wait_indirect_dma semaphore(%arg23 : memref<!tpu.dma_semaphore, #tpu.memory_space<semaphore_mem>>) src(%dma_wait3A_408 : memref<64x64xf32, #tpu.memory_space<vmem>>) dst(%dma_wait3A_414 : memref<10240x64xf32, #tpu.memory_space<vmem_shared>>)
    %dma_wait3A_415 = arith.constant 5 : i32
    %dma_wait3A_416 = arith.constant 157 : i32
    %dma_wait3A_417 = arith.constant 0 : i32
    %dma_wait3A_418 = arith.constant 0 : i32
    %dma_wait3A_419 = tpu.memref_slice %arg8[%dma_wait3A_415, %dma_wait3A_417, %dma_wait3A_418] : memref<8x64x64xf32, #tpu.memory_space<vmem>> -> memref<1x64x64xf32, #tpu.memory_space<vmem>>
    %dma_wait3A_420 = tpu.memref_squeeze %dma_wait3A_419 : memref<1x64x64xf32, #tpu.memory_space<vmem>> -> memref<64x64xf32, #tpu.memory_space<vmem>>
    %dma_wait3A_421 = arith.constant 0 : i32
    %dma_wait3A_422 = tpu.memref_slice %arg7[%dma_wait3A_416, %dma_wait3A_421] : memref<160x64xi32, #tpu.memory_space<vmem>> -> memref<1x64xi32, #tpu.memory_space<vmem>>
    %dma_wait3A_423 = tpu.memref_squeeze %dma_wait3A_422 : memref<1x64xi32, #tpu.memory_space<vmem>> -> memref<64xi32, #tpu.memory_space<vmem>>
    %dma_wait3A_424 = arith.constant 0 : i32
    %dma_wait3A_425 = arith.constant 0 : i32
    %dma_wait3A_426 = tpu.memref_slice %arg10[%dma_wait3A_424, %dma_wait3A_425] : memref<10240x64xf32, #tpu.memory_space<vmem_shared>> -> memref<10240x64xf32, #tpu.memory_space<vmem_shared>>
    tpu.wait_indirect_dma semaphore(%arg24 : memref<!tpu.dma_semaphore, #tpu.memory_space<semaphore_mem>>) src(%dma_wait3A_420 : memref<64x64xf32, #tpu.memory_space<vmem>>) dst(%dma_wait3A_426 : memref<10240x64xf32, #tpu.memory_space<vmem_shared>>)
    %dma_wait3A_427 = arith.constant 6 : i32
    %dma_wait3A_428 = arith.constant 158 : i32
    %dma_wait3A_429 = arith.constant 0 : i32
    %dma_wait3A_430 = arith.constant 0 : i32
    %dma_wait3A_431 = tpu.memref_slice %arg8[%dma_wait3A_427, %dma_wait3A_429, %dma_wait3A_430] : memref<8x64x64xf32, #tpu.memory_space<vmem>> -> memref<1x64x64xf32, #tpu.memory_space<vmem>>
    %dma_wait3A_432 = tpu.memref_squeeze %dma_wait3A_431 : memref<1x64x64xf32, #tpu.memory_space<vmem>> -> memref<64x64xf32, #tpu.memory_space<vmem>>
    %dma_wait3A_433 = arith.constant 0 : i32
    %dma_wait3A_434 = tpu.memref_slice %arg7[%dma_wait3A_428, %dma_wait3A_433] : memref<160x64xi32, #tpu.memory_space<vmem>> -> memref<1x64xi32, #tpu.memory_space<vmem>>
    %dma_wait3A_435 = tpu.memref_squeeze %dma_wait3A_434 : memref<1x64xi32, #tpu.memory_space<vmem>> -> memref<64xi32, #tpu.memory_space<vmem>>
    %dma_wait3A_436 = arith.constant 0 : i32
    %dma_wait3A_437 = arith.constant 0 : i32
    %dma_wait3A_438 = tpu.memref_slice %arg10[%dma_wait3A_436, %dma_wait3A_437] : memref<10240x64xf32, #tpu.memory_space<vmem_shared>> -> memref<10240x64xf32, #tpu.memory_space<vmem_shared>>
    tpu.wait_indirect_dma semaphore(%arg25 : memref<!tpu.dma_semaphore, #tpu.memory_space<semaphore_mem>>) src(%dma_wait3A_432 : memref<64x64xf32, #tpu.memory_space<vmem>>) dst(%dma_wait3A_438 : memref<10240x64xf32, #tpu.memory_space<vmem_shared>>)
    %dma_wait3A_439 = arith.constant 7 : i32
    %dma_wait3A_440 = arith.constant 159 : i32
    %dma_wait3A_441 = arith.constant 0 : i32
    %dma_wait3A_442 = arith.constant 0 : i32
    %dma_wait3A_443 = tpu.memref_slice %arg8[%dma_wait3A_439, %dma_wait3A_441, %dma_wait3A_442] : memref<8x64x64xf32, #tpu.memory_space<vmem>> -> memref<1x64x64xf32, #tpu.memory_space<vmem>>
    %dma_wait3A_444 = tpu.memref_squeeze %dma_wait3A_443 : memref<1x64x64xf32, #tpu.memory_space<vmem>> -> memref<64x64xf32, #tpu.memory_space<vmem>>
    %dma_wait3A_445 = arith.constant 0 : i32
    %dma_wait3A_446 = tpu.memref_slice %arg7[%dma_wait3A_440, %dma_wait3A_445] : memref<160x64xi32, #tpu.memory_space<vmem>> -> memref<1x64xi32, #tpu.memory_space<vmem>>
    %dma_wait3A_447 = tpu.memref_squeeze %dma_wait3A_446 : memref<1x64xi32, #tpu.memory_space<vmem>> -> memref<64xi32, #tpu.memory_space<vmem>>
    %dma_wait3A_448 = arith.constant 0 : i32
    %dma_wait3A_449 = arith.constant 0 : i32
    %dma_wait3A_450 = tpu.memref_slice %arg10[%dma_wait3A_448, %dma_wait3A_449] : memref<10240x64xf32, #tpu.memory_space<vmem_shared>> -> memref<10240x64xf32, #tpu.memory_space<vmem_shared>>
    tpu.wait_indirect_dma semaphore(%arg26 : memref<!tpu.dma_semaphore, #tpu.memory_space<semaphore_mem>>) src(%dma_wait3A_444 : memref<64x64xf32, #tpu.memory_space<vmem>>) dst(%dma_wait3A_450 : memref<10240x64xf32, #tpu.memory_space<vmem_shared>>)
    %barrier3A_451 = arith.constant 0 : index
    tpu.barrier barrier_id(%barrier3A_451)
    %mul3A_452 = arith.constant 640 : i32
    %mul3A_453 = arith.muli %arg1, %mul3A_452 : i32
    %mul3A_454 = arith.constant 640 : i32
    %mul3A_455 = arith.muli %arg1, %mul3A_454 : i32
    "tpu.region"() ({
      %run_scoped3A_456 = tpu.sem_alloc : memref<!tpu.dma_semaphore, #tpu.memory_space<semaphore_mem>>
      %dma_start3A_457 = arith.constant 64 : i32
      %dma_start3A_458 = tpu.memref_slice %arg5[%arg0, %mul3A_455, %dma_start3A_457] : memref<2x10240x128xf32, #tpu.memory_space<hbm>> -> memref<1x640x64xf32, #tpu.memory_space<hbm>>
      %dma_start3A_459 = tpu.memref_squeeze %dma_start3A_458 : memref<1x640x64xf32, #tpu.memory_space<hbm>> -> memref<640x64xf32, #tpu.memory_space<hbm>>
      %dma_start3A_460 = arith.constant 0 : i32
      %dma_start3A_461 = tpu.memref_slice %arg10[%mul3A_453, %dma_start3A_460] : memref<10240x64xf32, #tpu.memory_space<vmem_shared>> -> memref<640x64xf32, #tpu.memory_space<vmem_shared>>
      tpu.enqueue_dma source(%dma_start3A_461 : memref<640x64xf32, #tpu.memory_space<vmem_shared>>) target(%dma_start3A_459 : memref<640x64xf32, #tpu.memory_space<hbm>>) target_semaphore(%run_scoped3A_456 : memref<!tpu.dma_semaphore, #tpu.memory_space<semaphore_mem>>)
      %dma_wait3A_462 = arith.constant 64 : i32
      %dma_wait3A_463 = tpu.memref_slice %arg5[%arg0, %mul3A_455, %dma_wait3A_462] : memref<2x10240x128xf32, #tpu.memory_space<hbm>> -> memref<1x640x64xf32, #tpu.memory_space<hbm>>
      %dma_wait3A_464 = tpu.memref_squeeze %dma_wait3A_463 : memref<1x640x64xf32, #tpu.memory_space<hbm>> -> memref<640x64xf32, #tpu.memory_space<hbm>>
      %dma_wait3A_465 = arith.constant 0 : i32
      %dma_wait3A_466 = tpu.memref_slice %arg10[%mul3A_453, %dma_wait3A_465] : memref<10240x64xf32, #tpu.memory_space<vmem_shared>> -> memref<640x64xf32, #tpu.memory_space<vmem_shared>>
      tpu.wait_dma2 semaphore(%run_scoped3A_456 : memref<!tpu.dma_semaphore, #tpu.memory_space<semaphore_mem>>) src(%dma_wait3A_466 : memref<640x64xf32, #tpu.memory_space<vmem_shared>>) dst(%dma_wait3A_464 : memref<640x64xf32, #tpu.memory_space<hbm>>)
      tpu.yield
    }) : () -> ()
    return
  }
}

module attributes {stable_mosaic.version = 14 : i64} {
  func.func @_prep_body(%arg0: i32, %arg1: memref<1024x128xf32, #tpu.memory_space<vmem>>, %arg2: memref<128x128xf32, #tpu.memory_space<vmem>>, %arg3: memref<1024x1xf32, #tpu.memory_space<vmem>>, %arg4: memref<1024x128xf32, #tpu.memory_space<vmem>>) attributes {dimension_semantics = [#tpu.dimension_semantics<arbitrary>], iteration_bounds = array<i64: 10>, scalar_prefetch = 0 : i64, scratch_operands = 0 : i64, tpu.core_type = #tpu.core_type<tc>, window_params = [{transform_indices = @transform_0, window_bounds = array<i64: 1024, 128>}, {pipeline_mode = #tpu.pipeline_mode<synchronous>, transform_indices = @transform_1, window_bounds = array<i64: 128, 128>}, {transform_indices = @transform_2, window_bounds = array<i64: 1024, 1>}, {transform_indices = @transform_3, window_bounds = array<i64: 1024, 128>}]} {
    %get3A = arith.constant 0 : index
    %get3A_0 = arith.constant 0 : index
    %get3A_1 = vector.load %arg3[%get3A, %get3A_0] : memref<1024x1xf32, #tpu.memory_space<vmem>>, vector<1024x1xf32>
    %add3A = arith.constant 1.000000e+00 : f32
    %add3A_2 = vector.broadcast %add3A : f32 to vector<1024x1xf32>
    %add3A_3 = arith.addf %get3A_1, %add3A_2 : vector<1024x1xf32>
    %rsqrt3A = math.rsqrt %add3A_3 : vector<1024x1xf32>
    %get3A_4 = arith.constant 0 : index
    %get3A_5 = arith.constant 0 : index
    %get3A_6 = vector.load %arg1[%get3A_4, %get3A_5] : memref<1024x128xf32, #tpu.memory_space<vmem>>, vector<1024x128xf32>
    %get3A_7 = arith.constant 0 : index
    %get3A_8 = arith.constant 0 : index
    %get3A_9 = vector.load %arg2[%get3A_7, %get3A_8] : memref<128x128xf32, #tpu.memory_space<vmem>>, vector<128x128xf32>
    %dot_general3A = arith.constant dense<0.000000e+00> : vector<1024x128xf32>
    %dot_general3A_10 = tpu.matmul %get3A_6, %get3A_9, %dot_general3A {dimension_numbers = #tpu.dot_dimension_numbers<[1], [0], [0], [1], [0, 0, 1, 1], [], []>, transpose_lhs_hint = false} : vector<1024x128xf32>, vector<128x128xf32>, vector<1024x128xf32> -> vector<1024x128xf32>
    %mul3A = vector.broadcast %rsqrt3A : vector<1024x1xf32> to vector<1024x128xf32>
    %mul3A_11 = arith.mulf %dot_general3A_10, %mul3A : vector<1024x128xf32>
    %swap3A = arith.constant 0 : index
    %swap3A_12 = arith.constant 0 : index
    %swap3A_13 = vector.load %arg4[%swap3A, %swap3A_12] : memref<1024x128xf32, #tpu.memory_space<vmem>>, vector<1024x128xf32>
    tpu.vector_store %arg4[%swap3A, %swap3A_12], %mul3A_11 {strides = array<i32>} : memref<1024x128xf32, #tpu.memory_space<vmem>>, vector<1024x128xf32>,
    return
  }
  func.func @transform_0(%arg0: i32) -> (i32, i32) {
    %c0_i32 = arith.constant 0 : i32
    %c0_i32_0 = arith.constant 0 : i32
    return %arg0, %c0_i32 : i32, i32
  }
  func.func @transform_1(%arg0: i32) -> (i32, i32) {
    %c0_i32 = arith.constant 0 : i32
    %c0_i32_0 = arith.constant 0 : i32
    %c0_i32_1 = arith.constant 0 : i32
    return %c0_i32, %c0_i32_0 : i32, i32
  }
  func.func @transform_2(%arg0: i32) -> (i32, i32) {
    %c0_i32 = arith.constant 0 : i32
    %c0_i32_0 = arith.constant 0 : i32
    return %arg0, %c0_i32 : i32, i32
  }
  func.func @transform_3(%arg0: i32) -> (i32, i32) {
    %c0_i32 = arith.constant 0 : i32
    %c0_i32_0 = arith.constant 0 : i32
    return %arg0, %c0_i32 : i32, i32
  }
}

module attributes {stable_mosaic.version = 14 : i64} {
  func.func @_mid_body(%arg0: i32, %arg1: memref<2x1024x128xf32, #tpu.memory_space<vmem>>, %arg2: memref<1024x128xf32, #tpu.memory_space<vmem>>, %arg3: memref<1024x1xf32, #tpu.memory_space<vmem>>, %arg4: memref<1x128xf32, #tpu.memory_space<vmem>>, %arg5: memref<128x128xf32, #tpu.memory_space<vmem>>, %arg6: memref<1024x128xf32, #tpu.memory_space<vmem>>, %arg7: memref<1024x128xf32, #tpu.memory_space<vmem>>) attributes {dimension_semantics = [#tpu.dimension_semantics<arbitrary>], iteration_bounds = array<i64: 10>, scalar_prefetch = 0 : i64, scratch_operands = 0 : i64, tpu.core_type = #tpu.core_type<tc>, window_params = [{transform_indices = @transform_0, window_bounds = array<i64: 2, 1024, 128>}, {transform_indices = @transform_1, window_bounds = array<i64: 1024, 128>}, {transform_indices = @transform_2, window_bounds = array<i64: 1024, 1>}, {pipeline_mode = #tpu.pipeline_mode<synchronous>, transform_indices = @transform_3, window_bounds = array<i64: 1, 128>}, {pipeline_mode = #tpu.pipeline_mode<synchronous>, transform_indices = @transform_4, window_bounds = array<i64: 128, 128>}, {transform_indices = @transform_5, window_bounds = array<i64: 1024, 128>}, {transform_indices = @transform_6, window_bounds = array<i64: 1024, 128>}]} {
    %get3A = arith.constant 0 : index
    %get3A_0 = arith.constant 0 : index
    %get3A_1 = vector.load %arg3[%get3A, %get3A_0] : memref<1024x1xf32, #tpu.memory_space<vmem>>, vector<1024x1xf32>
    %add3A = arith.constant 1.000000e+00 : f32
    %add3A_2 = vector.broadcast %add3A : f32 to vector<1024x1xf32>
    %add3A_3 = arith.addf %get3A_1, %add3A_2 : vector<1024x1xf32>
    %rsqrt3A = math.rsqrt %add3A_3 : vector<1024x1xf32>
    %get3A_4 = arith.constant 0 : index
    %get3A_5 = arith.constant 0 : index
    %get3A_6 = arith.constant 0 : index
    %get3A_7 = vector.load %arg1[%get3A_4, %get3A_5, %get3A_6] : memref<2x1024x128xf32, #tpu.memory_space<vmem>>, vector<1x1024x128xf32>
    %get3A_8 = vector.shape_cast %get3A_7 : vector<1x1024x128xf32> to vector<1024x128xf32>
    %get3A_9 = arith.constant 1 : index
    %get3A_10 = arith.constant 0 : index
    %get3A_11 = arith.constant 0 : index
    %get3A_12 = vector.load %arg1[%get3A_9, %get3A_10, %get3A_11] : memref<2x1024x128xf32, #tpu.memory_space<vmem>>, vector<1x1024x128xf32>
    %get3A_13 = vector.shape_cast %get3A_12 : vector<1x1024x128xf32> to vector<1024x128xf32>
    %add3A_14 = arith.addf %get3A_8, %get3A_13 : vector<1024x128xf32>
    %get3A_15 = arith.constant 0 : index
    %get3A_16 = arith.constant 0 : index
    %get3A_17 = vector.load %arg2[%get3A_15, %get3A_16] : memref<1024x128xf32, #tpu.memory_space<vmem>>, vector<1024x128xf32>
    %add3A_18 = arith.addf %add3A_14, %get3A_17 : vector<1024x128xf32>
    %mul3A = vector.broadcast %rsqrt3A : vector<1024x1xf32> to vector<1024x128xf32>
    %mul3A_19 = arith.mulf %add3A_18, %mul3A : vector<1024x128xf32>
    %get3A_20 = arith.constant 0 : index
    %get3A_21 = arith.constant 0 : index
    %get3A_22 = vector.load %arg4[%get3A_20, %get3A_21] : memref<1x128xf32, #tpu.memory_space<vmem>>, vector<1x128xf32>
    %add3A_23 = vector.broadcast %get3A_22 : vector<1x128xf32> to vector<1024x128xf32>
    %add3A_24 = arith.addf %mul3A_19, %add3A_23 : vector<1024x128xf32>
    %swap3A = arith.constant 0 : index
    %swap3A_25 = arith.constant 0 : index
    %swap3A_26 = vector.load %arg6[%swap3A, %swap3A_25] : memref<1024x128xf32, #tpu.memory_space<vmem>>, vector<1024x128xf32>
    tpu.vector_store %arg6[%swap3A, %swap3A_25], %add3A_24 {strides = array<i32>} : memref<1024x128xf32, #tpu.memory_space<vmem>>, vector<1024x128xf32>,
    %max3A = arith.constant 0.000000e+00 : f32
    %max3A_27 = vector.broadcast %max3A : f32 to vector<1024x128xf32>
    %max3A_28 = arith.maximumf %add3A_24, %max3A_27 : vector<1024x128xf32>
    %get3A_29 = arith.constant 0 : index
    %get3A_30 = arith.constant 0 : index
    %get3A_31 = vector.load %arg5[%get3A_29, %get3A_30] : memref<128x128xf32, #tpu.memory_space<vmem>>, vector<128x128xf32>
    %dot_general3A = arith.constant dense<0.000000e+00> : vector<1024x128xf32>
    %dot_general3A_32 = tpu.matmul %max3A_28, %get3A_31, %dot_general3A {dimension_numbers = #tpu.dot_dimension_numbers<[1], [0], [0], [1], [0, 0, 1, 1], [], []>, transpose_lhs_hint = false} : vector<1024x128xf32>, vector<128x128xf32>, vector<1024x128xf32> -> vector<1024x128xf32>
    %mul3A_33 = vector.broadcast %rsqrt3A : vector<1024x1xf32> to vector<1024x128xf32>
    %mul3A_34 = arith.mulf %dot_general3A_32, %mul3A_33 : vector<1024x128xf32>
    %swap3A_35 = arith.constant 0 : index
    %swap3A_36 = arith.constant 0 : index
    %swap3A_37 = vector.load %arg7[%swap3A_35, %swap3A_36] : memref<1024x128xf32, #tpu.memory_space<vmem>>, vector<1024x128xf32>
    tpu.vector_store %arg7[%swap3A_35, %swap3A_36], %mul3A_34 {strides = array<i32>} : memref<1024x128xf32, #tpu.memory_space<vmem>>, vector<1024x128xf32>,
    return
  }
  func.func @transform_0(%arg0: i32) -> (i32, i32, i32) {
    %c0_i32 = arith.constant 0 : i32
    %c0_i32_0 = arith.constant 0 : i32
    %c0_i32_1 = arith.constant 0 : i32
    return %c0_i32, %arg0, %c0_i32_0 : i32, i32, i32
  }
  func.func @transform_1(%arg0: i32) -> (i32, i32) {
    %c0_i32 = arith.constant 0 : i32
    %c0_i32_0 = arith.constant 0 : i32
    return %arg0, %c0_i32 : i32, i32
  }
  func.func @transform_2(%arg0: i32) -> (i32, i32) {
    %c0_i32 = arith.constant 0 : i32
    %c0_i32_0 = arith.constant 0 : i32
    return %arg0, %c0_i32 : i32, i32
  }
  func.func @transform_3(%arg0: i32) -> (i32, i32) {
    %c0_i32 = arith.constant 0 : i32
    %c0_i32_0 = arith.constant 0 : i32
    %c0_i32_1 = arith.constant 0 : i32
    return %c0_i32, %c0_i32_0 : i32, i32
  }
  func.func @transform_4(%arg0: i32) -> (i32, i32) {
    %c0_i32 = arith.constant 0 : i32
    %c0_i32_0 = arith.constant 0 : i32
    %c0_i32_1 = arith.constant 0 : i32
    return %c0_i32, %c0_i32_0 : i32, i32
  }
  func.func @transform_5(%arg0: i32) -> (i32, i32) {
    %c0_i32 = arith.constant 0 : i32
    %c0_i32_0 = arith.constant 0 : i32
    return %arg0, %c0_i32 : i32, i32
  }
  func.func @transform_6(%arg0: i32) -> (i32, i32) {
    %c0_i32 = arith.constant 0 : i32
    %c0_i32_0 = arith.constant 0 : i32
    return %arg0, %c0_i32 : i32, i32
  }
}

</mosaic_0001>

<sc_bundles>
// kernel: _run.5.cloned.1.call-start
scs
__scs_entry_jumppad:
0x0: {  	(pc) =	sbr.rel $0x88, $3  }
0x1: {  	(tag) =	ssettag $0x0;
	lr =	simm.s32 $0x1  }
0x2: {  	[smem:$0x3F9A] =	sst lr;
	_ =	strace $0xD0000000  }
0x3: {  	_ = 	snop  }
0x4: {  	_ = 	snop  }
0x5: {  	_ = 	snop  }
0x6: {  	_ = 	snop  }
0x7: {  	_ = 	snop  }
__scs_overlays_trampoline_lowered:
0x8: {  	[smem:$0x3FA9] =	sst s0  }
0x9: {  	[smem:$0x3FAA] =	sst s1  }
0xa: {  	[smem:$0x3FAB] =	sst s2  }
0xb: {  	[smem:$0x3FAC] =	sst s3  }
0xc: {  	[smem:$0x3FAD] =	sst s4  }
0xd: {  	[smem:$0x3FAE] =	sst s5  }
0xe: {  	[smem:$0x3FAF] =	sst s6  }
0xf: {  	[smem:$0x3FB0] =	sst s7  }
0x10: {  	[smem:$0x3FB1] =	sst s8  }
0x11: {  	[smem:$0x3FB2] =	sst s9;
	s0 =	simm.s32 @!p0 $0x0  }
0x12: {  	s1 =	sld [smem:$0x3F98];
	s0 =	simm.s32 @p0 $0x1  }
0x13: {  	[smem:$0x3FB3] =	sst s0;
	s0 =	simm.s32 @!p1 $0x0  }
0x14: {  	s2 =	sld [smem:$0x3F97];
	s0 =	simm.s32 @p1 $0x1  }
0x15: {  	[smem:$0x3FB4] =	sst s0;
	s0 =	simm.s32 @!p2 $0x0  }
0x16: {  	s3 =	sld [smem:$0x3FDB];
	s0 =	simm.s32 @p2 $0x1  }
0x17: {  	s4 =	simm.s32 $0x1BF5;
	[smem:$0x3FB6] =	sst s0  }
0x18: {  	s0 =	sld [smem:$0x3F99];
	_ =	swait.ge [sflag:s4], $0x0  }
0x19: {  	s7 =	sld [smem:$0x3F9A]  }
0x1a: {  	s8 =	sadd.s32 $0xFFFFE003, lr  }
0x1b: {  	s9 =	sadd.s32 $0xFFFFFEF7, lr;
	s5 =	simm.s32 $0xFFFFFFFF;
	p2 =	slt.u32 s8, $0xFFFFF086  }
0x1c: {  	p1 =	slt.u32 s9, $0xF7A;
	s5 =	simm.s32 @!p2 $0x0  }
0x1d: {  	s5 =	simm.s32 @p1 $0x1;
	p0 =	seq.s32 s7, s2  }
0x1e: {  	s7 =	smul.u32 @!p0 $0xF7A, s2;
	p2 =	seq.s32 @!p0 s5, $0x0  }
0x1f: {  	s9 =	smul.u32 $0xF7A, s1;
	s8 =	simm.s32 @!p0 $0x1BF5;
	p2 =	por !p2, p0  }
0x20: {  	[sflag:s8] =	ssyncset.s32 @!p0 $0xFFFFF086;
	s6 =	sadd.s32 @!p0 s3, s7;
	s7 =	simm.s32 @!p0 $0x108  }
0x21: {  	s3 =	sadd.s32 s3, s9;
	s6 =	sadd.s32 @!p0 $0x88, s6;
	s7 =	simm.s32 @p2 $0x1082  }
0x22: {  	[simem:s7], [sflag:s8] =	dma.local @!p0 [hbm:s6], $0xF7A  }
0x23: {  	s9 =	sor.u32 $0xD0000000, s2;
	s6 =	simm.s32 $0x108;
	_ =	swait.ge @!p0 [sflag:s8], $0x0  }
0x24: {  	s3 =	sadd.s32 $0x88, s3;
	s6 =	simm.s32 @!p1 $0x1082;
	[sflag:s4] =	ssyncset.s32 $0xFFFFF086  }
0x25: {  	[simem:s6], [sflag:s4] =	dma.local [hbm:s3], $0xF7A  }
0x26: {  	[smem:$0x3F9A] =	sst s1;
	(tag) =	ssettag s2;
	_ =	strace s9  }
0x27: {  	s1 =	sld [smem:$0x3FAA]  }
0x28: {  	s2 =	sld [smem:$0x3FAB]  }
0x29: {  	s4 =	sld [smem:$0x3FAD]  }
0x2a: {  	p0 =	seq.s32 s5, $0x0;
	s5 =	sld [smem:$0x3FAE]  }
0x2b: {  	s6 =	sld [smem:$0x3FAF]  }
0x2c: {  	s7 =	sld [smem:$0x3FB0]  }
0x2d: {  	s3 =	simm.s32 $0x108;
	s8 =	sld [smem:$0x3FB1]  }
0x2e: {  	s3 =	simm.s32 @!p0 $0x1082;
	s9 =	sld [smem:$0x3FB2]  }
0x2f: {  	lr =	sadd.s32 s0, s3;
	s0 =	sld [smem:$0x3FA9]  }
0x30: {  	s3 =	sld [smem:$0x3FAC]  }
0x31: {  	[smem:$0x3FB5] =	sst s10  }
0x32: {  	s10 =	sld [smem:$0x3FB3];
	_ =	sdelay $0x3  }
0x33: {  	p0 =	seq.s32 s10, $0x1;
	s10 =	sld [smem:$0x3FB5];
	_ =	sdelay $0x3  }
0x34: {  	[smem:$0x3FB5] =	sst s10  }
0x35: {  	s10 =	sld [smem:$0x3FB4];
	_ =	sdelay $0x3  }
0x36: {  	p1 =	seq.s32 s10, $0x1;
	s10 =	sld [smem:$0x3FB5];
	_ =	sdelay $0x3  }
0x37: {  	[smem:$0x3FB5] =	sst s10  }
0x38: {  	s10 =	sld [smem:$0x3FB6]  }
0x39: {  	_ = 	snop;
	(pc) =	sbr.ind lr, $3  }
0x3a: {  	_ = 	snop  }
0x3b: {  	_ = 	snop  }
0x3c: {  	p2 =	seq.s32 s10, $0x1;
	s10 =	sld [smem:$0x3FB5]  }
0x3d: {  	_ =	shalt  }
0x3e: {  	_ =	shalt  }
0x3f: {  	_ =	shalt  }
0x40: {  	_ =	shalt  }
0x41: {  	_ =	shalt  }
0x42: {  	_ =	shalt  }
0x43: {  	_ =	shalt  }
0x44: {  	_ =	shalt  }
0x45: {  	_ =	shalt  }
0x46: {  	_ =	shalt  }
0x47: {  	_ =	shalt  }
0x48: {  	_ =	shalt  }
0x49: {  	_ =	shalt  }
0x4a: {  	_ =	shalt  }
0x4b: {  	_ =	shalt  }
0x4c: {  	_ =	shalt  }
0x4d: {  	_ =	shalt  }
0x4e: {  	_ =	shalt  }
0x4f: {  	_ =	shalt  }
0x50: {  	_ =	shalt  }
0x51: {  	_ =	shalt  }
0x52: {  	_ =	shalt  }
0x53: {  	_ =	shalt  }
0x54: {  	_ =	shalt  }
0x55: {  	_ =	shalt  }
0x56: {  	_ =	shalt  }
0x57: {  	_ =	shalt  }
0x58: {  	_ =	shalt  }
0x59: {  	_ =	shalt  }
0x5a: {  	_ =	shalt  }
0x5b: {  	_ =	shalt  }
0x5c: {  	_ =	shalt  }
0x5d: {  	_ =	shalt  }
0x5e: {  	_ =	shalt  }
0x5f: {  	_ =	shalt  }
0x60: {  	_ =	shalt  }
0x61: {  	_ =	shalt  }
0x62: {  	_ =	shalt  }
0x63: {  	_ =	shalt  }
0x64: {  	_ =	shalt  }
0x65: {  	_ =	shalt  }
0x66: {  	_ =	shalt  }
0x67: {  	_ =	shalt  }
0x68: {  	_ =	shalt  }
0x69: {  	_ =	shalt  }
0x6a: {  	_ =	shalt  }
0x6b: {  	_ =	shalt  }
0x6c: {  	_ =	shalt  }
0x6d: {  	_ =	shalt  }
0x6e: {  	_ =	shalt  }
0x6f: {  	_ =	shalt  }
0x70: {  	_ =	shalt  }
0x71: {  	_ =	shalt  }
0x72: {  	_ =	shalt  }
0x73: {  	_ =	shalt  }
0x74: {  	_ =	shalt  }
0x75: {  	_ =	shalt  }
0x76: {  	_ =	shalt  }
0x77: {  	_ =	shalt  }
0x78: {  	_ =	shalt  }
0x79: {  	_ =	shalt  }
0x7a: {  	_ =	shalt  }
0x7b: {  	_ =	shalt  }
0x7c: {  	_ =	shalt  }
0x7d: {  	_ =	shalt  }
0x7e: {  	_ =	shalt  }
0x7f: {  	_ =	shalt  }
0x80: {  	_ =	shalt  }
0x81: {  	_ =	shalt  }
0x82: {  	_ =	shalt  }
0x83: {  	_ =	shalt  }
0x84: {  	_ =	shalt  }
0x85: {  	_ =	shalt  }
0x86: {  	_ =	shalt  }
0x87: {  	_ =	shalt  }
.Lfunc_end0:
.L_simem_size_0:
called_computation.1_lowered:
.L_overlay_start_0:
0x88: {  	s2 =	sld [smem:$0x3FD9]  }
0x89: {  	s3 =	sld [smem:$0x3FFE];
	_ =	sdelay $0x1  }
0x8a: {  	s1 =	srdreg.scid  }
0x8b: {  	s0 =	sand.u32 $0x1, s1  }
0x8c: {  	s16 =	sshll.u32 s0, $0xA;
	s2 =	sadd.s32 s3, s2  }
0x8d: {  	s2 =	sadd.s32 s2, s16  }
0x8e: {  	[smem:$0x3FC1] =	sst s2  }
0x8f: {  	_ = 	snop  }
0x90: {  	(tm) =	ssettm $0x1  }
0x91: {  	s17 =	sld [smem:$0x3FFB];
	_ =	sdelay $0x3  }
0x92: {  	_ =	strace s17  }
0x93: {  	s2 =	sld [smem:$0x3FFC];
	_ =	sdelay $0x3  }
0x94: {  	_ =	strace s2  }
0x95: {  	s2 =	sld [smem:$0x3FFD];
	_ =	sdelay $0x3  }
0x96: {  	_ =	strace s2  }
0x97: {  	_ =	strace $0x8FFFFFFF  }
0x98: {  	s18 =	sld [smem:$0x3FDB];
	_ =	sdelay $0x1  }
0x99: {  	s19 =	simm.s32 $_scs_section_size  }
0x9a: {  	s4 =	simm.s32 $_size__tile_overlayer_lowered;
	s5 =	simm.s32 $_tile_overlayer_lowered  }
0x9b: {  	s22 =	simm.s32 $0x1BFF;
	s21 =	sshll.u32 s5, $0x1;
	s2 =	sadd.s32 s19, s18  }
0x9c: {  	s6 =	simm.s32 $0x0;
	s20 =	sshll.u32 s4, $0x1;
	s4 =	sadd.s32 s21, s2  }
0x9d: {  	[timem:s6], [sflag:s22] =	dma.local [hbm:s4], s20  }
0x9e: {  	_ =	swait.ge [sflag:s22], s20  }
0x9f: {  	s3 =	ssub.s32 $0x0, s20;
	[sflag:s22] =	ssyncset.done $0x0  }
0xa0: {  	[sflag:s22] =	ssyncadd.s32 s3;
	_ =	sdelay $0x1  }
0xa1: {  	s23 =	simm.s32 $0x1B8B  }
0xa2: {  	_ =	swait.ge [sflag:s23], $0x1  }
0xa3: {  	[sflag:s23] =	ssyncset.done $0x0  }
0xa4: {  	s25 =	simm.s32 $0x1B8E;
	s24 =	sld [smem:$0x3FFE];
	[sflag:s23] =	ssyncadd.s32 $0xFFFFFFFF  }
0xa5: {  	s26 =	simm.s32 $execute0_lowered;
	[smem:$0x3FD2] =	sst s25  }
0xa6: {  	s4 =	sshll.u32 s26, $0x1;
	_ =	strace $0x80000046;
	[dreg:$0x1] =	wrdreg $0xFFFFFFFF  }
0xa7: {  	s28 =	simm.s32 $_size_execute0_lowered;
	s2 =	sadd.s32 s2, s4;
	[dreg:$0x0] =	wrdreg $0x0  }
0xa8: {  	s4 =	sshll.u32 s28, $0x1;
	[dreg:$0x2] =	wrdreg s2  }
0xa9: {  	[dreg:$0x3] =	wrdreg s4  }
0xaa: {  	[dreg:$0x4] =	wrdreg $0xC0  }
0xab: {  	_ =	task [dreg:s6], $0x5FFFF  }
0xac: {  	[dreg:$0x1] =	wrdreg $0xFFFFFFFF  }
0xad: {  	[dreg:$0x0] =	wrdreg $0x60  }
0xae: {  	[dreg:$0x2] =	wrdreg s24  }
0xaf: {  	[dreg:$0x3] =	wrdreg $0x9  }
0xb0: {  	_ =	task.clear_ibuf [dreg:s6], $0x4FFFF;
	_ =	strace $0x90000046  }
0xb1: {  	s29 =	simm.s32 $0x9;
	_ =	strace $0x80000048  }
0xb2: {  	_ =	swait.ge [sflag:s29], $0x1  }
0xb3: {  	[sflag:s29] =	ssyncadd.s32 $0xFFFFFFFF  }
0xb4: {  	_ =	strace $0x90000048  }
0xb5: {  	_ =	sfence  }
0xb6: {  	s30 =	sld [smem:$0x0];
	_ =	sdelay $0x2  }
0xb7: {  	s31 =	sshll.u32 s1, $0xD;
	s1 =	sshrl.u32 s1, $0x2  }
0xb8: {  	s3 =	sand.u32 $0x4000, s31;
	s1 =	sadd.s32 s1, s30  }
0xb9: {  	s0 =	sor.u32 s3, s0;
	s1 =	sshll.u32 s1, $0x11  }
0xba: {  	s0 =	sor.u32 s1, s0  }
0xbb: {  	s0 =	sadd.s32 $0x8F2B, s0  }
0xbc: {  	[sflag:s0] =	ssyncadd.remote.s32 $0x1  }
0xbd: {  	_ =	sfence.sel $0xFFFF  }
0xbe: {  	[dreg:$0x0] =	wrdreg $0xFFFFFFFF;
	(pc) =	sbr.abs _section_cstart, $3  }
0xbf: {  	[dreg:$0x1] =	wrdreg $0xFFFFFFFF  }
0xc0: {  	_ =	task.clear_ibuf [dreg:s6], $0x2FFFF;
	_ =	strace $0x9FFFFFFF  }
0xc1: {  	(tm) =	ssettm $0x7FFFFFFF  }
tec
execute0_lowered:
.L_overlay_start_1:
0x0: {  	(tag) =	ssettag $0x1  }
0x1: {  	s1 =	srdreg.scid;
	s0 =	stileid.u32  }
0x2: {  	s3 =	rddreg [dreg:$0x0];
	s8 =	simm.s32 $0x80;
	s9 =	simm.s32 $0x400  }
0x3: {  	s4 =	sand.u32 $0x1, s1;
	s2 =	sshll.u32 s0, $0x1;
	s1 =	rddreg [dreg:$0x1]  }
0x4: {  	s6 =	sshrl.u32 s0, $0x2;
	s5 =	sor.u32 s4, s2;
	s2 =	simm.s32 $0x0  }
0x5: {  	s6 =	smul.u32 $0x14000, s6;
	s4 =	ssub.s32 $0x2, s4;
	s7 =	sshll.u32 s5, $0x7  }
0x6: {  	[smem:$0x7FF] =	sst s2;
	s5 =	smul.u32 $0x500, s5;
	s7 =	sand.u32 $0x380, s7  }
0x7: {  	s31 =	sshrl.u32 s4, $0x1;
	_ =	strace $0x80000047;
	s6 =	sor.u32 s6, s7  }
0x8: {  	s5 =	sadd.s32 s5, s3;
	s7 =	ssub.s32 s4, s31;
	s6 =	sshrl.u32 s6, $0x3  }
0x9: {  	s6 =	sadd.s32 s6, s3;
	s3 =	sadd.s32 $0x2200, s5;
	s5 =	smax.u32 s7, $0x1  }
0xa: {  	v0 =	vimm.f32 $0.0e+00;
	v1 =	vimm.f32 $1.000000000e+00;
	s7 =	simm.s32 $0x2800;
	s4 =	sadd.s32 $0xC200, s6;
	s6 =	simm.s32 $0x1  }
.LBB2_1:
0xb: {  	s10 =	simm.s32 $0x40;
	s11 =	simm.s32 $0x0  }
.LBB2_2:
0xc: {  	p0 =	sne.s32 s10, $0x9FC0;
	[tilespmem:s11+$0x2800] =	vst v0;
	s11 =	smov.u32 s10;
	s10 =	sadd.s32 $0x40, s10  }
.Ltmp0:
0xd: {  	(pc) =	sbr.rel @p0 .LBB2_2-.Ltmp0, $2  }
0xe: {  	_ =	sdelay $0x2  }
0xf: {  	s11 =	sshra.s32 s11, $0x2  }
0x10: {  	[tilespmem:s11+$0x2800] =	vst v0;
	s10 =	simm.s32 $0x0  }
0x11: {  	[tilespmem:s10], [sflag:$0x1] =	stream.linear.gather [hbm4b:s3+s10], $0x2800, $0x38;
	[tilespmem:$0x5000] =	vst v63  }
0x12: {  	_ =	swait.ge [sflag:s6], $0x2800  }
0x13: {  	[sflag:s6] =	ssyncset.done $0x0  }
0x14: {  	[sflag:s6] =	ssyncadd.s32 $0xFFFFD800  }
.LBB2_4:
0x15: {  	s11 =	sshra.s32 s10, $0x2  }
0x16: {  	v2 =	vld [tilespmem:s11+$0x0];
	_ =	sdelay $0x7  }
0x17: {  	[tilespmem:v2+s7+$0x0] =	vst.idx.add.f32.msk $0xffff, v1  }
0x18: {  	v2 =	vld [tilespmem:s11+$0x10];
	_ =	sdelay $0x7  }
0x19: {  	[tilespmem:v2+s7+$0x0] =	vst.idx.add.f32.msk $0xffff, v1  }
0x1a: {  	v2 =	vld [tilespmem:s11+$0x20];
	_ =	sdelay $0x7  }
0x1b: {  	[tilespmem:v2+s7+$0x0] =	vst.idx.add.f32.msk $0xffff, v1  }
0x1c: {  	v2 =	vld [tilespmem:s11+$0x30];
	_ =	sdelay $0x7  }
0x1d: {  	[tilespmem:v2+s7+$0x0] =	vst.idx.add.f32.msk $0xffff, v1  }
0x1e: {  	v2 =	vld [tilespmem:s11+$0x40];
	_ =	sdelay $0x7  }
0x1f: {  	[tilespmem:v2+s7+$0x0] =	vst.idx.add.f32.msk $0xffff, v1  }
0x20: {  	v2 =	vld [tilespmem:s11+$0x50];
	_ =	sdelay $0x7  }
0x21: {  	[tilespmem:v2+s7+$0x0] =	vst.idx.add.f32.msk $0xffff, v1  }
0x22: {  	v2 =	vld [tilespmem:s11+$0x60];
	_ =	sdelay $0x7  }
0x23: {  	[tilespmem:v2+s7+$0x0] =	vst.idx.add.f32.msk $0xffff, v1  }
0x24: {  	v2 =	vld [tilespmem:s11+$0x70];
	_ =	sdelay $0x2  }
0x25: {  	p0 =	sne.s32 s10, $0x9E00  }
.Ltmp1:
0x26: {  	_ = 	snop;
	(pc) =	sbr.rel @p0 .LBB2_4-.Ltmp1, $2  }
0x27: {  	_ =	sdelay $0x2  }
0x28: {  	s10 =	sadd.s32 $0x200, s10;
	[tilespmem:v2+s7+$0x0] =	vst.idx.add.f32.msk $0xffff, v1  }
0x29: {  	s2 =	sadd.s32 $0x1, s2  }
0x2a: {  	p0 =	sne.s32 s2, s5  }
.Ltmp2:
0x2b: {  	_ = 	snop;
	(pc) =	sbr.rel @p0 .LBB2_1-.Ltmp2, $4  }
0x2c: {  	[hbm4b:s4+s8] =	stream.strided.scatter [tilespmem:s7], [sflag:$0x1], $0x2800, s9, s8, $0x38;
	[tilespmem:$0x5000] =	vst v63  }
0x2d: {  	_ =	swait.ge [sflag:s6], $0x2800  }
0x2e: {  	[sflag:s6] =	ssyncset.done $0x0  }
0x2f: {  	[sflag:s6] =	ssyncadd.s32 $0xFFFFD800  }
0x30: {  	_ =	sfence.sel $0x180000  }
0x31: {  	[bflag:$0x0] =	sbarrier.arrive $0xFFFF  }
0x32: {  	p0 =	sne.s32 s0, $0x0;
	_ =	strace $0x90000047  }
0x33: {  	s0 =	sadd.s32 @!p0 $0x100000, s1;
	[bflag:$0x2] =	sbarrier.arrive $0xFFFF  }
0x34: {  	[sflag:s0] =	ssyncadd.tile.s32 @!p0 $0x1;
	_ =	shalt  }
.Lfunc_end2:
_tile_overlayer_lowered:
.L_overlay_start_2:
0x35: {  	(tag) =	ssettag $0x2  }
0x36: {  	s0 =	rddreg [dreg:$0x0];
	s2 =	stileid.u32  }
0x37: {  	s1 =	rddreg [dreg:$0x1];
	p0 =	sne.s32 s2, $0x0  }
0x38: {  	s3 =	rddreg [dreg:$0x2];
	[bflag:$0x3] =	sbarrier.arrive $0xFFFF;
	s2 =	simm.s32 @!p0 $0x1C01  }
0x39: {  	[timem:s3], [sflag:s2] =	dma.local @!p0 [hbm:s0], s1  }
0x3a: {  	s0 =	simm.s32 @!p0 $0x1  }
0x3b: {  	_ =	swait.ge @!p0 [sflag:s0], s1  }
0x3c: {  	s1 =	ssub.s32 @!p0 $0x0, s1;
	[sflag:s0] =	ssyncset.done @!p0 $0x0  }
0x3d: {  	[sflag:s0] =	ssyncadd.s32 @!p0 s1  }
0x3e: {  	[bflag:$0x3] =	sbarrier.arrive $0xFFFF  }
0x3f: {  	_ =	shalt  }

// kernel: _run.8.cloned.1.call-start
scs
__scs_entry_jumppad:
0x0: {  	(pc) =	sbr.rel $0x88, $3  }
0x1: {  	(tag) =	ssettag $0x0;
	lr =	simm.s32 $0x1  }
0x2: {  	[smem:$0x3F9A] =	sst lr;
	_ =	strace $0xD0000000  }
0x3: {  	_ = 	snop  }
0x4: {  	_ = 	snop  }
0x5: {  	_ = 	snop  }
0x6: {  	_ = 	snop  }
0x7: {  	_ = 	snop  }
__scs_overlays_trampoline_lowered:
0x8: {  	[smem:$0x3FA9] =	sst s0  }
0x9: {  	[smem:$0x3FAA] =	sst s1  }
0xa: {  	[smem:$0x3FAB] =	sst s2  }
0xb: {  	[smem:$0x3FAC] =	sst s3  }
0xc: {  	[smem:$0x3FAD] =	sst s4  }
0xd: {  	[smem:$0x3FAE] =	sst s5  }
0xe: {  	[smem:$0x3FAF] =	sst s6  }
0xf: {  	[smem:$0x3FB0] =	sst s7  }
0x10: {  	[smem:$0x3FB1] =	sst s8  }
0x11: {  	[smem:$0x3FB2] =	sst s9;
	s0 =	simm.s32 @!p0 $0x0  }
0x12: {  	s1 =	sld [smem:$0x3F98];
	s0 =	simm.s32 @p0 $0x1  }
0x13: {  	[smem:$0x3FB3] =	sst s0;
	s0 =	simm.s32 @!p1 $0x0  }
0x14: {  	s2 =	sld [smem:$0x3F97];
	s0 =	simm.s32 @p1 $0x1  }
0x15: {  	[smem:$0x3FB4] =	sst s0;
	s0 =	simm.s32 @!p2 $0x0  }
0x16: {  	s3 =	sld [smem:$0x3FDB];
	s0 =	simm.s32 @p2 $0x1  }
0x17: {  	s4 =	simm.s32 $0x1BF5;
	[smem:$0x3FB6] =	sst s0  }
0x18: {  	s0 =	sld [smem:$0x3F99];
	_ =	swait.ge [sflag:s4], $0x0  }
0x19: {  	s7 =	sld [smem:$0x3F9A]  }
0x1a: {  	s8 =	sadd.s32 $0xFFFFE003, lr  }
0x1b: {  	s9 =	sadd.s32 $0xFFFFFEF7, lr;
	s5 =	simm.s32 $0xFFFFFFFF;
	p2 =	slt.u32 s8, $0xFFFFF086  }
0x1c: {  	p1 =	slt.u32 s9, $0xF7A;
	s5 =	simm.s32 @!p2 $0x0  }
0x1d: {  	s5 =	simm.s32 @p1 $0x1;
	p0 =	seq.s32 s7, s2  }
0x1e: {  	s7 =	smul.u32 @!p0 $0xF7A, s2;
	p2 =	seq.s32 @!p0 s5, $0x0  }
0x1f: {  	s9 =	smul.u32 $0xF7A, s1;
	s8 =	simm.s32 @!p0 $0x1BF5;
	p2 =	por !p2, p0  }
0x20: {  	[sflag:s8] =	ssyncset.s32 @!p0 $0xFFFFF086;
	s6 =	sadd.s32 @!p0 s3, s7;
	s7 =	simm.s32 @!p0 $0x108  }
0x21: {  	s3 =	sadd.s32 s3, s9;
	s6 =	sadd.s32 @!p0 $0x88, s6;
	s7 =	simm.s32 @p2 $0x1082  }
0x22: {  	[simem:s7], [sflag:s8] =	dma.local @!p0 [hbm:s6], $0xF7A  }
0x23: {  	s9 =	sor.u32 $0xD0000000, s2;
	s6 =	simm.s32 $0x108;
	_ =	swait.ge @!p0 [sflag:s8], $0x0  }
0x24: {  	s3 =	sadd.s32 $0x88, s3;
	s6 =	simm.s32 @!p1 $0x1082;
	[sflag:s4] =	ssyncset.s32 $0xFFFFF086  }
0x25: {  	[simem:s6], [sflag:s4] =	dma.local [hbm:s3], $0xF7A  }
0x26: {  	[smem:$0x3F9A] =	sst s1;
	(tag) =	ssettag s2;
	_ =	strace s9  }
0x27: {  	s1 =	sld [smem:$0x3FAA]  }
0x28: {  	s2 =	sld [smem:$0x3FAB]  }
0x29: {  	s4 =	sld [smem:$0x3FAD]  }
0x2a: {  	p0 =	seq.s32 s5, $0x0;
	s5 =	sld [smem:$0x3FAE]  }
0x2b: {  	s6 =	sld [smem:$0x3FAF]  }
0x2c: {  	s7 =	sld [smem:$0x3FB0]  }
0x2d: {  	s3 =	simm.s32 $0x108;
	s8 =	sld [smem:$0x3FB1]  }
0x2e: {  	s3 =	simm.s32 @!p0 $0x1082;
	s9 =	sld [smem:$0x3FB2]  }
0x2f: {  	lr =	sadd.s32 s0, s3;
	s0 =	sld [smem:$0x3FA9]  }
0x30: {  	s3 =	sld [smem:$0x3FAC]  }
0x31: {  	[smem:$0x3FB5] =	sst s10  }
0x32: {  	s10 =	sld [smem:$0x3FB3];
	_ =	sdelay $0x3  }
0x33: {  	p0 =	seq.s32 s10, $0x1;
	s10 =	sld [smem:$0x3FB5];
	_ =	sdelay $0x3  }
0x34: {  	[smem:$0x3FB5] =	sst s10  }
0x35: {  	s10 =	sld [smem:$0x3FB4];
	_ =	sdelay $0x3  }
0x36: {  	p1 =	seq.s32 s10, $0x1;
	s10 =	sld [smem:$0x3FB5];
	_ =	sdelay $0x3  }
0x37: {  	[smem:$0x3FB5] =	sst s10  }
0x38: {  	s10 =	sld [smem:$0x3FB6]  }
0x39: {  	_ = 	snop;
	(pc) =	sbr.ind lr, $3  }
0x3a: {  	_ = 	snop  }
0x3b: {  	_ = 	snop  }
0x3c: {  	p2 =	seq.s32 s10, $0x1;
	s10 =	sld [smem:$0x3FB5]  }
0x3d: {  	_ =	shalt  }
0x3e: {  	_ =	shalt  }
0x3f: {  	_ =	shalt  }
0x40: {  	_ =	shalt  }
0x41: {  	_ =	shalt  }
0x42: {  	_ =	shalt  }
0x43: {  	_ =	shalt  }
0x44: {  	_ =	shalt  }
0x45: {  	_ =	shalt  }
0x46: {  	_ =	shalt  }
0x47: {  	_ =	shalt  }
0x48: {  	_ =	shalt  }
0x49: {  	_ =	shalt  }
0x4a: {  	_ =	shalt  }
0x4b: {  	_ =	shalt  }
0x4c: {  	_ =	shalt  }
0x4d: {  	_ =	shalt  }
0x4e: {  	_ =	shalt  }
0x4f: {  	_ =	shalt  }
0x50: {  	_ =	shalt  }
0x51: {  	_ =	shalt  }
0x52: {  	_ =	shalt  }
0x53: {  	_ =	shalt  }
0x54: {  	_ =	shalt  }
0x55: {  	_ =	shalt  }
0x56: {  	_ =	shalt  }
0x57: {  	_ =	shalt  }
0x58: {  	_ =	shalt  }
0x59: {  	_ =	shalt  }
0x5a: {  	_ =	shalt  }
0x5b: {  	_ =	shalt  }
0x5c: {  	_ =	shalt  }
0x5d: {  	_ =	shalt  }
0x5e: {  	_ =	shalt  }
0x5f: {  	_ =	shalt  }
0x60: {  	_ =	shalt  }
0x61: {  	_ =	shalt  }
0x62: {  	_ =	shalt  }
0x63: {  	_ =	shalt  }
0x64: {  	_ =	shalt  }
0x65: {  	_ =	shalt  }
0x66: {  	_ =	shalt  }
0x67: {  	_ =	shalt  }
0x68: {  	_ =	shalt  }
0x69: {  	_ =	shalt  }
0x6a: {  	_ =	shalt  }
0x6b: {  	_ =	shalt  }
0x6c: {  	_ =	shalt  }
0x6d: {  	_ =	shalt  }
0x6e: {  	_ =	shalt  }
0x6f: {  	_ =	shalt  }
0x70: {  	_ =	shalt  }
0x71: {  	_ =	shalt  }
0x72: {  	_ =	shalt  }
0x73: {  	_ =	shalt  }
0x74: {  	_ =	shalt  }
0x75: {  	_ =	shalt  }
0x76: {  	_ =	shalt  }
0x77: {  	_ =	shalt  }
0x78: {  	_ =	shalt  }
0x79: {  	_ =	shalt  }
0x7a: {  	_ =	shalt  }
0x7b: {  	_ =	shalt  }
0x7c: {  	_ =	shalt  }
0x7d: {  	_ =	shalt  }
0x7e: {  	_ =	shalt  }
0x7f: {  	_ =	shalt  }
0x80: {  	_ =	shalt  }
0x81: {  	_ =	shalt  }
0x82: {  	_ =	shalt  }
0x83: {  	_ =	shalt  }
0x84: {  	_ =	shalt  }
0x85: {  	_ =	shalt  }
0x86: {  	_ =	shalt  }
0x87: {  	_ =	shalt  }
.Lfunc_end0:
.L_simem_size_0:
called_computation.2_lowered:
.L_overlay_start_0:
0x88: {  	s2 =	sld [smem:$0x3FD9]  }
0x89: {  	s3 =	sld [smem:$0x3FFE];
	_ =	sdelay $0x1  }
0x8a: {  	s1 =	srdreg.scid  }
0x8b: {  	s0 =	sand.u32 $0x1, s1  }
0x8c: {  	s17 =	sshll.u32 s0, $0xA;
	s2 =	sadd.s32 s3, s2  }
0x8d: {  	s2 =	sadd.s32 s2, s17  }
0x8e: {  	[smem:$0x3FC1] =	sst s2  }
0x8f: {  	_ = 	snop  }
0x90: {  	s2 =	sld [smem:$0x3FD0];
	(tm) =	ssettm $0x1  }
0x91: {  	s18 =	sld [smem:$0x3FFB];
	_ =	sdelay $0x3  }
0x92: {  	_ =	strace s18  }
0x93: {  	s3 =	sld [smem:$0x3FFC];
	_ =	sdelay $0x3  }
0x94: {  	_ =	strace s3  }
0x95: {  	s3 =	sld [smem:$0x3FFD];
	_ =	sdelay $0x3  }
0x96: {  	_ =	strace s3  }
0x97: {  	_ =	strace $0x8FFFFFFF  }
0x98: {  	s19 =	sld [smem:$0x3FDB];
	_ =	sdelay $0x1  }
0x99: {  	s4 =	simm.s32 $_scs_section_size  }
0x9a: {  	s5 =	simm.s32 $_size__tile_overlayer_lowered;
	s6 =	simm.s32 $_tile_overlayer_lowered  }
0x9b: {  	s22 =	simm.s32 $0x1BFF;
	s21 =	sshll.u32 s6, $0x1;
	s3 =	sadd.s32 s4, s19  }
0x9c: {  	s7 =	simm.s32 $0x0;
	s20 =	sshll.u32 s5, $0x1;
	s5 =	sadd.s32 s21, s3  }
0x9d: {  	[timem:s7], [sflag:s22] =	dma.local [hbm:s5], s20  }
0x9e: {  	_ =	swait.ge [sflag:s22], s20  }
0x9f: {  	s4 =	ssub.s32 $0x0, s20;
	[sflag:s22] =	ssyncset.done $0x0  }
0xa0: {  	[sflag:s22] =	ssyncadd.s32 s4;
	_ =	sdelay $0x1  }
0xa1: {  	s23 =	simm.s32 $0x1B8B  }
0xa2: {  	_ =	swait.ge [sflag:s23], $0x1  }
0xa3: {  	[sflag:s23] =	ssyncset.done $0x0  }
0xa4: {  	s25 =	simm.s32 $0x1B8E;
	s24 =	sld [smem:$0x3FFE];
	[sflag:s23] =	ssyncadd.s32 $0xFFFFFFFF  }
0xa5: {  	s26 =	simm.s32 $execute0_lowered;
	[smem:$0x3FD2] =	sst s25  }
0xa6: {  	s5 =	sshll.u32 s26, $0x1;
	_ =	strace $0x80000049;
	[dreg:$0x1] =	wrdreg $0xFFFFFFFF  }
0xa7: {  	s28 =	simm.s32 $_size_execute0_lowered;
	s3 =	sadd.s32 s3, s5;
	[dreg:$0x0] =	wrdreg $0x0  }
0xa8: {  	s5 =	sshll.u32 s28, $0x1;
	[dreg:$0x2] =	wrdreg s3  }
0xa9: {  	[dreg:$0x3] =	wrdreg s5  }
0xaa: {  	[dreg:$0x4] =	wrdreg $0xC0  }
0xab: {  	_ =	task [dreg:s7], $0x5FFFF  }
0xac: {  	[dreg:$0x1] =	wrdreg $0xFFFFFFFF  }
0xad: {  	[dreg:$0x0] =	wrdreg $0x60  }
0xae: {  	[dreg:$0x2] =	wrdreg s24  }
0xaf: {  	[dreg:$0x3] =	wrdreg s2  }
0xb0: {  	[dreg:$0x4] =	wrdreg $0x9  }
0xb1: {  	_ =	task.clear_ibuf [dreg:s7], $0x5FFFF;
	_ =	strace $0x90000049  }
0xb2: {  	s29 =	simm.s32 $0x9;
	_ =	strace $0x8000004B  }
0xb3: {  	_ =	swait.ge [sflag:s29], $0x1  }
0xb4: {  	[sflag:s29] =	ssyncadd.s32 $0xFFFFFFFF  }
0xb5: {  	_ =	strace $0x9000004B  }
0xb6: {  	_ =	sfence  }
0xb7: {  	s30 =	sld [smem:$0x0];
	_ =	sdelay $0x2  }
0xb8: {  	s31 =	sshll.u32 s1, $0xD;
	s1 =	sshrl.u32 s1, $0x2  }
0xb9: {  	s3 =	sand.u32 $0x4000, s31;
	s1 =	sadd.s32 s1, s30  }
0xba: {  	s0 =	sor.u32 s3, s0;
	s1 =	sshll.u32 s1, $0x11  }
0xbb: {  	s0 =	sor.u32 s1, s0  }
0xbc: {  	s0 =	sadd.s32 $0x8F2B, s0  }
0xbd: {  	[sflag:s0] =	ssyncadd.remote.s32 $0x1  }
0xbe: {  	_ =	sfence.sel $0xFFFF  }
0xbf: {  	[dreg:$0x0] =	wrdreg $0xFFFFFFFF;
	(pc) =	sbr.abs _section_cstart, $3  }
0xc0: {  	[dreg:$0x1] =	wrdreg $0xFFFFFFFF  }
0xc1: {  	_ =	task.clear_ibuf [dreg:s7], $0x2FFFF;
	_ =	strace $0x9FFFFFFF  }
0xc2: {  	(tm) =	ssettm $0x7FFFFFFF  }
0xc3: {  	_ =	shalt  }
tec
execute0_lowered:
.L_overlay_start_1:
0x0: {  	(tag) =	ssettag $0x1  }
0x1: {  	s1 =	srdreg.scid  }
0x2: {  	s0 =	stileid.u32;
	s11 =	sand.u32 $0x1, s1  }
0x3: {  	s5 =	rddreg [dreg:$0x0];
	s30 =	sshll.u32 s0, $0x9;
	s2 =	sshll.u32 s11, $0x8  }
0x4: {  	s10 =	rddreg [dreg:$0x1];
	s12 =	sor.u32 s2, s30  }
0x5: {  	s1 =	rddreg [dreg:$0x2];
	s2 =	simm.s32 $0x0;
	s3 =	sshrl.u32 s12, $0x3  }
0x6: {  	[smem:$0x7FF] =	sst s2;
	s3 =	sadd.s32 s3, s5  }
0x7: {  	_ =	strace $0x8000004A;
	s4 =	sadd.s32 $0x3E400, s3;
	s3 =	simm.s32 $0x3  }
0x8: {  	[tilespmem:s2], [sflag:$0x3] =	stream.linear.gather [hbm4b:s4+s2], $0x100, $0x38;
	[tilespmem:$0x8100] =	vst v63  }
0x9: {  	_ =	swait.ge [sflag:s3], $0x100  }
0xa: {  	s6 =	simm.s32 $0x80;
	[sflag:s3] =	ssyncset.done $0x0  }
0xb: {  	s7 =	simm.s32 $0x100;
	s5 =	sadd.s32 $0x2200, s5;
	[sflag:s3] =	ssyncadd.s32 $0xFFFFFF00  }
0xc: {  	[tilespmem:s7], [sflag:$0x1] =	stream.indirect.gather [hbm4b:s5+s6], $0x80, s2, s6, $0xb8;
	[tilespmem:$0x8100] =	vst v63  }
0xd: {  	s8 =	simm.s32 $0x4100;
	s9 =	simm.s32 $0x1  }
0xe: {  	[tilespmem:s8], [sflag:$0x2] =	stream.indirect.gather [hbm4b:s5+s6], $0x80, s6, s6, $0xb8;
	[tilespmem:$0x8100] =	vst v63  }
0xf: {  	_ =	swait.ge [sflag:s9], $0x4000  }
0x10: {  	s12 =	sshll.u32 s12, $0x4;
	[sflag:s9] =	ssyncset.done $0x0  }
0x11: {  	s31 =	ssub.s32 $0x2, s11;
	s10 =	sadd.s32 s10, s12;
	[sflag:s9] =	ssyncadd.s32 $0xFFFFC000  }
0x12: {  	[hbm4b:s10+s2] =	stream.linear.scatter [tilespmem:s7], [sflag:$0x3], $0x4000, $0x38;
	[tilespmem:$0x8100] =	vst v63  }
0x13: {  	s13 =	sshrl.u32 s31, $0x1;
	_ =	swait.ge [sflag:s3], $0x4000  }
0x14: {  	s13 =	ssub.s32 s31, s13;
	[sflag:s3] =	ssyncset.done $0x0  }
0x15: {  	s11 =	simm.s32 $0x2;
	s13 =	smax.u32 s13, $0x1;
	[sflag:s3] =	ssyncadd.s32 $0xFFFFC000  }
0x16: {  	p0 =	sne.s32 s13, $0x1;
	_ =	swait.ge [sflag:s11], $0x4000  }
.Ltmp0:
0x17: {  	[sflag:s11] =	ssyncset.done $0x0;
	(pc) =	sbr.rel @!p0 .LBB2_2-.Ltmp0, $4  }
0x18: {  	s12 =	sadd.s32 $0x800, s10;
	[sflag:s11] =	ssyncadd.s32 $0xFFFFC000  }
0x19: {  	[hbm4b:s12+s2] =	stream.linear.scatter [tilespmem:s8], [sflag:$0x3], $0x4000, $0x38;
	[tilespmem:$0x8100] =	vst v63  }
0x1a: {  	_ =	swait.ge [sflag:s3], $0x4000  }
0x1b: {  	s13 =	sadd.s32 $0xFFFFFFFF, s13;
	[sflag:s3] =	ssyncset.done $0x0  }
.LBB2_1:
0x1c: {  	p0 =	sne.s32 s13, $0x1;
	s13 =	sadd.s32 $0xFFFFFFFF, s13;
	[sflag:s3] =	ssyncadd.s32 $0xFFFFC000  }
0x1d: {  	[tilespmem:s2], [sflag:$0x3] =	stream.linear.gather [hbm4b:s4+s2], $0x100, $0x38;
	[tilespmem:$0x8100] =	vst v63  }
0x1e: {  	_ =	swait.ge [sflag:s3], $0x100  }
0x1f: {  	[sflag:s3] =	ssyncset.done $0x0  }
0x20: {  	[sflag:s3] =	ssyncadd.s32 $0xFFFFFF00  }
0x21: {  	[tilespmem:s7], [sflag:$0x1] =	stream.indirect.gather [hbm4b:s5+s6], $0x80, s2, s6, $0xb8;
	[tilespmem:$0x8100] =	vst v63  }
0x22: {  	_ = 	snop  }
0x23: {  	[tilespmem:s8], [sflag:$0x2] =	stream.indirect.gather [hbm4b:s5+s6], $0x80, s6, s6, $0xb8;
	[tilespmem:$0x8100] =	vst v63  }
0x24: {  	_ =	swait.ge [sflag:s9], $0x4000  }
0x25: {  	[sflag:s9] =	ssyncset.done $0x0  }
0x26: {  	[sflag:s9] =	ssyncadd.s32 $0xFFFFC000  }
0x27: {  	[hbm4b:s10+s2] =	stream.linear.scatter [tilespmem:s7], [sflag:$0x3], $0x4000, $0x38;
	[tilespmem:$0x8100] =	vst v63  }
0x28: {  	_ =	swait.ge [sflag:s3], $0x4000  }
0x29: {  	[sflag:s3] =	ssyncset.done $0x0  }
0x2a: {  	[sflag:s3] =	ssyncadd.s32 $0xFFFFC000  }
0x2b: {  	_ =	swait.ge [sflag:s11], $0x4000  }
.Ltmp1:
0x2c: {  	[sflag:s11] =	ssyncset.done $0x0;
	(pc) =	sbr.rel @p0 .LBB2_1-.Ltmp1, $4  }
0x2d: {  	[sflag:s11] =	ssyncadd.s32 $0xFFFFC000  }
0x2e: {  	[hbm4b:s12+s2] =	stream.linear.scatter [tilespmem:s8], [sflag:$0x3], $0x4000, $0x38;
	[tilespmem:$0x8100] =	vst v63  }
0x2f: {  	_ =	swait.ge [sflag:s3], $0x4000  }
0x30: {  	[sflag:s3] =	ssyncset.done $0x0  }
.LBB2_2:
0x31: {  	[sflag:s3] =	ssyncadd.s32 $0xFFFFC000  }
0x32: {  	_ =	sfence.sel $0x180000  }
0x33: {  	[bflag:$0x0] =	sbarrier.arrive $0xFFFF  }
0x34: {  	p0 =	sne.s32 s0, $0x0;
	_ =	strace $0x9000004A  }
0x35: {  	s0 =	sadd.s32 @!p0 $0x100000, s1;
	[bflag:$0x2] =	sbarrier.arrive $0xFFFF  }
0x36: {  	[sflag:s0] =	ssyncadd.tile.s32 @!p0 $0x1;
	_ =	shalt  }
.Lfunc_end2:
_tile_overlayer_lowered:
.L_overlay_start_2:
0x37: {  	(tag) =	ssettag $0x2  }
0x38: {  	s0 =	rddreg [dreg:$0x0];
	s2 =	stileid.u32  }
0x39: {  	s1 =	rddreg [dreg:$0x1];
	p0 =	sne.s32 s2, $0x0  }
0x3a: {  	s3 =	rddreg [dreg:$0x2];
	[bflag:$0x3] =	sbarrier.arrive $0xFFFF;
	s2 =	simm.s32 @!p0 $0x1C03  }
0x3b: {  	[timem:s3], [sflag:s2] =	dma.local @!p0 [hbm:s0], s1  }
0x3c: {  	s0 =	simm.s32 @!p0 $0x3  }
0x3d: {  	_ =	swait.ge @!p0 [sflag:s0], s1  }
0x3e: {  	s1 =	ssub.s32 @!p0 $0x0, s1;
	[sflag:s0] =	ssyncset.done @!p0 $0x0  }
0x3f: {  	[sflag:s0] =	ssyncadd.s32 @!p0 s1  }
0x40: {  	[bflag:$0x3] =	sbarrier.arrive $0xFFFF  }
0x41: {  	_ =	shalt  }

// kernel: closed_call.28.cloned.1.call-start
scs
__scs_entry_jumppad:
0x0: {  	(pc) =	sbr.rel $0x88, $3  }
0x1: {  	(tag) =	ssettag $0x0;
	lr =	simm.s32 $0x1  }
0x2: {  	[smem:$0x3F9A] =	sst lr;
	_ =	strace $0xD0000000  }
0x3: {  	_ = 	snop  }
0x4: {  	_ = 	snop  }
0x5: {  	_ = 	snop  }
0x6: {  	_ = 	snop  }
0x7: {  	_ = 	snop  }
__scs_overlays_trampoline_lowered:
0x8: {  	[smem:$0x3FA9] =	sst s0  }
0x9: {  	[smem:$0x3FAA] =	sst s1  }
0xa: {  	[smem:$0x3FAB] =	sst s2  }
0xb: {  	[smem:$0x3FAC] =	sst s3  }
0xc: {  	[smem:$0x3FAD] =	sst s4  }
0xd: {  	[smem:$0x3FAE] =	sst s5  }
0xe: {  	[smem:$0x3FAF] =	sst s6  }
0xf: {  	[smem:$0x3FB0] =	sst s7  }
0x10: {  	[smem:$0x3FB1] =	sst s8  }
0x11: {  	[smem:$0x3FB2] =	sst s9;
	s0 =	simm.s32 @!p0 $0x0  }
0x12: {  	s1 =	sld [smem:$0x3F98];
	s0 =	simm.s32 @p0 $0x1  }
0x13: {  	[smem:$0x3FB3] =	sst s0;
	s0 =	simm.s32 @!p1 $0x0  }
0x14: {  	s2 =	sld [smem:$0x3F97];
	s0 =	simm.s32 @p1 $0x1  }
0x15: {  	[smem:$0x3FB4] =	sst s0;
	s0 =	simm.s32 @!p2 $0x0  }
0x16: {  	s3 =	sld [smem:$0x3FDB];
	s0 =	simm.s32 @p2 $0x1  }
0x17: {  	s4 =	simm.s32 $0x1BF5;
	[smem:$0x3FB6] =	sst s0  }
0x18: {  	s0 =	sld [smem:$0x3F99];
	_ =	swait.ge [sflag:s4], $0x0  }
0x19: {  	s7 =	sld [smem:$0x3F9A]  }
0x1a: {  	s8 =	sadd.s32 $0xFFFFE003, lr  }
0x1b: {  	s9 =	sadd.s32 $0xFFFFFEF7, lr;
	s5 =	simm.s32 $0xFFFFFFFF;
	p2 =	slt.u32 s8, $0xFFFFF086  }
0x1c: {  	p1 =	slt.u32 s9, $0xF7A;
	s5 =	simm.s32 @!p2 $0x0  }
0x1d: {  	s5 =	simm.s32 @p1 $0x1;
	p0 =	seq.s32 s7, s2  }
0x1e: {  	s7 =	smul.u32 @!p0 $0xF7A, s2;
	p2 =	seq.s32 @!p0 s5, $0x0  }
0x1f: {  	s9 =	smul.u32 $0xF7A, s1;
	s8 =	simm.s32 @!p0 $0x1BF5;
	p2 =	por !p2, p0  }
0x20: {  	[sflag:s8] =	ssyncset.s32 @!p0 $0xFFFFF086;
	s6 =	sadd.s32 @!p0 s3, s7;
	s7 =	simm.s32 @!p0 $0x108  }
0x21: {  	s3 =	sadd.s32 s3, s9;
	s6 =	sadd.s32 @!p0 $0x88, s6;
	s7 =	simm.s32 @p2 $0x1082  }
0x22: {  	[simem:s7], [sflag:s8] =	dma.local @!p0 [hbm:s6], $0xF7A  }
0x23: {  	s9 =	sor.u32 $0xD0000000, s2;
	s6 =	simm.s32 $0x108;
	_ =	swait.ge @!p0 [sflag:s8], $0x0  }
0x24: {  	s3 =	sadd.s32 $0x88, s3;
	s6 =	simm.s32 @!p1 $0x1082;
	[sflag:s4] =	ssyncset.s32 $0xFFFFF086  }
0x25: {  	[simem:s6], [sflag:s4] =	dma.local [hbm:s3], $0xF7A  }
0x26: {  	[smem:$0x3F9A] =	sst s1;
	(tag) =	ssettag s2;
	_ =	strace s9  }
0x27: {  	s1 =	sld [smem:$0x3FAA]  }
0x28: {  	s2 =	sld [smem:$0x3FAB]  }
0x29: {  	s4 =	sld [smem:$0x3FAD]  }
0x2a: {  	p0 =	seq.s32 s5, $0x0;
	s5 =	sld [smem:$0x3FAE]  }
0x2b: {  	s6 =	sld [smem:$0x3FAF]  }
0x2c: {  	s7 =	sld [smem:$0x3FB0]  }
0x2d: {  	s3 =	simm.s32 $0x108;
	s8 =	sld [smem:$0x3FB1]  }
0x2e: {  	s3 =	simm.s32 @!p0 $0x1082;
	s9 =	sld [smem:$0x3FB2]  }
0x2f: {  	lr =	sadd.s32 s0, s3;
	s0 =	sld [smem:$0x3FA9]  }
0x30: {  	s3 =	sld [smem:$0x3FAC]  }
0x31: {  	[smem:$0x3FB5] =	sst s10  }
0x32: {  	s10 =	sld [smem:$0x3FB3];
	_ =	sdelay $0x3  }
0x33: {  	p0 =	seq.s32 s10, $0x1;
	s10 =	sld [smem:$0x3FB5];
	_ =	sdelay $0x3  }
0x34: {  	[smem:$0x3FB5] =	sst s10  }
0x35: {  	s10 =	sld [smem:$0x3FB4];
	_ =	sdelay $0x3  }
0x36: {  	p1 =	seq.s32 s10, $0x1;
	s10 =	sld [smem:$0x3FB5];
	_ =	sdelay $0x3  }
0x37: {  	[smem:$0x3FB5] =	sst s10  }
0x38: {  	s10 =	sld [smem:$0x3FB6]  }
0x39: {  	_ = 	snop;
	(pc) =	sbr.ind lr, $3  }
0x3a: {  	_ = 	snop  }
0x3b: {  	_ = 	snop  }
0x3c: {  	p2 =	seq.s32 s10, $0x1;
	s10 =	sld [smem:$0x3FB5]  }
0x3d: {  	_ =	shalt  }
0x3e: {  	_ =	shalt  }
0x3f: {  	_ =	shalt  }
0x40: {  	_ =	shalt  }
0x41: {  	_ =	shalt  }
0x42: {  	_ =	shalt  }
0x43: {  	_ =	shalt  }
0x44: {  	_ =	shalt  }
0x45: {  	_ =	shalt  }
0x46: {  	_ =	shalt  }
0x47: {  	_ =	shalt  }
0x48: {  	_ =	shalt  }
0x49: {  	_ =	shalt  }
0x4a: {  	_ =	shalt  }
0x4b: {  	_ =	shalt  }
0x4c: {  	_ =	shalt  }
0x4d: {  	_ =	shalt  }
0x4e: {  	_ =	shalt  }
0x4f: {  	_ =	shalt  }
0x50: {  	_ =	shalt  }
0x51: {  	_ =	shalt  }
0x52: {  	_ =	shalt  }
0x53: {  	_ =	shalt  }
0x54: {  	_ =	shalt  }
0x55: {  	_ =	shalt  }
0x56: {  	_ =	shalt  }
0x57: {  	_ =	shalt  }
0x58: {  	_ =	shalt  }
0x59: {  	_ =	shalt  }
0x5a: {  	_ =	shalt  }
0x5b: {  	_ =	shalt  }
0x5c: {  	_ =	shalt  }
0x5d: {  	_ =	shalt  }
0x5e: {  	_ =	shalt  }
0x5f: {  	_ =	shalt  }
0x60: {  	_ =	shalt  }
0x61: {  	_ =	shalt  }
0x62: {  	_ =	shalt  }
0x63: {  	_ =	shalt  }
0x64: {  	_ =	shalt  }
0x65: {  	_ =	shalt  }
0x66: {  	_ =	shalt  }
0x67: {  	_ =	shalt  }
0x68: {  	_ =	shalt  }
0x69: {  	_ =	shalt  }
0x6a: {  	_ =	shalt  }
0x6b: {  	_ =	shalt  }
0x6c: {  	_ =	shalt  }
0x6d: {  	_ =	shalt  }
0x6e: {  	_ =	shalt  }
0x6f: {  	_ =	shalt  }
0x70: {  	_ =	shalt  }
0x71: {  	_ =	shalt  }
0x72: {  	_ =	shalt  }
0x73: {  	_ =	shalt  }
0x74: {  	_ =	shalt  }
0x75: {  	_ =	shalt  }
0x76: {  	_ =	shalt  }
0x77: {  	_ =	shalt  }
0x78: {  	_ =	shalt  }
0x79: {  	_ =	shalt  }
0x7a: {  	_ =	shalt  }
0x7b: {  	_ =	shalt  }
0x7c: {  	_ =	shalt  }
0x7d: {  	_ =	shalt  }
0x7e: {  	_ =	shalt  }
0x7f: {  	_ =	shalt  }
0x80: {  	_ =	shalt  }
0x81: {  	_ =	shalt  }
0x82: {  	_ =	shalt  }
0x83: {  	_ =	shalt  }
0x84: {  	_ =	shalt  }
0x85: {  	_ =	shalt  }
0x86: {  	_ =	shalt  }
0x87: {  	_ =	shalt  }
.Lfunc_end0:
.L_simem_size_0:
called_computation_lowered:
.L_overlay_start_0:
0x88: {  	s2 =	sld [smem:$0x3FD9]  }
0x89: {  	s3 =	sld [smem:$0x3FFE];
	_ =	sdelay $0x1  }
0x8a: {  	s1 =	srdreg.scid  }
0x8b: {  	s0 =	sand.u32 $0x1, s1  }
0x8c: {  	s16 =	sshll.u32 s0, $0xA;
	s2 =	sadd.s32 s3, s2  }
0x8d: {  	s2 =	sadd.s32 s2, s16  }
0x8e: {  	[smem:$0x3FC1] =	sst s2  }
0x8f: {  	_ = 	snop  }
0x90: {  	(tm) =	ssettm $0x1  }
0x91: {  	s17 =	sld [smem:$0x3FFB];
	_ =	sdelay $0x3  }
0x92: {  	_ =	strace s17  }
0x93: {  	s2 =	sld [smem:$0x3FFC];
	_ =	sdelay $0x3  }
0x94: {  	_ =	strace s2  }
0x95: {  	s2 =	sld [smem:$0x3FFD];
	_ =	sdelay $0x3  }
0x96: {  	_ =	strace s2  }
0x97: {  	_ =	strace $0x8FFFFFFF  }
0x98: {  	s18 =	sld [smem:$0x3FDB];
	_ =	sdelay $0x1  }
0x99: {  	s19 =	simm.s32 $_scs_section_size  }
0x9a: {  	s4 =	simm.s32 $_size__tile_overlayer_lowered;
	s5 =	simm.s32 $_tile_overlayer_lowered  }
0x9b: {  	s22 =	simm.s32 $0x1BFF;
	s21 =	sshll.u32 s5, $0x1;
	s2 =	sadd.s32 s19, s18  }
0x9c: {  	s6 =	simm.s32 $0x0;
	s20 =	sshll.u32 s4, $0x1;
	s4 =	sadd.s32 s21, s2  }
0x9d: {  	[timem:s6], [sflag:s22] =	dma.local [hbm:s4], s20  }
0x9e: {  	_ =	swait.ge [sflag:s22], s20  }
0x9f: {  	s3 =	ssub.s32 $0x0, s20;
	[sflag:s22] =	ssyncset.done $0x0  }
0xa0: {  	[sflag:s22] =	ssyncadd.s32 s3;
	_ =	sdelay $0x1  }
0xa1: {  	s23 =	simm.s32 $0x1B8B  }
0xa2: {  	_ =	swait.ge [sflag:s23], $0x1  }
0xa3: {  	[sflag:s23] =	ssyncset.done $0x0  }
0xa4: {  	s25 =	simm.s32 $0x1B8E;
	s24 =	sld [smem:$0x3FFE];
	[sflag:s23] =	ssyncadd.s32 $0xFFFFFFFF  }
0xa5: {  	s26 =	simm.s32 $execute0_lowered;
	[smem:$0x3FD2] =	sst s25  }
0xa6: {  	s4 =	sshll.u32 s26, $0x1;
	_ =	strace $0x8000004C;
	[dreg:$0x1] =	wrdreg $0xFFFFFFFF  }
0xa7: {  	s28 =	simm.s32 $_size_execute0_lowered;
	s2 =	sadd.s32 s2, s4;
	[dreg:$0x0] =	wrdreg $0x0  }
0xa8: {  	s4 =	sshll.u32 s28, $0x1;
	[dreg:$0x2] =	wrdreg s2  }
0xa9: {  	[dreg:$0x3] =	wrdreg s4  }
0xaa: {  	[dreg:$0x4] =	wrdreg $0xC0  }
0xab: {  	_ =	task [dreg:s6], $0x5FFFF  }
0xac: {  	[dreg:$0x1] =	wrdreg $0xFFFFFFFF  }
0xad: {  	[dreg:$0x0] =	wrdreg $0x60  }
0xae: {  	[dreg:$0x2] =	wrdreg s24  }
0xaf: {  	[dreg:$0x3] =	wrdreg $0xF0000  }
0xb0: {  	[dreg:$0x4] =	wrdreg $0x9  }
0xb1: {  	_ =	task.clear_ibuf [dreg:s6], $0x5FFFF;
	_ =	strace $0x9000004C  }
0xb2: {  	s29 =	simm.s32 $0x9;
	_ =	strace $0x8000004E  }
0xb3: {  	_ =	swait.ge [sflag:s29], $0x1  }
0xb4: {  	[sflag:s29] =	ssyncadd.s32 $0xFFFFFFFF  }
0xb5: {  	_ =	strace $0x9000004E  }
0xb6: {  	_ =	sfence  }
0xb7: {  	s30 =	sld [smem:$0x0];
	_ =	sdelay $0x2  }
0xb8: {  	s31 =	sshll.u32 s1, $0xD;
	s1 =	sshrl.u32 s1, $0x2  }
0xb9: {  	s3 =	sand.u32 $0x4000, s31;
	s1 =	sadd.s32 s1, s30  }
0xba: {  	s0 =	sor.u32 s3, s0;
	s1 =	sshll.u32 s1, $0x11  }
0xbb: {  	s0 =	sor.u32 s1, s0  }
0xbc: {  	s0 =	sadd.s32 $0x8F2B, s0  }
0xbd: {  	[sflag:s0] =	ssyncadd.remote.s32 $0x1  }
0xbe: {  	_ =	sfence.sel $0xFFFF  }
0xbf: {  	[dreg:$0x0] =	wrdreg $0xFFFFFFFF;
	(pc) =	sbr.abs _section_cstart, $3  }
0xc0: {  	[dreg:$0x1] =	wrdreg $0xFFFFFFFF  }
0xc1: {  	_ =	task.clear_ibuf [dreg:s6], $0x2FFFF;
	_ =	strace $0x9FFFFFFF  }
0xc2: {  	(tm) =	ssettm $0x7FFFFFFF  }
0xc3: {  	_ =	shalt  }
tec
execute0_lowered:
.L_overlay_start_1:
0x0: {  	(tag) =	ssettag $0x1  }
0x1: {  	s0 =	srdreg.scid  }
0x2: {  	s3 =	stileid.u32;
	s5 =	rddreg [dreg:$0x0]  }
0x3: {  	s2 =	rddreg [dreg:$0x1];
	s18 =	simm.s32 $0x0;
	s28 =	simm.s32 $0x9000  }
0x4: {  	s30 =	simm.s32 $0xA000;
	s12 =	simm.s32 $0x4;
	s13 =	simm.s32 $0xA  }
0x5: {  	s14 =	simm.s32 $0xB;
	s15 =	simm.s32 $0x5;
	s29 =	simm.s32 $0x6  }
0x6: {  	s31 =	simm.s32 $0x7;
	s8 =	simm.s32 $0xD;
	s9 =	simm.s32 $0xE  }
0x7: {  	s10 =	simm.s32 $0xF;
	s11 =	simm.s32 $0x10;
	s7 =	smul.u32 $0x14000, s3  }
0x8: {  	s0 =	sand.u32 $0x1, s0;
	s1 =	sshll.u32 s3, $0x1;
	s16 =	smul.u32 $0x28000, s3  }
0x9: {  	[smem:$0x7FF] =	sst s18;
	s4 =	sadd.s32 $0x52800, s5;
	s6 =	smul.u32 $0x140000, s0  }
0xa: {  	s1 =	sor.u32 s0, s1;
	_ =	strace $0x8000004D;
	s0 =	ssub.s32 $0x2, s0  }
0xb: {  	s1 =	smul.u32 $0x2800, s1;
	s17 =	sshrl.u32 s0, $0x1;
	s6 =	sadd.s32 s7, s6  }
0xc: {  	s7 =	sshrl.u32 s16, $0x2;
	s0 =	ssub.s32 s0, s17;
	s17 =	simm.s32 $0x11  }
0xd: {  	s16 =	simm.s32 $0x8;
	s1 =	sshrl.u32 s1, $0x3;
	s20 =	sadd.s32 s7, s2  }
0xe: {  	s6 =	sshrl.u32 s6, $0x3;
	s0 =	smax.u32 s0, $0x1;
	[dreg:$0x5] =	wrdreg s20  }
0xf: {  	s7 =	simm.s32 $0x2;
	s22 =	sadd.s32 $0x2000, s20;
	[dreg:$0xe] =	wrdreg s0  }
0x10: {  	s1 =	sadd.s32 s1, s5;
	s23 =	sadd.s32 $0x4000, s20;
	[dreg:$0x7] =	wrdreg s22  }
0x11: {  	s5 =	sadd.s32 s6, s5;
	s24 =	sadd.s32 $0x6000, s20;
	[dreg:$0x8] =	wrdreg s23  }
0x12: {  	s3 =	sadd.s32 $0x8000, s20;
	s20 =	simm.s32 $0x5000;
	[dreg:$0x9] =	wrdreg s24  }
0x13: {  	s0 =	simm.s32 $0xC000;
	s19 =	sadd.s32 $0x2200, s1;
	[dreg:$0xa] =	wrdreg s3  }
0x14: {  	s21 =	sadd.s32 $0x3E800, s1;
	s25 =	sadd.s32 $0x7A800, s5;
	[dreg:$0x4] =	wrdreg s19  }
0x15: {  	s1 =	sadd.s32 $0x48800, s1;
	s26 =	sadd.s32 $0x7A808, s5;
	[dreg:$0x6] =	wrdreg s21  }
0x16: {  	s23 =	simm.s32 $0x7000;
	s5 =	simm.s32 $0x1;
	[dreg:$0xb] =	wrdreg s25  }
0x17: {  	s22 =	simm.s32 $0x3;
	s24 =	simm.s32 $0x9;
	[dreg:$0xc] =	wrdreg s1  }
0x18: {  	[dreg:$0xd] =	wrdreg s26;
	s19 =	simm.s32 $0x40;
	s21 =	simm.s32 $0x6000  }
0x19: {  	v0 =	vimm.f32 $0.0e+00;
	s25 =	simm.s32 $0x8000;
	s1 =	simm.s32 $0xB000;
	s26 =	simm.s32 $0xC  }
.LBB2_1:
0x1a: {  	[dreg:$0x3] =	wrdreg s18;
	s18 =	simm.s32 $0x100;
	s6 =	simm.s32 $0x0  }
.LBB2_2:
0x1b: {  	p0 =	sne.s32 s18, $0x7F00;
	[tilespmem:s6+$0xD030] =	vst v0;
	s3 =	smov.u32 s18;
	s18 =	sadd.s32 $0x100, s18  }
.Ltmp0:
0x1c: {  	[tilespmem:s6+$0xD020] =	vst v0;
	(pc) =	sbr.rel @p0 .LBB2_2-.Ltmp0, $3  }
0x1d: {  	[tilespmem:s6+$0xD000] =	vst v0  }
0x1e: {  	[tilespmem:s6+$0xD010] =	vst v0;
	_ =	sdelay $0x1  }
0x1f: {  	s6 =	sshra.s32 s3, $0x2  }
0x20: {  	[tilespmem:s6+$0xD030] =	vst v0  }
0x21: {  	[tilespmem:s6+$0xD020] =	vst v0  }
0x22: {  	[tilespmem:s6+$0xD000] =	vst v0  }
0x23: {  	[tilespmem:s6+$0xD010] =	vst v0;
	s3 =	simm.s32 $0x0;
	s6 =	rddreg [dreg:$0x4];
	s18 =	simm.s32 $0x2800  }
0x24: {  	[tilespmem:s18], [sflag:$0x11] =	stream.linear.gather [hbm4b:s6+s3], $0x2800, $0x38;
	[tilespmem:$0x19000] =	vst v63  }
0x25: {  	_ =	swait.ge [sflag:s17], $0x2800  }
0x26: {  	[sflag:s17] =	ssyncset.done $0x0  }
0x27: {  	s18 =	rddreg [dreg:$0x6];
	[sflag:s17] =	ssyncadd.s32 $0xFFFFD800  }
0x28: {  	[tilespmem:s3], [sflag:$0x11] =	stream.linear.gather [hbm4b:s18+s3], $0x2800, $0x38;
	[tilespmem:$0x19000] =	vst v63  }
0x29: {  	_ =	swait.ge [sflag:s17], $0x2800  }
0x2a: {  	[sflag:s17] =	ssyncset.done $0x0  }
0x2b: {  	s18 =	simm.s32 $0xD000;
	s6 =	rddreg [dreg:$0x5];
	[sflag:s17] =	ssyncadd.s32 $0xFFFFD800  }
0x2c: {  	[spmem:s6] =	stream.linear.scatter [tilespmem:s18], [sflag:$0x11], $0x2000, $0x38;
	[tilespmem:$0x19000] =	vst v63  }
0x2d: {  	_ =	swait.ge [sflag:s17], $0x2000  }
0x2e: {  	[sflag:s17] =	ssyncset.done $0x0  }
0x2f: {  	s6 =	rddreg [dreg:$0x7];
	[sflag:s17] =	ssyncadd.s32 $0xFFFFE000  }
0x30: {  	[spmem:s6] =	stream.linear.scatter [tilespmem:s18], [sflag:$0x11], $0x2000, $0x38;
	[tilespmem:$0x19000] =	vst v63  }
0x31: {  	_ =	swait.ge [sflag:s17], $0x2000  }
0x32: {  	[sflag:s17] =	ssyncset.done $0x0  }
0x33: {  	s6 =	rddreg [dreg:$0x8];
	[sflag:s17] =	ssyncadd.s32 $0xFFFFE000  }
0x34: {  	[spmem:s6] =	stream.linear.scatter [tilespmem:s18], [sflag:$0x11], $0x2000, $0x38;
	[tilespmem:$0x19000] =	vst v63  }
0x35: {  	_ =	swait.ge [sflag:s17], $0x2000  }
0x36: {  	[sflag:s17] =	ssyncset.done $0x0  }
0x37: {  	s6 =	rddreg [dreg:$0x9];
	[sflag:s17] =	ssyncadd.s32 $0xFFFFE000  }
0x38: {  	[spmem:s6] =	stream.linear.scatter [tilespmem:s18], [sflag:$0x11], $0x2000, $0x38;
	[tilespmem:$0x19000] =	vst v63  }
0x39: {  	_ =	swait.ge [sflag:s17], $0x2000  }
0x3a: {  	[sflag:s17] =	ssyncset.done $0x0  }
0x3b: {  	s6 =	rddreg [dreg:$0xa];
	[sflag:s17] =	ssyncadd.s32 $0xFFFFE000  }
0x3c: {  	[spmem:s6] =	stream.linear.scatter [tilespmem:s18], [sflag:$0x11], $0x2000, $0x38;
	[tilespmem:$0x19000] =	vst v63  }
0x3d: {  	_ =	swait.ge [sflag:s17], $0x2000  }
0x3e: {  	[sflag:s17] =	ssyncset.done $0x0  }
0x3f: {  	[sflag:s17] =	ssyncadd.s32 $0xFFFFE000  }
0x40: {  	[bflag:$0x0] =	sbarrier.arrive $0xFFFF  }
0x41: {  	[tilespmem:s20], [sflag:$0x1] =	stream.indirect.gather [hbm4b:s4+s19], $0x40, s3, s19, $0xb8;
	[tilespmem:$0x19000] =	vst v63  }
0x42: {  	_ = 	snop  }
0x43: {  	[tilespmem:s21], [sflag:$0x2] =	stream.indirect.gather [hbm4b:s4+s19], $0x40, s19, s19, $0xb8;
	[tilespmem:$0x19000] =	vst v63  }
0x44: {  	s6 =	simm.s32 $0x80  }
0x45: {  	[tilespmem:s23], [sflag:$0x3] =	stream.indirect.gather [hbm4b:s4+s19], $0x40, s6, s19, $0xb8;
	[tilespmem:$0x19000] =	vst v63  }
0x46: {  	s17 =	simm.s32 $0xC0  }
0x47: {  	[tilespmem:s25], [sflag:$0x4] =	stream.indirect.gather [hbm4b:s4+s19], $0x40, s17, s19, $0xb8;
	[tilespmem:$0x19000] =	vst v63  }
0x48: {  	s18 =	simm.s32 $0x100  }
0x49: {  	[tilespmem:s28], [sflag:$0x5] =	stream.indirect.gather [hbm4b:s4+s19], $0x40, s18, s19, $0xb8;
	[tilespmem:$0x19000] =	vst v63  }
0x4a: {  	s6 =	simm.s32 $0x140  }
0x4b: {  	[tilespmem:s30], [sflag:$0x6] =	stream.indirect.gather [hbm4b:s4+s19], $0x40, s6, s19, $0xb8;
	[tilespmem:$0x19000] =	vst v63  }
0x4c: {  	s17 =	simm.s32 $0x180  }
0x4d: {  	[tilespmem:s1], [sflag:$0x7] =	stream.indirect.gather [hbm4b:s4+s19], $0x40, s17, s19, $0xb8;
	[tilespmem:$0x19000] =	vst v63  }
0x4e: {  	s18 =	simm.s32 $0x1C0  }
0x4f: {  	[tilespmem:s0], [sflag:$0x8] =	stream.indirect.gather [hbm4b:s4+s19], $0x40, s18, s19, $0xb8;
	[tilespmem:$0x19000] =	vst v63  }
0x50: {  	_ =	swait.ge [sflag:s5], $0x1000  }
0x51: {  	[sflag:s5] =	ssyncset.done $0x0  }
0x52: {  	s6 =	simm.s32 $0x2800;
	[sflag:s5] =	ssyncadd.s32 $0xFFFFF000  }
0x53: {  	[spmem:s2] =	stream.indirect.scatter.add.f32 [tilespmem:s20], [sflag:$0x9], $0x40, s6, s19, $0xb8;
	[tilespmem:$0x19000] =	vst v63  }
0x54: {  	_ =	swait.ge [sflag:s7], $0x1000  }
0x55: {  	[sflag:s7] =	ssyncset.done $0x0  }
0x56: {  	s17 =	simm.s32 $0x2840;
	[sflag:s7] =	ssyncadd.s32 $0xFFFFF000  }
0x57: {  	[spmem:s2] =	stream.indirect.scatter.add.f32 [tilespmem:s21], [sflag:$0xA], $0x40, s17, s19, $0xb8;
	[tilespmem:$0x19000] =	vst v63  }
0x58: {  	_ =	swait.ge [sflag:s22], $0x1000  }
0x59: {  	[sflag:s22] =	ssyncset.done $0x0  }
0x5a: {  	s18 =	simm.s32 $0x2880;
	[sflag:s22] =	ssyncadd.s32 $0xFFFFF000  }
0x5b: {  	[spmem:s2] =	stream.indirect.scatter.add.f32 [tilespmem:s23], [sflag:$0xB], $0x40, s18, s19, $0xb8;
	[tilespmem:$0x19000] =	vst v63  }
0x5c: {  	_ =	swait.ge [sflag:s12], $0x1000  }
0x5d: {  	[sflag:s12] =	ssyncset.done $0x0  }
0x5e: {  	s6 =	simm.s32 $0x28C0;
	[sflag:s12] =	ssyncadd.s32 $0xFFFFF000  }
0x5f: {  	[spmem:s2] =	stream.indirect.scatter.add.f32 [tilespmem:s25], [sflag:$0xC], $0x40, s6, s19, $0xb8;
	[tilespmem:$0x19000] =	vst v63  }
0x60: {  	_ =	swait.ge [sflag:s24], $0x1000  }
0x61: {  	[sflag:s24] =	ssyncset.done $0x0  }
0x62: {  	s17 =	simm.s32 $0x200;
	[sflag:s24] =	ssyncadd.s32 $0xFFFFF000  }
0x63: {  	[tilespmem:s20], [sflag:$0x1] =	stream.indirect.gather [hbm4b:s4+s19], $0x40, s17, s19, $0xb8;
	[tilespmem:$0x19000] =	vst v63  }
0x64: {  	_ =	swait.ge [sflag:s13], $0x1000  }
0x65: {  	[sflag:s13] =	ssyncset.done $0x0  }
0x66: {  	s18 =	simm.s32 $0x240;
	[sflag:s13] =	ssyncadd.s32 $0xFFFFF000  }
0x67: {  	[tilespmem:s21], [sflag:$0x2] =	stream.indirect.gather [hbm4b:s4+s19], $0x40, s18, s19, $0xb8;
	[tilespmem:$0x19000] =	vst v63  }
0x68: {  	_ =	swait.ge [sflag:s14], $0x1000  }
0x69: {  	[sflag:s14] =	ssyncset.done $0x0  }
0x6a: {  	s6 =	simm.s32 $0x280;
	[sflag:s14] =	ssyncadd.s32 $0xFFFFF000  }
0x6b: {  	[tilespmem:s23], [sflag:$0x3] =	stream.indirect.gather [hbm4b:s4+s19], $0x40, s6, s19, $0xb8;
	[tilespmem:$0x19000] =	vst v63  }
0x6c: {  	_ =	swait.ge [sflag:s26], $0x1000  }
0x6d: {  	[sflag:s26] =	ssyncset.done $0x0  }
0x6e: {  	s17 =	simm.s32 $0x2C0;
	[sflag:s26] =	ssyncadd.s32 $0xFFFFF000  }
0x6f: {  	[tilespmem:s25], [sflag:$0x4] =	stream.indirect.gather [hbm4b:s4+s19], $0x40, s17, s19, $0xb8;
	[tilespmem:$0x19000] =	vst v63  }
0x70: {  	_ =	swait.ge [sflag:s15], $0x1000  }
0x71: {  	[sflag:s15] =	ssyncset.done $0x0  }
0x72: {  	s18 =	simm.s32 $0x2900;
	[sflag:s15] =	ssyncadd.s32 $0xFFFFF000  }
0x73: {  	[spmem:s2] =	stream.indirect.scatter.add.f32 [tilespmem:s28], [sflag:$0xD], $0x40, s18, s19, $0xb8;
	[tilespmem:$0x19000] =	vst v63  }
0x74: {  	_ =	swait.ge [sflag:s29], $0x1000  }
0x75: {  	[sflag:s29] =	ssyncset.done $0x0  }
0x76: {  	s6 =	simm.s32 $0x2940;
	[sflag:s29] =	ssyncadd.s32 $0xFFFFF000  }
0x77: {  	[spmem:s2] =	stream.indirect.scatter.add.f32 [tilespmem:s30], [sflag:$0xE], $0x40, s6, s19, $0xb8;
	[tilespmem:$0x19000] =	vst v63  }
0x78: {  	_ =	swait.ge [sflag:s31], $0x1000  }
0x79: {  	[sflag:s31] =	ssyncset.done $0x0  }
0x7a: {  	s17 =	simm.s32 $0x2980;
	[sflag:s31] =	ssyncadd.s32 $0xFFFFF000  }
0x7b: {  	[spmem:s2] =	stream.indirect.scatter.add.f32 [tilespmem:s1], [sflag:$0xF], $0x40, s17, s19, $0xb8;
	[tilespmem:$0x19000] =	vst v63  }
0x7c: {  	_ =	swait.ge [sflag:s16], $0x1000  }
0x7d: {  	[sflag:s16] =	ssyncset.done $0x0  }
0x7e: {  	s18 =	simm.s32 $0x29C0;
	[sflag:s16] =	ssyncadd.s32 $0xFFFFF000  }
0x7f: {  	[spmem:s2] =	stream.indirect.scatter.add.f32 [tilespmem:s0], [sflag:$0x10], $0x40, s18, s19, $0xb8;
	[tilespmem:$0x19000] =	vst v63  }
0x80: {  	_ =	swait.ge [sflag:s8], $0x1000  }
0x81: {  	[sflag:s8] =	ssyncset.done $0x0  }
0x82: {  	s6 =	simm.s32 $0x300;
	[sflag:s8] =	ssyncadd.s32 $0xFFFFF000  }
0x83: {  	[tilespmem:s28], [sflag:$0x5] =	stream.indirect.gather [hbm4b:s4+s19], $0x40, s6, s19, $0xb8;
	[tilespmem:$0x19000] =	vst v63  }
0x84: {  	_ =	swait.ge [sflag:s9], $0x1000  }
0x85: {  	[sflag:s9] =	ssyncset.done $0x0  }
0x86: {  	s17 =	simm.s32 $0x340;
	[sflag:s9] =	ssyncadd.s32 $0xFFFFF000  }
0x87: {  	[tilespmem:s30], [sflag:$0x6] =	stream.indirect.gather [hbm4b:s4+s19], $0x40, s17, s19, $0xb8;
	[tilespmem:$0x19000] =	vst v63  }
0x88: {  	_ =	swait.ge [sflag:s10], $0x1000  }
0x89: {  	[sflag:s10] =	ssyncset.done $0x0  }
0x8a: {  	s18 =	simm.s32 $0x380;
	[sflag:s10] =	ssyncadd.s32 $0xFFFFF000  }
0x8b: {  	[tilespmem:s1], [sflag:$0x7] =	stream.indirect.gather [hbm4b:s4+s19], $0x40, s18, s19, $0xb8;
	[tilespmem:$0x19000] =	vst v63  }
0x8c: {  	_ =	swait.ge [sflag:s11], $0x1000  }
0x8d: {  	[sflag:s11] =	ssyncset.done $0x0  }
0x8e: {  	s6 =	simm.s32 $0x800;
	s18 =	simm.s32 $0x3C0;
	[sflag:s11] =	ssyncadd.s32 $0xFFFFF000  }
.LBB2_4:
0x8f: {  	[tilespmem:s0], [sflag:$0x8] =	stream.indirect.gather [hbm4b:s4+s19], $0x40, s18, s19, $0xb8;
	[tilespmem:$0x19000] =	vst v63  }
0x90: {  	s3 =	smov.u32 s6  }
0x91: {  	p0 =	sne.s32 s6, $0x9000;
	s6 =	sadd.s32 $0x800, s6;
	_ =	swait.ge [sflag:s5], $0x1000  }
0x92: {  	s18 =	sshra.s32 s3, $0x2;
	[sflag:s5] =	ssyncset.done $0x0  }
0x93: {  	s3 =	sadd.s32 $0x2800, s18;
	[sflag:s5] =	ssyncadd.s32 $0xFFFFF000  }
0x94: {  	[spmem:s2] =	stream.indirect.scatter.add.f32 [tilespmem:s20], [sflag:$0x9], $0x40, s3, s19, $0xb8;
	[tilespmem:$0x19000] =	vst v63  }
0x95: {  	_ =	swait.ge [sflag:s7], $0x1000  }
0x96: {  	[sflag:s7] =	ssyncset.done $0x0  }
0x97: {  	s3 =	sadd.s32 $0x2840, s18;
	[sflag:s7] =	ssyncadd.s32 $0xFFFFF000  }
0x98: {  	[spmem:s2] =	stream.indirect.scatter.add.f32 [tilespmem:s21], [sflag:$0xA], $0x40, s3, s19, $0xb8;
	[tilespmem:$0x19000] =	vst v63  }
0x99: {  	_ =	swait.ge [sflag:s22], $0x1000  }
0x9a: {  	[sflag:s22] =	ssyncset.done $0x0  }
0x9b: {  	s3 =	sadd.s32 $0x2880, s18;
	[sflag:s22] =	ssyncadd.s32 $0xFFFFF000  }
0x9c: {  	[spmem:s2] =	stream.indirect.scatter.add.f32 [tilespmem:s23], [sflag:$0xB], $0x40, s3, s19, $0xb8;
	[tilespmem:$0x19000] =	vst v63  }
0x9d: {  	_ =	swait.ge [sflag:s12], $0x1000  }
0x9e: {  	[sflag:s12] =	ssyncset.done $0x0  }
0x9f: {  	s3 =	sadd.s32 $0x28C0, s18;
	[sflag:s12] =	ssyncadd.s32 $0xFFFFF000  }
0xa0: {  	[spmem:s2] =	stream.indirect.scatter.add.f32 [tilespmem:s25], [sflag:$0xC], $0x40, s3, s19, $0xb8;
	[tilespmem:$0x19000] =	vst v63  }
0xa1: {  	_ =	swait.ge [sflag:s24], $0x1000  }
0xa2: {  	[sflag:s24] =	ssyncset.done $0x0  }
0xa3: {  	s3 =	sadd.s32 $0x200, s18;
	[sflag:s24] =	ssyncadd.s32 $0xFFFFF000  }
0xa4: {  	[tilespmem:s20], [sflag:$0x1] =	stream.indirect.gather [hbm4b:s4+s19], $0x40, s3, s19, $0xb8;
	[tilespmem:$0x19000] =	vst v63  }
0xa5: {  	_ =	swait.ge [sflag:s13], $0x1000  }
0xa6: {  	[sflag:s13] =	ssyncset.done $0x0  }
0xa7: {  	s3 =	sadd.s32 $0x240, s18;
	[sflag:s13] =	ssyncadd.s32 $0xFFFFF000  }
0xa8: {  	[tilespmem:s21], [sflag:$0x2] =	stream.indirect.gather [hbm4b:s4+s19], $0x40, s3, s19, $0xb8;
	[tilespmem:$0x19000] =	vst v63  }
0xa9: {  	_ =	swait.ge [sflag:s14], $0x1000  }
0xaa: {  	[sflag:s14] =	ssyncset.done $0x0  }
0xab: {  	s3 =	sadd.s32 $0x280, s18;
	[sflag:s14] =	ssyncadd.s32 $0xFFFFF000  }
0xac: {  	[tilespmem:s23], [sflag:$0x3] =	stream.indirect.gather [hbm4b:s4+s19], $0x40, s3, s19, $0xb8;
	[tilespmem:$0x19000] =	vst v63  }
0xad: {  	_ =	swait.ge [sflag:s26], $0x1000  }
0xae: {  	[sflag:s26] =	ssyncset.done $0x0  }
0xaf: {  	s3 =	sadd.s32 $0x2C0, s18;
	[sflag:s26] =	ssyncadd.s32 $0xFFFFF000  }
0xb0: {  	[tilespmem:s25], [sflag:$0x4] =	stream.indirect.gather [hbm4b:s4+s19], $0x40, s3, s19, $0xb8;
	[tilespmem:$0x19000] =	vst v63  }
0xb1: {  	_ =	swait.ge [sflag:s15], $0x1000  }
0xb2: {  	[sflag:s15] =	ssyncset.done $0x0  }
0xb3: {  	s3 =	sadd.s32 $0x2900, s18;
	[sflag:s15] =	ssyncadd.s32 $0xFFFFF000  }
0xb4: {  	[spmem:s2] =	stream.indirect.scatter.add.f32 [tilespmem:s28], [sflag:$0xD], $0x40, s3, s19, $0xb8;
	[tilespmem:$0x19000] =	vst v63  }
0xb5: {  	_ =	swait.ge [sflag:s29], $0x1000  }
0xb6: {  	[sflag:s29] =	ssyncset.done $0x0  }
0xb7: {  	s3 =	sadd.s32 $0x2940, s18;
	[sflag:s29] =	ssyncadd.s32 $0xFFFFF000  }
0xb8: {  	[spmem:s2] =	stream.indirect.scatter.add.f32 [tilespmem:s30], [sflag:$0xE], $0x40, s3, s19, $0xb8;
	[tilespmem:$0x19000] =	vst v63  }
0xb9: {  	_ =	swait.ge [sflag:s31], $0x1000  }
0xba: {  	[sflag:s31] =	ssyncset.done $0x0  }
0xbb: {  	s3 =	sadd.s32 $0x2980, s18;
	[sflag:s31] =	ssyncadd.s32 $0xFFFFF000  }
0xbc: {  	[spmem:s2] =	stream.indirect.scatter.add.f32 [tilespmem:s1], [sflag:$0xF], $0x40, s3, s19, $0xb8;
	[tilespmem:$0x19000] =	vst v63  }
0xbd: {  	_ =	swait.ge [sflag:s16], $0x1000  }
0xbe: {  	[sflag:s16] =	ssyncset.done $0x0  }
0xbf: {  	s3 =	sadd.s32 $0x29C0, s18;
	[sflag:s16] =	ssyncadd.s32 $0xFFFFF000  }
0xc0: {  	[spmem:s2] =	stream.indirect.scatter.add.f32 [tilespmem:s0], [sflag:$0x10], $0x40, s3, s19, $0xb8;
	[tilespmem:$0x19000] =	vst v63  }
0xc1: {  	_ =	swait.ge [sflag:s8], $0x1000  }
0xc2: {  	[sflag:s8] =	ssyncset.done $0x0  }
0xc3: {  	s3 =	sadd.s32 $0x300, s18;
	[sflag:s8] =	ssyncadd.s32 $0xFFFFF000  }
0xc4: {  	[tilespmem:s28], [sflag:$0x5] =	stream.indirect.gather [hbm4b:s4+s19], $0x40, s3, s19, $0xb8;
	[tilespmem:$0x19000] =	vst v63  }
0xc5: {  	_ =	swait.ge [sflag:s9], $0x1000  }
0xc6: {  	[sflag:s9] =	ssyncset.done $0x0  }
0xc7: {  	s3 =	sadd.s32 $0x340, s18;
	[sflag:s9] =	ssyncadd.s32 $0xFFFFF000  }
0xc8: {  	[tilespmem:s30], [sflag:$0x6] =	stream.indirect.gather [hbm4b:s4+s19], $0x40, s3, s19, $0xb8;
	[tilespmem:$0x19000] =	vst v63  }
0xc9: {  	_ =	swait.ge [sflag:s10], $0x1000  }
0xca: {  	[sflag:s10] =	ssyncset.done $0x0  }
.Ltmp1:
0xcb: {  	s3 =	sadd.s32 $0x380, s18;
	[sflag:s10] =	ssyncadd.s32 $0xFFFFF000;
	(pc) =	sbr.rel @p0 .LBB2_4-.Ltmp1, $4  }
0xcc: {  	[tilespmem:s1], [sflag:$0x7] =	stream.indirect.gather [hbm4b:s4+s19], $0x40, s3, s19, $0xb8;
	[tilespmem:$0x19000] =	vst v63  }
0xcd: {  	_ =	swait.ge [sflag:s11], $0x1000  }
0xce: {  	[sflag:s11] =	ssyncset.done $0x0  }
0xcf: {  	s18 =	sadd.s32 $0x3C0, s18;
	[sflag:s11] =	ssyncadd.s32 $0xFFFFF000  }
0xd0: {  	[tilespmem:s0], [sflag:$0x8] =	stream.indirect.gather [hbm4b:s4+s19], $0x40, s18, s19, $0xb8;
	[tilespmem:$0x19000] =	vst v63  }
0xd1: {  	_ =	swait.ge [sflag:s5], $0x1000  }
0xd2: {  	[sflag:s5] =	ssyncset.done $0x0  }
0xd3: {  	s3 =	simm.s32 $0x4E00;
	[sflag:s5] =	ssyncadd.s32 $0xFFFFF000  }
0xd4: {  	[spmem:s2] =	stream.indirect.scatter.add.f32 [tilespmem:s20], [sflag:$0x9], $0x40, s3, s19, $0xb8;
	[tilespmem:$0x19000] =	vst v63  }
0xd5: {  	_ =	swait.ge [sflag:s7], $0x1000  }
0xd6: {  	[sflag:s7] =	ssyncset.done $0x0  }
0xd7: {  	s6 =	simm.s32 $0x4E40;
	[sflag:s7] =	ssyncadd.s32 $0xFFFFF000  }
0xd8: {  	[spmem:s2] =	stream.indirect.scatter.add.f32 [tilespmem:s21], [sflag:$0xA], $0x40, s6, s19, $0xb8;
	[tilespmem:$0x19000] =	vst v63  }
0xd9: {  	_ =	swait.ge [sflag:s22], $0x1000  }
0xda: {  	[sflag:s22] =	ssyncset.done $0x0  }
0xdb: {  	s17 =	simm.s32 $0x4E80;
	[sflag:s22] =	ssyncadd.s32 $0xFFFFF000  }
0xdc: {  	[spmem:s2] =	stream.indirect.scatter.add.f32 [tilespmem:s23], [sflag:$0xB], $0x40, s17, s19, $0xb8;
	[tilespmem:$0x19000] =	vst v63  }
0xdd: {  	_ =	swait.ge [sflag:s12], $0x1000  }
0xde: {  	[sflag:s12] =	ssyncset.done $0x0  }
0xdf: {  	s18 =	simm.s32 $0x4EC0;
	[sflag:s12] =	ssyncadd.s32 $0xFFFFF000  }
0xe0: {  	[spmem:s2] =	stream.indirect.scatter.add.f32 [tilespmem:s25], [sflag:$0xC], $0x40, s18, s19, $0xb8;
	[tilespmem:$0x19000] =	vst v63  }
0xe1: {  	_ =	swait.ge [sflag:s15], $0x1000  }
0xe2: {  	[sflag:s15] =	ssyncset.done $0x0  }
0xe3: {  	s6 =	simm.s32 $0x4F00;
	[sflag:s15] =	ssyncadd.s32 $0xFFFFF000  }
0xe4: {  	[spmem:s2] =	stream.indirect.scatter.add.f32 [tilespmem:s28], [sflag:$0xD], $0x40, s6, s19, $0xb8;
	[tilespmem:$0x19000] =	vst v63  }
0xe5: {  	_ =	swait.ge [sflag:s29], $0x1000  }
0xe6: {  	[sflag:s29] =	ssyncset.done $0x0  }
0xe7: {  	s17 =	simm.s32 $0x4F40;
	[sflag:s29] =	ssyncadd.s32 $0xFFFFF000  }
0xe8: {  	[spmem:s2] =	stream.indirect.scatter.add.f32 [tilespmem:s30], [sflag:$0xE], $0x40, s17, s19, $0xb8;
	[tilespmem:$0x19000] =	vst v63  }
0xe9: {  	_ =	swait.ge [sflag:s31], $0x1000  }
0xea: {  	[sflag:s31] =	ssyncset.done $0x0  }
0xeb: {  	s18 =	simm.s32 $0x4F80;
	[sflag:s31] =	ssyncadd.s32 $0xFFFFF000  }
0xec: {  	[spmem:s2] =	stream.indirect.scatter.add.f32 [tilespmem:s1], [sflag:$0xF], $0x40, s18, s19, $0xb8;
	[tilespmem:$0x19000] =	vst v63  }
0xed: {  	_ =	swait.ge [sflag:s16], $0x1000  }
0xee: {  	[sflag:s16] =	ssyncset.done $0x0  }
0xef: {  	s6 =	simm.s32 $0x4FC0;
	[sflag:s16] =	ssyncadd.s32 $0xFFFFF000  }
0xf0: {  	[spmem:s2] =	stream.indirect.scatter.add.f32 [tilespmem:s0], [sflag:$0x10], $0x40, s6, s19, $0xb8;
	[tilespmem:$0x19000] =	vst v63  }
0xf1: {  	_ =	swait.ge [sflag:s24], $0x1000  }
0xf2: {  	[sflag:s24] =	ssyncset.done $0x0  }
0xf3: {  	[sflag:s24] =	ssyncadd.s32 $0xFFFFF000  }
0xf4: {  	_ =	swait.ge [sflag:s13], $0x1000  }
0xf5: {  	[sflag:s13] =	ssyncset.done $0x0  }
0xf6: {  	[sflag:s13] =	ssyncadd.s32 $0xFFFFF000  }
0xf7: {  	_ =	swait.ge [sflag:s14], $0x1000  }
0xf8: {  	[sflag:s14] =	ssyncset.done $0x0  }
0xf9: {  	[sflag:s14] =	ssyncadd.s32 $0xFFFFF000  }
0xfa: {  	_ =	swait.ge [sflag:s26], $0x1000  }
0xfb: {  	[sflag:s26] =	ssyncset.done $0x0  }
0xfc: {  	[sflag:s26] =	ssyncadd.s32 $0xFFFFF000  }
0xfd: {  	_ =	swait.ge [sflag:s8], $0x1000  }
0xfe: {  	[sflag:s8] =	ssyncset.done $0x0  }
0xff: {  	[sflag:s8] =	ssyncadd.s32 $0xFFFFF000  }
0x100: {  	_ =	swait.ge [sflag:s9], $0x1000  }
0x101: {  	[sflag:s9] =	ssyncset.done $0x0  }
0x102: {  	[sflag:s9] =	ssyncadd.s32 $0xFFFFF000  }
0x103: {  	_ =	swait.ge [sflag:s10], $0x1000  }
0x104: {  	[sflag:s10] =	ssyncset.done $0x0  }
0x105: {  	[sflag:s10] =	ssyncadd.s32 $0xFFFFF000  }
0x106: {  	_ =	swait.ge [sflag:s11], $0x1000  }
0x107: {  	[sflag:s11] =	ssyncset.done $0x0  }
0x108: {  	[sflag:s11] =	ssyncadd.s32 $0xFFFFF000  }
0x109: {  	s17 =	stileid.u32;
	[bflag:$0x0] =	sbarrier.arrive $0xFFFF  }
0x10a: {  	s3 =	sshll.u32 s17, $0x6;
	s6 =	rddreg [dreg:$0x5]  }
0x10b: {  	s18 =	sor.u32 $0x1C11, s3;
	s3 =	rddreg [dreg:$0xb]  }
0x10c: {  	[dreg:$0xf] =	wrdreg s18;
	s17 =	sshrl.u32 s6, $0x3  }
0x10d: {  	[dreg:$0x10] =	wrdreg s17  }
0x10e: {  	[hbm:s3@s11], [sflag:s18] =	dma.strided [spmem:s17@s16], $0x1400, s5, $0x8   }
0x10f: {  	s17 =	simm.s32 $0x11  }
0x110: {  	_ =	swait.ge [sflag:s17], $0x1400  }
0x111: {  	[sflag:s17] =	ssyncset.done $0x0  }
0x112: {  	s3 =	simm.s32 $0x0;
	s18 =	rddreg [dreg:$0xc];
	[sflag:s17] =	ssyncadd.s32 $0xFFFFEC00  }
0x113: {  	[tilespmem:s3], [sflag:$0x11] =	stream.linear.gather [hbm4b:s18+s3], $0x2800, $0x38;
	[tilespmem:$0x19000] =	vst v63  }
0x114: {  	_ =	swait.ge [sflag:s17], $0x2800  }
0x115: {  	[sflag:s17] =	ssyncset.done $0x0  }
0x116: {  	s18 =	simm.s32 $0xD000;
	[sflag:s17] =	ssyncadd.s32 $0xFFFFD800  }
0x117: {  	[spmem:s6] =	stream.linear.scatter [tilespmem:s18], [sflag:$0x11], $0x2000, $0x38;
	[tilespmem:$0x19000] =	vst v63  }
0x118: {  	_ =	swait.ge [sflag:s17], $0x2000  }
0x119: {  	[sflag:s17] =	ssyncset.done $0x0  }
0x11a: {  	s6 =	rddreg [dreg:$0x7];
	[sflag:s17] =	ssyncadd.s32 $0xFFFFE000  }
0x11b: {  	[spmem:s6] =	stream.linear.scatter [tilespmem:s18], [sflag:$0x11], $0x2000, $0x38;
	[tilespmem:$0x19000] =	vst v63  }
0x11c: {  	_ =	swait.ge [sflag:s17], $0x2000  }
0x11d: {  	[sflag:s17] =	ssyncset.done $0x0  }
0x11e: {  	s6 =	rddreg [dreg:$0x8];
	[sflag:s17] =	ssyncadd.s32 $0xFFFFE000  }
0x11f: {  	[spmem:s6] =	stream.linear.scatter [tilespmem:s18], [sflag:$0x11], $0x2000, $0x38;
	[tilespmem:$0x19000] =	vst v63  }
0x120: {  	_ =	swait.ge [sflag:s17], $0x2000  }
0x121: {  	[sflag:s17] =	ssyncset.done $0x0  }
0x122: {  	s6 =	rddreg [dreg:$0x9];
	[sflag:s17] =	ssyncadd.s32 $0xFFFFE000  }
0x123: {  	[spmem:s6] =	stream.linear.scatter [tilespmem:s18], [sflag:$0x11], $0x2000, $0x38;
	[tilespmem:$0x19000] =	vst v63  }
0x124: {  	_ =	swait.ge [sflag:s17], $0x2000  }
0x125: {  	[sflag:s17] =	ssyncset.done $0x0  }
0x126: {  	s6 =	rddreg [dreg:$0xa];
	[sflag:s17] =	ssyncadd.s32 $0xFFFFE000  }
0x127: {  	[spmem:s6] =	stream.linear.scatter [tilespmem:s18], [sflag:$0x11], $0x2000, $0x38;
	[tilespmem:$0x19000] =	vst v63  }
0x128: {  	_ =	swait.ge [sflag:s17], $0x2000  }
0x129: {  	[sflag:s17] =	ssyncset.done $0x0  }
0x12a: {  	[sflag:s17] =	ssyncadd.s32 $0xFFFFE000  }
0x12b: {  	[bflag:$0x0] =	sbarrier.arrive $0xFFFF  }
0x12c: {  	[tilespmem:s20], [sflag:$0x1] =	stream.indirect.gather [hbm4b:s4+s19], $0x40, s3, s19, $0xb8;
	[tilespmem:$0x19000] =	vst v63  }
0x12d: {  	_ = 	snop  }
0x12e: {  	[tilespmem:s21], [sflag:$0x2] =	stream.indirect.gather [hbm4b:s4+s19], $0x40, s19, s19, $0xb8;
	[tilespmem:$0x19000] =	vst v63  }
0x12f: {  	s18 =	simm.s32 $0x80  }
0x130: {  	[tilespmem:s23], [sflag:$0x3] =	stream.indirect.gather [hbm4b:s4+s19], $0x40, s18, s19, $0xb8;
	[tilespmem:$0x19000] =	vst v63  }
0x131: {  	s6 =	simm.s32 $0xC0  }
0x132: {  	[tilespmem:s25], [sflag:$0x4] =	stream.indirect.gather [hbm4b:s4+s19], $0x40, s6, s19, $0xb8;
	[tilespmem:$0x19000] =	vst v63  }
0x133: {  	s18 =	simm.s32 $0x100  }
0x134: {  	[tilespmem:s28], [sflag:$0x5] =	stream.indirect.gather [hbm4b:s4+s19], $0x40, s18, s19, $0xb8;
	[tilespmem:$0x19000] =	vst v63  }
0x135: {  	s6 =	simm.s32 $0x140  }
0x136: {  	[tilespmem:s30], [sflag:$0x6] =	stream.indirect.gather [hbm4b:s4+s19], $0x40, s6, s19, $0xb8;
	[tilespmem:$0x19000] =	vst v63  }
0x137: {  	s18 =	simm.s32 $0x180  }
0x138: {  	[tilespmem:s1], [sflag:$0x7] =	stream.indirect.gather [hbm4b:s4+s19], $0x40, s18, s19, $0xb8;
	[tilespmem:$0x19000] =	vst v63  }
0x139: {  	s6 =	simm.s32 $0x1C0  }
0x13a: {  	[tilespmem:s0], [sflag:$0x8] =	stream.indirect.gather [hbm4b:s4+s19], $0x40, s6, s19, $0xb8;
	[tilespmem:$0x19000] =	vst v63  }
0x13b: {  	_ =	swait.ge [sflag:s5], $0x1000  }
0x13c: {  	[sflag:s5] =	ssyncset.done $0x0  }
0x13d: {  	s18 =	simm.s32 $0x2800;
	[sflag:s5] =	ssyncadd.s32 $0xFFFFF000  }
0x13e: {  	[spmem:s2] =	stream.indirect.scatter.add.f32 [tilespmem:s20], [sflag:$0x9], $0x40, s18, s19, $0xb8;
	[tilespmem:$0x19000] =	vst v63  }
0x13f: {  	_ =	swait.ge [sflag:s7], $0x1000  }
0x140: {  	[sflag:s7] =	ssyncset.done $0x0  }
0x141: {  	s6 =	simm.s32 $0x2840;
	[sflag:s7] =	ssyncadd.s32 $0xFFFFF000  }
0x142: {  	[spmem:s2] =	stream.indirect.scatter.add.f32 [tilespmem:s21], [sflag:$0xA], $0x40, s6, s19, $0xb8;
	[tilespmem:$0x19000] =	vst v63  }
0x143: {  	_ =	swait.ge [sflag:s22], $0x1000  }
0x144: {  	[sflag:s22] =	ssyncset.done $0x0  }
0x145: {  	s18 =	simm.s32 $0x2880;
	[sflag:s22] =	ssyncadd.s32 $0xFFFFF000  }
0x146: {  	[spmem:s2] =	stream.indirect.scatter.add.f32 [tilespmem:s23], [sflag:$0xB], $0x40, s18, s19, $0xb8;
	[tilespmem:$0x19000] =	vst v63  }
0x147: {  	_ =	swait.ge [sflag:s12], $0x1000  }
0x148: {  	[sflag:s12] =	ssyncset.done $0x0  }
0x149: {  	s6 =	simm.s32 $0x28C0;
	[sflag:s12] =	ssyncadd.s32 $0xFFFFF000  }
0x14a: {  	[spmem:s2] =	stream.indirect.scatter.add.f32 [tilespmem:s25], [sflag:$0xC], $0x40, s6, s19, $0xb8;
	[tilespmem:$0x19000] =	vst v63  }
0x14b: {  	_ =	swait.ge [sflag:s24], $0x1000  }
0x14c: {  	[sflag:s24] =	ssyncset.done $0x0  }
0x14d: {  	s18 =	simm.s32 $0x200;
	[sflag:s24] =	ssyncadd.s32 $0xFFFFF000  }
0x14e: {  	[tilespmem:s20], [sflag:$0x1] =	stream.indirect.gather [hbm4b:s4+s19], $0x40, s18, s19, $0xb8;
	[tilespmem:$0x19000] =	vst v63  }
0x14f: {  	_ =	swait.ge [sflag:s13], $0x1000  }
0x150: {  	[sflag:s13] =	ssyncset.done $0x0  }
0x151: {  	s6 =	simm.s32 $0x240;
	[sflag:s13] =	ssyncadd.s32 $0xFFFFF000  }
0x152: {  	[tilespmem:s21], [sflag:$0x2] =	stream.indirect.gather [hbm4b:s4+s19], $0x40, s6, s19, $0xb8;
	[tilespmem:$0x19000] =	vst v63  }
0x153: {  	_ =	swait.ge [sflag:s14], $0x1000  }
0x154: {  	[sflag:s14] =	ssyncset.done $0x0  }
0x155: {  	s18 =	simm.s32 $0x280;
	[sflag:s14] =	ssyncadd.s32 $0xFFFFF000  }
0x156: {  	[tilespmem:s23], [sflag:$0x3] =	stream.indirect.gather [hbm4b:s4+s19], $0x40, s18, s19, $0xb8;
	[tilespmem:$0x19000] =	vst v63  }
0x157: {  	_ =	swait.ge [sflag:s26], $0x1000  }
0x158: {  	[sflag:s26] =	ssyncset.done $0x0  }
0x159: {  	s6 =	simm.s32 $0x2C0;
	[sflag:s26] =	ssyncadd.s32 $0xFFFFF000  }
0x15a: {  	[tilespmem:s25], [sflag:$0x4] =	stream.indirect.gather [hbm4b:s4+s19], $0x40, s6, s19, $0xb8;
	[tilespmem:$0x19000] =	vst v63  }
0x15b: {  	_ =	swait.ge [sflag:s15], $0x1000  }
0x15c: {  	[sflag:s15] =	ssyncset.done $0x0  }
0x15d: {  	s18 =	simm.s32 $0x2900;
	[sflag:s15] =	ssyncadd.s32 $0xFFFFF000  }
0x15e: {  	[spmem:s2] =	stream.indirect.scatter.add.f32 [tilespmem:s28], [sflag:$0xD], $0x40, s18, s19, $0xb8;
	[tilespmem:$0x19000] =	vst v63  }
0x15f: {  	_ =	swait.ge [sflag:s29], $0x1000  }
0x160: {  	[sflag:s29] =	ssyncset.done $0x0  }
0x161: {  	s6 =	simm.s32 $0x2940;
	[sflag:s29] =	ssyncadd.s32 $0xFFFFF000  }
0x162: {  	[spmem:s2] =	stream.indirect.scatter.add.f32 [tilespmem:s30], [sflag:$0xE], $0x40, s6, s19, $0xb8;
	[tilespmem:$0x19000] =	vst v63  }
0x163: {  	_ =	swait.ge [sflag:s31], $0x1000  }
0x164: {  	[sflag:s31] =	ssyncset.done $0x0  }
0x165: {  	s18 =	simm.s32 $0x2980;
	[sflag:s31] =	ssyncadd.s32 $0xFFFFF000  }
0x166: {  	[spmem:s2] =	stream.indirect.scatter.add.f32 [tilespmem:s1], [sflag:$0xF], $0x40, s18, s19, $0xb8;
	[tilespmem:$0x19000] =	vst v63  }
0x167: {  	_ =	swait.ge [sflag:s16], $0x1000  }
0x168: {  	[sflag:s16] =	ssyncset.done $0x0  }
0x169: {  	s6 =	simm.s32 $0x29C0;
	[sflag:s16] =	ssyncadd.s32 $0xFFFFF000  }
0x16a: {  	[spmem:s2] =	stream.indirect.scatter.add.f32 [tilespmem:s0], [sflag:$0x10], $0x40, s6, s19, $0xb8;
	[tilespmem:$0x19000] =	vst v63  }
0x16b: {  	_ =	swait.ge [sflag:s8], $0x1000  }
0x16c: {  	[sflag:s8] =	ssyncset.done $0x0  }
0x16d: {  	s18 =	simm.s32 $0x300;
	[sflag:s8] =	ssyncadd.s32 $0xFFFFF000  }
0x16e: {  	[tilespmem:s28], [sflag:$0x5] =	stream.indirect.gather [hbm4b:s4+s19], $0x40, s18, s19, $0xb8;
	[tilespmem:$0x19000] =	vst v63  }
0x16f: {  	_ =	swait.ge [sflag:s9], $0x1000  }
0x170: {  	[sflag:s9] =	ssyncset.done $0x0  }
0x171: {  	s6 =	simm.s32 $0x340;
	[sflag:s9] =	ssyncadd.s32 $0xFFFFF000  }
0x172: {  	[tilespmem:s30], [sflag:$0x6] =	stream.indirect.gather [hbm4b:s4+s19], $0x40, s6, s19, $0xb8;
	[tilespmem:$0x19000] =	vst v63  }
0x173: {  	_ =	swait.ge [sflag:s10], $0x1000  }
0x174: {  	[sflag:s10] =	ssyncset.done $0x0  }
0x175: {  	s18 =	simm.s32 $0x380;
	[sflag:s10] =	ssyncadd.s32 $0xFFFFF000  }
0x176: {  	[tilespmem:s1], [sflag:$0x7] =	stream.indirect.gather [hbm4b:s4+s19], $0x40, s18, s19, $0xb8;
	[tilespmem:$0x19000] =	vst v63  }
0x177: {  	_ =	swait.ge [sflag:s11], $0x1000  }
0x178: {  	[sflag:s11] =	ssyncset.done $0x0  }
0x179: {  	s6 =	simm.s32 $0x800;
	s18 =	simm.s32 $0x3C0;
	[sflag:s11] =	ssyncadd.s32 $0xFFFFF000  }
.LBB2_6:
0x17a: {  	[tilespmem:s0], [sflag:$0x8] =	stream.indirect.gather [hbm4b:s4+s19], $0x40, s18, s19, $0xb8;
	[tilespmem:$0x19000] =	vst v63  }
0x17b: {  	s3 =	smov.u32 s6  }
0x17c: {  	p0 =	sne.s32 s6, $0x9000;
	s6 =	sadd.s32 $0x800, s6;
	_ =	swait.ge [sflag:s5], $0x1000  }
0x17d: {  	s18 =	sshra.s32 s3, $0x2;
	[sflag:s5] =	ssyncset.done $0x0  }
0x17e: {  	s3 =	sadd.s32 $0x2800, s18;
	[sflag:s5] =	ssyncadd.s32 $0xFFFFF000  }
0x17f: {  	[spmem:s2] =	stream.indirect.scatter.add.f32 [tilespmem:s20], [sflag:$0x9], $0x40, s3, s19, $0xb8;
	[tilespmem:$0x19000] =	vst v63  }
0x180: {  	_ =	swait.ge [sflag:s7], $0x1000  }
0x181: {  	[sflag:s7] =	ssyncset.done $0x0  }
0x182: {  	s3 =	sadd.s32 $0x2840, s18;
	[sflag:s7] =	ssyncadd.s32 $0xFFFFF000  }
0x183: {  	[spmem:s2] =	stream.indirect.scatter.add.f32 [tilespmem:s21], [sflag:$0xA], $0x40, s3, s19, $0xb8;
	[tilespmem:$0x19000] =	vst v63  }
0x184: {  	_ =	swait.ge [sflag:s22], $0x1000  }
0x185: {  	[sflag:s22] =	ssyncset.done $0x0  }
0x186: {  	s3 =	sadd.s32 $0x2880, s18;
	[sflag:s22] =	ssyncadd.s32 $0xFFFFF000  }
0x187: {  	[spmem:s2] =	stream.indirect.scatter.add.f32 [tilespmem:s23], [sflag:$0xB], $0x40, s3, s19, $0xb8;
	[tilespmem:$0x19000] =	vst v63  }
0x188: {  	_ =	swait.ge [sflag:s12], $0x1000  }
0x189: {  	[sflag:s12] =	ssyncset.done $0x0  }
0x18a: {  	s3 =	sadd.s32 $0x28C0, s18;
	[sflag:s12] =	ssyncadd.s32 $0xFFFFF000  }
0x18b: {  	[spmem:s2] =	stream.indirect.scatter.add.f32 [tilespmem:s25], [sflag:$0xC], $0x40, s3, s19, $0xb8;
	[tilespmem:$0x19000] =	vst v63  }
0x18c: {  	_ =	swait.ge [sflag:s24], $0x1000  }
0x18d: {  	[sflag:s24] =	ssyncset.done $0x0  }
0x18e: {  	s3 =	sadd.s32 $0x200, s18;
	[sflag:s24] =	ssyncadd.s32 $0xFFFFF000  }
0x18f: {  	[tilespmem:s20], [sflag:$0x1] =	stream.indirect.gather [hbm4b:s4+s19], $0x40, s3, s19, $0xb8;
	[tilespmem:$0x19000] =	vst v63  }
0x190: {  	_ =	swait.ge [sflag:s13], $0x1000  }
0x191: {  	[sflag:s13] =	ssyncset.done $0x0  }
0x192: {  	s3 =	sadd.s32 $0x240, s18;
	[sflag:s13] =	ssyncadd.s32 $0xFFFFF000  }
0x193: {  	[tilespmem:s21], [sflag:$0x2] =	stream.indirect.gather [hbm4b:s4+s19], $0x40, s3, s19, $0xb8;
	[tilespmem:$0x19000] =	vst v63  }
0x194: {  	_ =	swait.ge [sflag:s14], $0x1000  }
0x195: {  	[sflag:s14] =	ssyncset.done $0x0  }
0x196: {  	s3 =	sadd.s32 $0x280, s18;
	[sflag:s14] =	ssyncadd.s32 $0xFFFFF000  }
0x197: {  	[tilespmem:s23], [sflag:$0x3] =	stream.indirect.gather [hbm4b:s4+s19], $0x40, s3, s19, $0xb8;
	[tilespmem:$0x19000] =	vst v63  }
0x198: {  	_ =	swait.ge [sflag:s26], $0x1000  }
0x199: {  	[sflag:s26] =	ssyncset.done $0x0  }
0x19a: {  	s3 =	sadd.s32 $0x2C0, s18;
	[sflag:s26] =	ssyncadd.s32 $0xFFFFF000  }
0x19b: {  	[tilespmem:s25], [sflag:$0x4] =	stream.indirect.gather [hbm4b:s4+s19], $0x40, s3, s19, $0xb8;
	[tilespmem:$0x19000] =	vst v63  }
0x19c: {  	_ =	swait.ge [sflag:s15], $0x1000  }
0x19d: {  	[sflag:s15] =	ssyncset.done $0x0  }
0x19e: {  	s3 =	sadd.s32 $0x2900, s18;
	[sflag:s15] =	ssyncadd.s32 $0xFFFFF000  }
0x19f: {  	[spmem:s2] =	stream.indirect.scatter.add.f32 [tilespmem:s28], [sflag:$0xD], $0x40, s3, s19, $0xb8;
	[tilespmem:$0x19000] =	vst v63  }
0x1a0: {  	_ =	swait.ge [sflag:s29], $0x1000  }
0x1a1: {  	[sflag:s29] =	ssyncset.done $0x0  }
0x1a2: {  	s3 =	sadd.s32 $0x2940, s18;
	[sflag:s29] =	ssyncadd.s32 $0xFFFFF000  }
0x1a3: {  	[spmem:s2] =	stream.indirect.scatter.add.f32 [tilespmem:s30], [sflag:$0xE], $0x40, s3, s19, $0xb8;
	[tilespmem:$0x19000] =	vst v63  }
0x1a4: {  	_ =	swait.ge [sflag:s31], $0x1000  }
0x1a5: {  	[sflag:s31] =	ssyncset.done $0x0  }
0x1a6: {  	s3 =	sadd.s32 $0x2980, s18;
	[sflag:s31] =	ssyncadd.s32 $0xFFFFF000  }
0x1a7: {  	[spmem:s2] =	stream.indirect.scatter.add.f32 [tilespmem:s1], [sflag:$0xF], $0x40, s3, s19, $0xb8;
	[tilespmem:$0x19000] =	vst v63  }
0x1a8: {  	_ =	swait.ge [sflag:s16], $0x1000  }
0x1a9: {  	[sflag:s16] =	ssyncset.done $0x0  }
0x1aa: {  	s3 =	sadd.s32 $0x29C0, s18;
	[sflag:s16] =	ssyncadd.s32 $0xFFFFF000  }
0x1ab: {  	[spmem:s2] =	stream.indirect.scatter.add.f32 [tilespmem:s0], [sflag:$0x10], $0x40, s3, s19, $0xb8;
	[tilespmem:$0x19000] =	vst v63  }
0x1ac: {  	_ =	swait.ge [sflag:s8], $0x1000  }
0x1ad: {  	[sflag:s8] =	ssyncset.done $0x0  }
0x1ae: {  	s3 =	sadd.s32 $0x300, s18;
	[sflag:s8] =	ssyncadd.s32 $0xFFFFF000  }
0x1af: {  	[tilespmem:s28], [sflag:$0x5] =	stream.indirect.gather [hbm4b:s4+s19], $0x40, s3, s19, $0xb8;
	[tilespmem:$0x19000] =	vst v63  }
0x1b0: {  	_ =	swait.ge [sflag:s9], $0x1000  }
0x1b1: {  	[sflag:s9] =	ssyncset.done $0x0  }
0x1b2: {  	s3 =	sadd.s32 $0x340, s18;
	[sflag:s9] =	ssyncadd.s32 $0xFFFFF000  }
0x1b3: {  	[tilespmem:s30], [sflag:$0x6] =	stream.indirect.gather [hbm4b:s4+s19], $0x40, s3, s19, $0xb8;
	[tilespmem:$0x19000] =	vst v63  }
0x1b4: {  	_ =	swait.ge [sflag:s10], $0x1000  }
0x1b5: {  	[sflag:s10] =	ssyncset.done $0x0  }
.Ltmp2:
0x1b6: {  	s3 =	sadd.s32 $0x380, s18;
	[sflag:s10] =	ssyncadd.s32 $0xFFFFF000;
	(pc) =	sbr.rel @p0 .LBB2_6-.Ltmp2, $4  }
0x1b7: {  	[tilespmem:s1], [sflag:$0x7] =	stream.indirect.gather [hbm4b:s4+s19], $0x40, s3, s19, $0xb8;
	[tilespmem:$0x19000] =	vst v63  }
0x1b8: {  	_ =	swait.ge [sflag:s11], $0x1000  }
0x1b9: {  	[sflag:s11] =	ssyncset.done $0x0  }
0x1ba: {  	s18 =	sadd.s32 $0x3C0, s18;
	[sflag:s11] =	ssyncadd.s32 $0xFFFFF000  }
0x1bb: {  	[tilespmem:s0], [sflag:$0x8] =	stream.indirect.gather [hbm4b:s4+s19], $0x40, s18, s19, $0xb8;
	[tilespmem:$0x19000] =	vst v63  }
0x1bc: {  	_ =	swait.ge [sflag:s5], $0x1000  }
0x1bd: {  	[sflag:s5] =	ssyncset.done $0x0  }
0x1be: {  	s3 =	simm.s32 $0x4E00;
	[sflag:s5] =	ssyncadd.s32 $0xFFFFF000  }
0x1bf: {  	[spmem:s2] =	stream.indirect.scatter.add.f32 [tilespmem:s20], [sflag:$0x9], $0x40, s3, s19, $0xb8;
	[tilespmem:$0x19000] =	vst v63  }
0x1c0: {  	_ =	swait.ge [sflag:s7], $0x1000  }
0x1c1: {  	[sflag:s7] =	ssyncset.done $0x0  }
0x1c2: {  	s18 =	simm.s32 $0x4E40;
	[sflag:s7] =	ssyncadd.s32 $0xFFFFF000  }
0x1c3: {  	[spmem:s2] =	stream.indirect.scatter.add.f32 [tilespmem:s21], [sflag:$0xA], $0x40, s18, s19, $0xb8;
	[tilespmem:$0x19000] =	vst v63  }
0x1c4: {  	_ =	swait.ge [sflag:s22], $0x1000  }
0x1c5: {  	[sflag:s22] =	ssyncset.done $0x0  }
0x1c6: {  	s6 =	simm.s32 $0x4E80;
	[sflag:s22] =	ssyncadd.s32 $0xFFFFF000  }
0x1c7: {  	[spmem:s2] =	stream.indirect.scatter.add.f32 [tilespmem:s23], [sflag:$0xB], $0x40, s6, s19, $0xb8;
	[tilespmem:$0x19000] =	vst v63  }
0x1c8: {  	_ =	swait.ge [sflag:s12], $0x1000  }
0x1c9: {  	[sflag:s12] =	ssyncset.done $0x0  }
0x1ca: {  	s18 =	simm.s32 $0x4EC0;
	[sflag:s12] =	ssyncadd.s32 $0xFFFFF000  }
0x1cb: {  	[spmem:s2] =	stream.indirect.scatter.add.f32 [tilespmem:s25], [sflag:$0xC], $0x40, s18, s19, $0xb8;
	[tilespmem:$0x19000] =	vst v63  }
0x1cc: {  	_ =	swait.ge [sflag:s15], $0x1000  }
0x1cd: {  	[sflag:s15] =	ssyncset.done $0x0  }
0x1ce: {  	s6 =	simm.s32 $0x4F00;
	[sflag:s15] =	ssyncadd.s32 $0xFFFFF000  }
0x1cf: {  	[spmem:s2] =	stream.indirect.scatter.add.f32 [tilespmem:s28], [sflag:$0xD], $0x40, s6, s19, $0xb8;
	[tilespmem:$0x19000] =	vst v63  }
0x1d0: {  	_ =	swait.ge [sflag:s29], $0x1000  }
0x1d1: {  	[sflag:s29] =	ssyncset.done $0x0  }
0x1d2: {  	s18 =	simm.s32 $0x4F40;
	[sflag:s29] =	ssyncadd.s32 $0xFFFFF000  }
0x1d3: {  	[spmem:s2] =	stream.indirect.scatter.add.f32 [tilespmem:s30], [sflag:$0xE], $0x40, s18, s19, $0xb8;
	[tilespmem:$0x19000] =	vst v63  }
0x1d4: {  	_ =	swait.ge [sflag:s31], $0x1000  }
0x1d5: {  	[sflag:s31] =	ssyncset.done $0x0  }
0x1d6: {  	s6 =	simm.s32 $0x4F80;
	[sflag:s31] =	ssyncadd.s32 $0xFFFFF000  }
0x1d7: {  	[spmem:s2] =	stream.indirect.scatter.add.f32 [tilespmem:s1], [sflag:$0xF], $0x40, s6, s19, $0xb8;
	[tilespmem:$0x19000] =	vst v63  }
0x1d8: {  	_ =	swait.ge [sflag:s16], $0x1000  }
0x1d9: {  	[sflag:s16] =	ssyncset.done $0x0  }
0x1da: {  	s18 =	simm.s32 $0x4FC0;
	[sflag:s16] =	ssyncadd.s32 $0xFFFFF000  }
0x1db: {  	[spmem:s2] =	stream.indirect.scatter.add.f32 [tilespmem:s0], [sflag:$0x10], $0x40, s18, s19, $0xb8;
	[tilespmem:$0x19000] =	vst v63  }
0x1dc: {  	_ =	swait.ge [sflag:s24], $0x1000  }
0x1dd: {  	[sflag:s24] =	ssyncset.done $0x0  }
0x1de: {  	[sflag:s24] =	ssyncadd.s32 $0xFFFFF000  }
0x1df: {  	_ =	swait.ge [sflag:s13], $0x1000  }
0x1e0: {  	[sflag:s13] =	ssyncset.done $0x0  }
0x1e1: {  	[sflag:s13] =	ssyncadd.s32 $0xFFFFF000  }
0x1e2: {  	_ =	swait.ge [sflag:s14], $0x1000  }
0x1e3: {  	[sflag:s14] =	ssyncset.done $0x0  }
0x1e4: {  	[sflag:s14] =	ssyncadd.s32 $0xFFFFF000  }
0x1e5: {  	_ =	swait.ge [sflag:s26], $0x1000  }
0x1e6: {  	[sflag:s26] =	ssyncset.done $0x0  }
0x1e7: {  	[sflag:s26] =	ssyncadd.s32 $0xFFFFF000  }
0x1e8: {  	_ =	swait.ge [sflag:s8], $0x1000  }
0x1e9: {  	[sflag:s8] =	ssyncset.done $0x0  }
0x1ea: {  	[sflag:s8] =	ssyncadd.s32 $0xFFFFF000  }
0x1eb: {  	_ =	swait.ge [sflag:s9], $0x1000  }
0x1ec: {  	[sflag:s9] =	ssyncset.done $0x0  }
0x1ed: {  	[sflag:s9] =	ssyncadd.s32 $0xFFFFF000  }
0x1ee: {  	_ =	swait.ge [sflag:s10], $0x1000  }
0x1ef: {  	[sflag:s10] =	ssyncset.done $0x0  }
0x1f0: {  	[sflag:s10] =	ssyncadd.s32 $0xFFFFF000  }
0x1f1: {  	_ =	swait.ge [sflag:s11], $0x1000  }
0x1f2: {  	[sflag:s11] =	ssyncset.done $0x0  }
0x1f3: {  	[sflag:s11] =	ssyncadd.s32 $0xFFFFF000  }
0x1f4: {  	[bflag:$0x0] =	sbarrier.arrive $0xFFFF  }
0x1f5: {  	s3 =	rddreg [dreg:$0xd]  }
0x1f6: {  	s6 =	rddreg [dreg:$0xf]  }
0x1f7: {  	s18 =	rddreg [dreg:$0x10]  }
0x1f8: {  	[hbm:s3@s11], [sflag:s6] =	dma.strided [spmem:s18@s16], $0x1400, s5, $0x8   }
0x1f9: {  	_ =	swait.ge [sflag:s17], $0x1400  }
0x1fa: {  	s3 =	rddreg [dreg:$0x3]  }
0x1fb: {  	s6 =	rddreg [dreg:$0xe];
	s18 =	sadd.s32 $0x1, s3  }
0x1fc: {  	p0 =	sne.s32 s18, s6  }
.Ltmp3:
0x1fd: {  	_ = 	snop;
	(pc) =	sbr.rel @p0 .LBB2_1-.Ltmp3, $3  }
0x1fe: {  	_ =	sdelay $0x1  }
0x1ff: {  	[sflag:s17] =	ssyncset.done $0x0  }
0x200: {  	[sflag:s17] =	ssyncadd.s32 $0xFFFFEC00  }
0x201: {  	_ =	sfence.sel $0x180000  }
0x202: {  	[bflag:$0x0] =	sbarrier.arrive $0xFFFF  }
0x203: {  	_ =	strace $0x9000004D  }
0x204: {  	s0 =	stileid.u32;
	[bflag:$0x2] =	sbarrier.arrive $0xFFFF  }
0x205: {  	p0 =	sne.s32 s0, $0x0;
	s0 =	rddreg [dreg:$0x2]  }
0x206: {  	s0 =	sadd.s32 @!p0 $0x100000, s0  }
0x207: {  	[sflag:s0] =	ssyncadd.tile.s32 @!p0 $0x1;
	_ =	shalt  }
.Lfunc_end2:
_tile_overlayer_lowered:
.L_overlay_start_2:
0x208: {  	(tag) =	ssettag $0x2  }
0x209: {  	s0 =	rddreg [dreg:$0x0];
	s2 =	stileid.u32  }
0x20a: {  	s1 =	rddreg [dreg:$0x1];
	p0 =	sne.s32 s2, $0x0  }
0x20b: {  	s3 =	rddreg [dreg:$0x2];
	[bflag:$0x3] =	sbarrier.arrive $0xFFFF;
	s2 =	simm.s32 @!p0 $0x1C11  }
0x20c: {  	[timem:s3], [sflag:s2] =	dma.local @!p0 [hbm:s0], s1  }
0x20d: {  	s0 =	simm.s32 @!p0 $0x11  }
0x20e: {  	_ =	swait.ge @!p0 [sflag:s0], s1  }
0x20f: {  	s1 =	ssub.s32 @!p0 $0x0, s1;
	[sflag:s0] =	ssyncset.done @!p0 $0x0  }
0x210: {  	[sflag:s0] =	ssyncadd.s32 @!p0 s1  }
0x211: {  	[bflag:$0x3] =	sbarrier.arrive $0xFFFF  }
0x212: {  	_ =	shalt  }

</sc_bundles>
